<compile_context>
chip_gen: v7x
topology: tpu7x:2x2x1
jax: 0.10.2.dev20260603
libtpu: 0.0.44.dev20260713+nightly
codegen_flags: <defaults>
</compile_context>

<pallas_src>
import functools

import jax
import jax.numpy as jnp
from jax import lax
from jax.experimental import pallas as pl
from jax.experimental.pallas import tpu as pltpu
from jax.experimental.pallas import tpu_sc as plsc

NC = 2
NS = 16
NW = NC * NS
LK = 16
K = 80

F32 = jnp.float32


def _wid(cid, sid):
    return cid * NS + sid


def _make_sc_deg(n_nodes, chunks):
    mesh = plsc.VectorSubcoreMesh(core_axis_name="c", subcore_axis_name="s")

    @functools.partial(
        pl.kernel,
        out_type=jax.ShapeDtypeStruct((NW, n_nodes), F32),
        mesh=mesh,
        compiler_params=pltpu.CompilerParams(needs_layout_passes=False),
        scratch_types=[
            pltpu.VMEM((chunks, K), jnp.int32),
            pltpu.VMEM((n_nodes,), F32),
        ],
    )
    def sc_deg(row_hbm, deg_out, rbuf, degbuf):
        cid = lax.axis_index("c")
        sid = lax.axis_index("s")
        wid = _wid(cid, sid)
        pltpu.sync_copy(row_hbm.at[wid], rbuf)

        zero16 = jnp.zeros((LK,), F32)
        ones16 = jnp.ones((LK,), F32)

        def zero_body(i, _):
            degbuf[pl.ds(i * LK, LK)] = zero16
            return 0

        lax.fori_loop(0, n_nodes // LK, zero_body, 0)

        def chunk_body(c, _):
            def lane_body(j, _):
                idx = rbuf[c, pl.ds(j * LK, LK)]
                plsc.addupdate_scatter(degbuf, [idx], ones16)
                return 0

            lax.fori_loop(0, K // LK, lane_body, 0)
            return 0

        lax.fori_loop(0, chunks, chunk_body, 0)
        pltpu.sync_copy(degbuf, deg_out.at[wid])

    return sc_deg


def _make_sc_spmm_b(n_nodes, chunks, d, kk):
    mesh = plsc.VectorSubcoreMesh(core_axis_name="c", subcore_axis_name="s")
    npt = n_nodes // NS
    assert npt % kk == 0 and chunks % 2 == 0
    half = chunks // 2
    assert half % 2 == 0 and half % 8 == 0

    @functools.partial(
        pl.kernel,
        out_type=jax.ShapeDtypeStruct((NC, n_nodes, d), F32),
        mesh=mesh,
        compiler_params=pltpu.CompilerParams(needs_layout_passes=False),
        scratch_types=[
            pltpu.VMEM((half, kk), jnp.int32),
            pltpu.VMEM((half, kk), jnp.int32),
            pltpu.VMEM((kk, d), F32),
            pltpu.VMEM((kk, d), F32),
            pltpu.VMEM_SHARED((n_nodes, d), F32),
            pltpu.SemaphoreType.DMA,
            pltpu.SemaphoreType.DMA,
        ],
    )
    def sc_spmm(row_hbm, col_hbm, xs_hbm, zt_out,
                rbuf, cbuf, gbuf0, gbuf1, zsh, sem0, sem1):
        cid = lax.axis_index("c")
        sid = lax.axis_index("s")
        wid = _wid(cid, sid)

        zero16 = jnp.zeros((LK,), F32)

        def zero_zb(i, _):
            def zlane(j, _):
                gbuf0[i, pl.ds(j * LK, LK)] = zero16
                return 0
            lax.fori_loop(0, d // LK, zlane, 0)
            return 0

        lax.fori_loop(0, kk, zero_zb, 0)

        def zero_stripe(k_, _):
            pltpu.sync_copy(gbuf0, zsh.at[pl.ds(sid * npt + k_ * kk, kk)])
            return 0

        lax.fori_loop(0, npt // kk, zero_stripe, 0)
        plsc.subcore_barrier()

        def g_issue(c, buf, sem_):
            pltpu.async_copy(xs_hbm.at[cbuf.at[c]], buf, sem_)

        def g_wait(c, buf, sem_):
            pltpu.make_async_copy(xs_hbm.at[cbuf.at[c]], buf, sem_).wait()

        def s_add(c, buf):
            pltpu.sync_copy(buf, zsh.at[rbuf.at[c]], add=True)

        def do_half(hf, _):
            pltpu.sync_copy(row_hbm.at[wid].at[pl.ds(hf * half, half)], rbuf)
            pltpu.sync_copy(col_hbm.at[wid].at[pl.ds(hf * half, half)], cbuf)
            g_issue(0, gbuf0, sem0)

            def pair(i, _):
                c0 = 2 * i
                g_issue(c0 + 1, gbuf1, sem1)
                g_wait(c0, gbuf0, sem0)
                s_add(c0, gbuf0)

                @pl.when(c0 + 2 < half)
                def _():
                    g_issue(c0 + 2, gbuf0, sem0)

                g_wait(c0 + 1, gbuf1, sem1)
                s_add(c0 + 1, gbuf1)
                return 0

            lax.fori_loop(0, half // 2, pair, 0)
            return 0

        lax.fori_loop(0, 2, do_half, 0)
        plsc.subcore_barrier()

        pltpu.sync_copy(zsh.at[pl.ds(sid * npt, npt)],
                        zt_out.at[cid].at[pl.ds(sid * npt, npt)])

    return sc_spmm


def _make_sc_st(n_nodes, chunks):
    mesh = plsc.VectorSubcoreMesh(core_axis_name="c", subcore_axis_name="s")

    @functools.partial(
        pl.kernel,
        out_type=jax.ShapeDtypeStruct((NW, n_nodes), F32),
        mesh=mesh,
        compiler_params=pltpu.CompilerParams(needs_layout_passes=False),
        scratch_types=[
            pltpu.VMEM((chunks, K), jnp.int32),
            pltpu.VMEM((chunks, K), jnp.int32),
            pltpu.VMEM((n_nodes,), F32),
            pltpu.VMEM((n_nodes,), F32),
        ],
    )
    def sc_st(row_hbm, col_hbm, dis_hbm, st_out, rbuf, cbuf, disbuf, sbuf):
        cid = lax.axis_index("c")
        sid = lax.axis_index("s")
        wid = _wid(cid, sid)
        pltpu.sync_copy(row_hbm.at[wid], rbuf)
        pltpu.sync_copy(col_hbm.at[wid], cbuf)
        pltpu.sync_copy(dis_hbm, disbuf)

        zero16 = jnp.zeros((LK,), F32)

        def zero_s(i, _):
            sbuf[pl.ds(i * LK, LK)] = zero16
            return 0

        lax.fori_loop(0, n_nodes // LK, zero_s, 0)

        def chunk_body(c, _):
            def lane_body(j, _):
                cidx = cbuf[c, pl.ds(j * LK, LK)]
                vals = plsc.load_gather(disbuf, [cidx])
                ridx = rbuf[c, pl.ds(j * LK, LK)]
                plsc.addupdate_scatter(sbuf, [ridx], vals)
                return 0

            lax.fori_loop(0, K // LK, lane_body, 0)
            return 0

        lax.fori_loop(0, chunks, chunk_body, 0)
        pltpu.sync_copy(sbuf, st_out.at[wid])

    return sc_st


def _make_sc_spmm_c(n_nodes, chunks, d, slabs, kk):
    mesh = plsc.VectorSubcoreMesh(core_axis_name="c", subcore_axis_name="s")
    npt = n_nodes // NS
    assert npt % kk == 0 and chunks % 2 == 0
    half = chunks // 2
    assert half % 2 == 0 and half % 8 == 0

    @functools.partial(
        pl.kernel,
        out_type=jax.ShapeDtypeStruct((NC, slabs, n_nodes, d), F32),
        mesh=mesh,
        compiler_params=pltpu.CompilerParams(needs_layout_passes=False),
        scratch_types=[
            pltpu.VMEM((half, kk), jnp.int32),
            pltpu.VMEM((half, kk), jnp.int32),
            pltpu.VMEM((kk, d), F32),
            pltpu.VMEM((kk, d), F32),
            pltpu.VMEM_SHARED((n_nodes, d), F32),
            pltpu.SemaphoreType.DMA,
            pltpu.SemaphoreType.DMA,
        ],
    )
    def sc_spmm_c(row_hbm, col_hbm, y_hbm, o_out,
                  rbuf, cbuf, gbuf0, gbuf1, zsh, sem0, sem1):
        cid = lax.axis_index("c")
        sid = lax.axis_index("s")
        wid = _wid(cid, sid)

        zero16 = jnp.zeros((LK,), F32)

        def zero_zb(i, _):
            def zlane(j, _):
                gbuf0[i, pl.ds(j * LK, LK)] = zero16
                return 0
            lax.fori_loop(0, d // LK, zlane, 0)
            return 0

        lax.fori_loop(0, kk, zero_zb, 0)

        def zero_stripe(k_, _):
            pltpu.sync_copy(gbuf0, zsh.at[pl.ds(sid * npt + k_ * kk, kk)])
            return 0

        lax.fori_loop(0, npt // kk, zero_stripe, 0)
        plsc.subcore_barrier()

        def slab_body(s, _):
            ysl = y_hbm.at[s]

            def g_issue(c, buf, sem_):
                pltpu.async_copy(ysl.at[cbuf.at[c]], buf, sem_)

            def g_wait(c, buf, sem_):
                pltpu.make_async_copy(ysl.at[cbuf.at[c]], buf, sem_).wait()

            def s_add(c, buf):
                pltpu.sync_copy(buf, zsh.at[rbuf.at[c]], add=True)

            def do_half(hf, _):
                pltpu.sync_copy(row_hbm.at[wid].at[pl.ds(hf * half, half)], rbuf)
                pltpu.sync_copy(col_hbm.at[wid].at[pl.ds(hf * half, half)], cbuf)
                g_issue(0, gbuf0, sem0)

                def pair(i, _):
                    c0 = 2 * i
                    g_issue(c0 + 1, gbuf1, sem1)
                    g_wait(c0, gbuf0, sem0)
                    s_add(c0, gbuf0)

                    @pl.when(c0 + 2 < half)
                    def _():
                        g_issue(c0 + 2, gbuf0, sem0)

                    g_wait(c0 + 1, gbuf1, sem1)
                    s_add(c0 + 1, gbuf1)
                    return 0

                lax.fori_loop(0, half // 2, pair, 0)
                return 0

            lax.fori_loop(0, 2, do_half, 0)
            plsc.subcore_barrier()
            pltpu.sync_copy(zsh.at[pl.ds(sid * npt, npt)],
                            o_out.at[cid].at[s].at[pl.ds(sid * npt, npt)])
            plsc.subcore_barrier()
            return 0

        lax.fori_loop(0, slabs, slab_body, 0)

    return sc_spmm_c


def _tc1_body(degp_ref, x_ref, dis_ref, xs_ref):
    n, d = x_ref.shape
    npad = xs_ref.shape[0]
    deg = jnp.sum(degp_ref[...], axis=0)
    dis = jnp.where(deg > 0.0, lax.rsqrt(deg), 0.0)
    dis_ref[...] = dis[:, None]
    xs_ref[0:n, :] = dis[0:n, None] * x_ref[...]
    xs_ref[n:npad, :] = jnp.zeros((npad - n, d), F32)


def _tc2_body(zt_ref, st_ref, dis_ref, w1_ref, b1_ref, w2_ref, b2_ref, y_ref):
    nb = dis_ref.shape[0]
    i = pl.program_id(0)
    dis = dis_ref[...]
    z = (zt_ref[0] + zt_ref[1]) * dis
    st = st_ref[:, pl.ds(i * nb, nb)]
    s = jnp.sum(st, axis=0)[:, None] * dis
    h1 = jnp.maximum(
        jnp.dot(z, w1_ref[...], preferred_element_type=F32)
        + s * b1_ref[...], 0.0)
    slabs = y_ref.shape[0]
    d = y_ref.shape[2]
    for k in range(slabs):
        yk = (jnp.dot(h1, w2_ref[:, k * d:(k + 1) * d],
                      preferred_element_type=F32)
              + b2_ref[:, k * d:(k + 1) * d]) * dis
        y_ref[k] = yk


def _tc3_body(o_ref, dis_ref, out_ref):
    dis = dis_ref[...]
    cum = o_ref[0] + o_ref[1]
    slabs = cum.shape[0]
    d = cum.shape[2]
    for k in range(slabs):
        acc = cum[k] if k == 0 else cum[k] - cum[k - 1]
        out_ref[:, k * d:(k + 1) * d] = jnp.maximum(acc * dis, 0.0)


def kernel(x, edge_index, W1, b1, W2, b2):
    n, d = x.shape
    h = W1.shape[1]
    e = edge_index.shape[1]
    slabs = h // d
    chunks = e // (NW * K)
    assert e == NW * chunks * K
    npad = -(-n // (NS * 128)) * (NS * 128)
    assert n % 8 == 0

    kk = 128
    epad = -(-e // (NW * kk * 4)) * (NW * kk * 4)
    chunks2 = epad // (NW * kk)
    assert npad > n or epad == e
    pad_edge = n + (jnp.arange(epad - e, dtype=jnp.int32) % (npad - n))

    row = edge_index[0].reshape(NW, chunks, K)
    col = edge_index[1].reshape(NW, chunks, K)
    row2 = jnp.concatenate([edge_index[0], pad_edge]).reshape(NW, chunks2, kk)
    col2 = jnp.concatenate([edge_index[1], pad_edge]).reshape(NW, chunks2, kk)

    degp = _make_sc_deg(npad, chunks)(row)

    dis2, xs = pl.pallas_call(
        _tc1_body,
        out_shape=[
            jax.ShapeDtypeStruct((npad, 1), F32),
            jax.ShapeDtypeStruct((npad, d), F32),
        ],
    )(degp, x)

    zt = _make_sc_spmm_b(npad, chunks2, d, kk)(row2, col2, xs)
    st = _make_sc_st(npad, chunks)(row, col, dis2.reshape(npad))

    nb = 1024
    grid = npad // nb
    y = pl.pallas_call(
        _tc2_body,
        grid=(grid,),
        in_specs=[
            pl.BlockSpec((NC, nb, d), lambda i: (0, i, 0)),
            pl.BlockSpec((NW, npad), lambda i: (0, 0)),
            pl.BlockSpec((nb, 1), lambda i: (i, 0)),
            pl.BlockSpec((d, h), lambda i: (0, 0)),
            pl.BlockSpec((1, h), lambda i: (0, 0)),
            pl.BlockSpec((h, h), lambda i: (0, 0)),
            pl.BlockSpec((1, h), lambda i: (0, 0)),
        ],
        out_specs=pl.BlockSpec((slabs, nb, d), lambda i: (0, i, 0)),
        out_shape=jax.ShapeDtypeStruct((slabs, npad, d), F32),
    )(zt, st, dis2, W1, b1.reshape(1, h), W2, b2.reshape(1, h))

    o = _make_sc_spmm_c(npad, chunks2, d, slabs, kk)(row2, col2, y)

    nb3 = 1000
    grid3 = n // nb3
    out = pl.pallas_call(
        _tc3_body,
        grid=(grid3,),
        in_specs=[
            pl.BlockSpec((NC, slabs, nb3, d), lambda i: (0, 0, i, 0)),
            pl.BlockSpec((nb3, 1), lambda i: (i, 0)),
        ],
        out_specs=pl.BlockSpec((nb3, h), lambda i: (i, 0)),
        out_shape=jax.ShapeDtypeStruct((n, h), F32),
    )(o, dis2)

    return out

# --- scband reference (transcript-rebuilt; emitter-appended) ---
"""Pipeline reference for scband-gcn-83253646065702 (READ-ONLY COPY).

The authoritative reference and input builder live on the scoring server;
editing this copy changes nothing except your own understanding.
"""

import jax, jax.numpy as jnp
import numpy as np

N = 10000
E = 320000
D = 128
H = 1024


def setup_inputs(seed: int = 0) -> dict:
    key = jax.random.key(seed)
    ks = jax.random.split(key, 6)
    x = jax.random.normal(ks[0], (N, D), dtype=jnp.float32)
    edge_index = jax.random.randint(ks[1], (2, E), 0, N, dtype=jnp.int32)
    W1 = jax.random.normal(ks[2], (D, H), dtype=jnp.float32) * (1.0 / np.sqrt(D))
    b1 = jnp.zeros((H,), dtype=jnp.float32)
    W2 = jax.random.normal(ks[3], (H, H), dtype=jnp.float32) * (1.0 / np.sqrt(H))
    b2 = jnp.zeros((H,), dtype=jnp.float32)
    return {"x": x, "edge_index": edge_index, "W1": W1, "b1": b1, "W2": W2, "b2": b2}


def gcn_conv(x, edge_index, W, b):
    num_nodes = x.shape[0]
    row = edge_index[0]
    col = edge_index[1]
    # degree via scatter-add of ones onto row indices
    deg = jax.ops.segment_sum(jnp.ones_like(row, dtype=x.dtype), row, num_segments=num_nodes)
    deg_inv_sqrt = jnp.where(deg > 0, deg ** -0.5, 0.0)
    edge_weight = deg_inv_sqrt[row] * deg_inv_sqrt[col]
    h = x @ W + b
    # sparse.mm(adj, h): out[row] += edge_weight * h[col]  (gather + scatter-add)
    out = jax.ops.segment_sum(edge_weight[:, None] * h[col], row, num_segments=num_nodes)
    return out


def reference(x, edge_index, W1, b1, W2, b2):
    h1 = jax.nn.relu(gcn_conv(x, edge_index, W1, b1))
    out = jax.nn.relu(gcn_conv(h1, edge_index, W2, b2))
    return out

if __name__ == "__main__":
    import jax
    _d = setup_inputs()
    print(jax.jit(kernel)(*tuple(_d.values())))

</pallas_src>

<mosaic_0001>
#map = affine_map<(d0, d1) -> (0, 0, 0)>
#map1 = affine_map<(d0, d1) -> (0)>
#map2 = affine_map<(d0, d1) -> (0, 0)>
module attributes {stable_mosaic.version = 14 : i64} {
  func.func @sc_st(%arg0: i32, %arg1: i32, %arg2: memref<32x125x80xi32, #tpu.memory_space<hbm>>, %arg3: memref<32x125x80xi32, #tpu.memory_space<hbm>>, %arg4: memref<10240xf32, #tpu.memory_space<hbm>>, %arg5: memref<32x10240xf32, #tpu.memory_space<hbm>>, %arg6: memref<125x80xi32, #tpu.memory_space<vmem>>, %arg7: memref<125x80xi32, #tpu.memory_space<vmem>>, %arg8: memref<10240xf32, #tpu.memory_space<vmem>>, %arg9: memref<10240xf32, #tpu.memory_space<vmem>>) attributes {dimension_semantics = [#tpu.dimension_semantics<core_parallel>, #tpu.dimension_semantics<subcore_parallel>], iteration_bounds = array<i64: 2, 16>, scalar_prefetch = 0 : i64, scratch_operands = 4 : i64, tpu.core_type = #tpu.core_type<sc_vector_subcore>, window_params = [{transform_indices = #map}, {transform_indices = #map}, {transform_indices = #map1}, {transform_indices = #map2}]} {
    %mul3A = arith.constant 16 : i32
    %mul3A_0 = arith.muli %arg0, %mul3A : i32
    %add3A = arith.addi %mul3A_0, %arg1 : i32
    "tpu.region"() ({
      %run_scoped3A = tpu.sem_alloc : memref<!tpu.dma_semaphore, #tpu.memory_space<semaphore_mem>>
      %dma_start3A = arith.constant 0 : i32
      %dma_start3A_15 = arith.constant 0 : i32
      %dma_start3A_16 = tpu.memref_slice %arg2[%add3A, %dma_start3A, %dma_start3A_15] : memref<32x125x80xi32, #tpu.memory_space<hbm>> -> memref<1x125x80xi32, #tpu.memory_space<hbm>>
      %dma_start3A_17 = tpu.memref_squeeze %dma_start3A_16 : memref<1x125x80xi32, #tpu.memory_space<hbm>> -> memref<125x80xi32, #tpu.memory_space<hbm>>
      %dma_start3A_18 = arith.constant 0 : i32
      %dma_start3A_19 = arith.constant 0 : i32
      %dma_start3A_20 = tpu.memref_slice %arg2[%add3A, %dma_start3A_18, %dma_start3A_19] : memref<32x125x80xi32, #tpu.memory_space<hbm>> -> memref<1x125x80xi32, #tpu.memory_space<hbm>>
      %dma_start3A_21 = tpu.memref_squeeze %dma_start3A_20 : memref<1x125x80xi32, #tpu.memory_space<hbm>> -> memref<125x80xi32, #tpu.memory_space<hbm>>
      tpu.enqueue_dma source(%dma_start3A_21 : memref<125x80xi32, #tpu.memory_space<hbm>>) target(%arg6 : memref<125x80xi32, #tpu.memory_space<vmem>>) target_semaphore(%run_scoped3A : memref<!tpu.dma_semaphore, #tpu.memory_space<semaphore_mem>>)
      %dma_wait3A = arith.constant 0 : i32
      %dma_wait3A_22 = arith.constant 0 : i32
      %dma_wait3A_23 = tpu.memref_slice %arg2[%add3A, %dma_wait3A, %dma_wait3A_22] : memref<32x125x80xi32, #tpu.memory_space<hbm>> -> memref<1x125x80xi32, #tpu.memory_space<hbm>>
      %dma_wait3A_24 = tpu.memref_squeeze %dma_wait3A_23 : memref<1x125x80xi32, #tpu.memory_space<hbm>> -> memref<125x80xi32, #tpu.memory_space<hbm>>
      %dma_wait3A_25 = arith.constant 0 : i32
      %dma_wait3A_26 = arith.constant 0 : i32
      %dma_wait3A_27 = tpu.memref_slice %arg2[%add3A, %dma_wait3A_25, %dma_wait3A_26] : memref<32x125x80xi32, #tpu.memory_space<hbm>> -> memref<1x125x80xi32, #tpu.memory_space<hbm>>
      %dma_wait3A_28 = tpu.memref_squeeze %dma_wait3A_27 : memref<1x125x80xi32, #tpu.memory_space<hbm>> -> memref<125x80xi32, #tpu.memory_space<hbm>>
      tpu.wait_dma2 semaphore(%run_scoped3A : memref<!tpu.dma_semaphore, #tpu.memory_space<semaphore_mem>>) src(%dma_wait3A_28 : memref<125x80xi32, #tpu.memory_space<hbm>>) dst(%arg6 : memref<125x80xi32, #tpu.memory_space<vmem>>)
      tpu.yield
    }) : () -> ()
    "tpu.region"() ({
      %run_scoped3A = tpu.sem_alloc : memref<!tpu.dma_semaphore, #tpu.memory_space<semaphore_mem>>
      %dma_start3A = arith.constant 0 : i32
      %dma_start3A_15 = arith.constant 0 : i32
      %dma_start3A_16 = tpu.memref_slice %arg3[%add3A, %dma_start3A, %dma_start3A_15] : memref<32x125x80xi32, #tpu.memory_space<hbm>> -> memref<1x125x80xi32, #tpu.memory_space<hbm>>
      %dma_start3A_17 = tpu.memref_squeeze %dma_start3A_16 : memref<1x125x80xi32, #tpu.memory_space<hbm>> -> memref<125x80xi32, #tpu.memory_space<hbm>>
      %dma_start3A_18 = arith.constant 0 : i32
      %dma_start3A_19 = arith.constant 0 : i32
      %dma_start3A_20 = tpu.memref_slice %arg3[%add3A, %dma_start3A_18, %dma_start3A_19] : memref<32x125x80xi32, #tpu.memory_space<hbm>> -> memref<1x125x80xi32, #tpu.memory_space<hbm>>
      %dma_start3A_21 = tpu.memref_squeeze %dma_start3A_20 : memref<1x125x80xi32, #tpu.memory_space<hbm>> -> memref<125x80xi32, #tpu.memory_space<hbm>>
      tpu.enqueue_dma source(%dma_start3A_21 : memref<125x80xi32, #tpu.memory_space<hbm>>) target(%arg7 : memref<125x80xi32, #tpu.memory_space<vmem>>) target_semaphore(%run_scoped3A : memref<!tpu.dma_semaphore, #tpu.memory_space<semaphore_mem>>)
      %dma_wait3A = arith.constant 0 : i32
      %dma_wait3A_22 = arith.constant 0 : i32
      %dma_wait3A_23 = tpu.memref_slice %arg3[%add3A, %dma_wait3A, %dma_wait3A_22] : memref<32x125x80xi32, #tpu.memory_space<hbm>> -> memref<1x125x80xi32, #tpu.memory_space<hbm>>
      %dma_wait3A_24 = tpu.memref_squeeze %dma_wait3A_23 : memref<1x125x80xi32, #tpu.memory_space<hbm>> -> memref<125x80xi32, #tpu.memory_space<hbm>>
      %dma_wait3A_25 = arith.constant 0 : i32
      %dma_wait3A_26 = arith.constant 0 : i32
      %dma_wait3A_27 = tpu.memref_slice %arg3[%add3A, %dma_wait3A_25, %dma_wait3A_26] : memref<32x125x80xi32, #tpu.memory_space<hbm>> -> memref<1x125x80xi32, #tpu.memory_space<hbm>>
      %dma_wait3A_28 = tpu.memref_squeeze %dma_wait3A_27 : memref<1x125x80xi32, #tpu.memory_space<hbm>> -> memref<125x80xi32, #tpu.memory_space<hbm>>
      tpu.wait_dma2 semaphore(%run_scoped3A : memref<!tpu.dma_semaphore, #tpu.memory_space<semaphore_mem>>) src(%dma_wait3A_28 : memref<125x80xi32, #tpu.memory_space<hbm>>) dst(%arg7 : memref<125x80xi32, #tpu.memory_space<vmem>>)
      tpu.yield
    }) : () -> ()
    "tpu.region"() ({
      %run_scoped3A = tpu.sem_alloc : memref<!tpu.dma_semaphore, #tpu.memory_space<semaphore_mem>>
      tpu.enqueue_dma source(%arg4 : memref<10240xf32, #tpu.memory_space<hbm>>) target(%arg8 : memref<10240xf32, #tpu.memory_space<vmem>>) target_semaphore(%run_scoped3A : memref<!tpu.dma_semaphore, #tpu.memory_space<semaphore_mem>>)
      tpu.wait_dma2 semaphore(%run_scoped3A : memref<!tpu.dma_semaphore, #tpu.memory_space<semaphore_mem>>) src(%arg4 : memref<10240xf32, #tpu.memory_space<hbm>>) dst(%arg8 : memref<10240xf32, #tpu.memory_space<vmem>>)
      tpu.yield
    }) : () -> ()
    %broadcast_in_dim3A = arith.constant 0.000000e+00 : f32
    %broadcast_in_dim3A_1 = vector.broadcast %broadcast_in_dim3A : f32 to vector<16xf32>
    %scan3A = arith.constant 0 : i32
    %scan3A_2 = arith.constant 0 : i32
    %scan3A_3 = arith.constant 640 : i32
    %scan3A_4 = arith.addi %scan3A_2, %scan3A_3 : i32
    %scan3A_5 = arith.constant 1 : i32
    %scan3A_6 = scf.for %scan3A_15 = %scan3A_2 to %scan3A_4 step %scan3A_5 iter_args(%scan3A_16 = %scan3A) -> (i32)  : i32 {
      %mul3A_17 = arith.constant 16 : i32
      %mul3A_18 = arith.muli %scan3A_15, %mul3A_17 : i32
      %swap3A = arith.index_cast %mul3A_18 : i32 to index
      %swap3A_19 = tpu.vector_load %arg9[%swap3A] {strides = array<i32>} : memref<10240xf32, #tpu.memory_space<vmem>>, vector<16xf32>,
      tpu.vector_store %arg9[%swap3A], %broadcast_in_dim3A_1 {strides = array<i32>} : memref<10240xf32, #tpu.memory_space<vmem>>, vector<16xf32>,
      %scan3A_20 = arith.constant 0 : i32
      scf.yield %scan3A_20 : i32
    }
    %scan3A_7 = arith.constant 640 : i32
    %scan3A_8 = arith.constant 0 : i32
    %scan3A_9 = arith.constant 0 : i32
    %scan3A_10 = arith.constant 125 : i32
    %scan3A_11 = arith.addi %scan3A_9, %scan3A_10 : i32
    %scan3A_12 = arith.constant 1 : i32
    %scan3A_13 = scf.for %scan3A_15 = %scan3A_9 to %scan3A_11 step %scan3A_12 iter_args(%scan3A_16 = %scan3A_8) -> (i32)  : i32 {
      %scan3A_17 = arith.constant 0 : i32
      %scan3A_18 = arith.constant 0 : i32
      %scan3A_19 = arith.constant 5 : i32
      %scan3A_20 = arith.addi %scan3A_18, %scan3A_19 : i32
      %scan3A_21 = arith.constant 1 : i32
      %scan3A_22 = scf.for %scan3A_25 = %scan3A_18 to %scan3A_20 step %scan3A_21 iter_args(%scan3A_26 = %scan3A_17) -> (i32)  : i32 {
        %mul3A_27 = arith.constant 16 : i32
        %mul3A_28 = arith.muli %scan3A_25, %mul3A_27 : i32
        %get3A = arith.index_cast %scan3A_15 : i32 to index
        %get3A_29 = arith.index_cast %mul3A_28 : i32 to index
        %get3A_30 = tpu.vector_load %arg7[%get3A, %get3A_29] {strides = array<i32>} : memref<125x80xi32, #tpu.memory_space<vmem>>, vector<16xi32>,
        %gather3A = tpu.vector_load_idx %arg8[%get3A_30] : memref<10240xf32, #tpu.memory_space<vmem>>[vector<16xi32>], vector<16xf32>,
        %mul3A_31 = arith.constant 16 : i32
        %mul3A_32 = arith.muli %scan3A_25, %mul3A_31 : i32
        %get3A_33 = arith.index_cast %scan3A_15 : i32 to index
        %get3A_34 = arith.index_cast %mul3A_32 : i32 to index
        %get3A_35 = tpu.vector_load %arg6[%get3A_33, %get3A_34] {strides = array<i32>} : memref<125x80xi32, #tpu.memory_space<vmem>>, vector<16xi32>,
        tpu.vector_store_idx %arg9[%get3A_35], %gather3A {add = true} : memref<10240xf32, #tpu.memory_space<vmem>>[vector<16xi32>], vector<16xf32>,
        %scan3A_36 = arith.constant 0 : i32
        scf.yield %scan3A_36 : i32
      }
      %scan3A_23 = arith.constant 5 : i32
      %scan3A_24 = arith.constant 0 : i32
      scf.yield %scan3A_24 : i32
    }
    %scan3A_14 = arith.constant 125 : i32
    "tpu.region"() ({
      %run_scoped3A = tpu.sem_alloc : memref<!tpu.dma_semaphore, #tpu.memory_space<semaphore_mem>>
      %dma_start3A = arith.constant 0 : i32
      %dma_start3A_15 = tpu.memref_slice %arg5[%add3A, %dma_start3A] : memref<32x10240xf32, #tpu.memory_space<hbm>> -> memref<1x10240xf32, #tpu.memory_space<hbm>>
      %dma_start3A_16 = tpu.memref_squeeze %dma_start3A_15 : memref<1x10240xf32, #tpu.memory_space<hbm>> -> memref<10240xf32, #tpu.memory_space<hbm>>
      %dma_start3A_17 = arith.constant 0 : i32
      %dma_start3A_18 = tpu.memref_slice %arg5[%add3A, %dma_start3A_17] : memref<32x10240xf32, #tpu.memory_space<hbm>> -> memref<1x10240xf32, #tpu.memory_space<hbm>>
      %dma_start3A_19 = tpu.memref_squeeze %dma_start3A_18 : memref<1x10240xf32, #tpu.memory_space<hbm>> -> memref<10240xf32, #tpu.memory_space<hbm>>
      tpu.enqueue_dma source(%arg9 : memref<10240xf32, #tpu.memory_space<vmem>>) target(%dma_start3A_19 : memref<10240xf32, #tpu.memory_space<hbm>>) target_semaphore(%run_scoped3A : memref<!tpu.dma_semaphore, #tpu.memory_space<semaphore_mem>>)
      %dma_wait3A = arith.constant 0 : i32
      %dma_wait3A_20 = tpu.memref_slice %arg5[%add3A, %dma_wait3A] : memref<32x10240xf32, #tpu.memory_space<hbm>> -> memref<1x10240xf32, #tpu.memory_space<hbm>>
      %dma_wait3A_21 = tpu.memref_squeeze %dma_wait3A_20 : memref<1x10240xf32, #tpu.memory_space<hbm>> -> memref<10240xf32, #tpu.memory_space<hbm>>
      %dma_wait3A_22 = arith.constant 0 : i32
      %dma_wait3A_23 = tpu.memref_slice %arg5[%add3A, %dma_wait3A_22] : memref<32x10240xf32, #tpu.memory_space<hbm>> -> memref<1x10240xf32, #tpu.memory_space<hbm>>
      %dma_wait3A_24 = tpu.memref_squeeze %dma_wait3A_23 : memref<1x10240xf32, #tpu.memory_space<hbm>> -> memref<10240xf32, #tpu.memory_space<hbm>>
      tpu.wait_dma2 semaphore(%run_scoped3A : memref<!tpu.dma_semaphore, #tpu.memory_space<semaphore_mem>>) src(%arg9 : memref<10240xf32, #tpu.memory_space<vmem>>) dst(%dma_wait3A_24 : memref<10240xf32, #tpu.memory_space<hbm>>)
      tpu.yield
    }) : () -> ()
    return
  }
}

#map = affine_map<(d0, d1) -> (0, 0, 0)>
#map1 = affine_map<(d0, d1) -> (0, 0)>
module attributes {stable_mosaic.version = 14 : i64} {
  func.func @sc_deg(%arg0: i32, %arg1: i32, %arg2: memref<32x125x80xi32, #tpu.memory_space<hbm>>, %arg3: memref<32x10240xf32, #tpu.memory_space<hbm>>, %arg4: memref<125x80xi32, #tpu.memory_space<vmem>>, %arg5: memref<10240xf32, #tpu.memory_space<vmem>>) attributes {dimension_semantics = [#tpu.dimension_semantics<core_parallel>, #tpu.dimension_semantics<subcore_parallel>], iteration_bounds = array<i64: 2, 16>, scalar_prefetch = 0 : i64, scratch_operands = 2 : i64, tpu.core_type = #tpu.core_type<sc_vector_subcore>, window_params = [{transform_indices = #map}, {transform_indices = #map1}]} {
    %mul3A = arith.constant 16 : i32
    %mul3A_0 = arith.muli %arg0, %mul3A : i32
    %add3A = arith.addi %mul3A_0, %arg1 : i32
    "tpu.region"() ({
      %run_scoped3A = tpu.sem_alloc : memref<!tpu.dma_semaphore, #tpu.memory_space<semaphore_mem>>
      %dma_start3A = arith.constant 0 : i32
      %dma_start3A_17 = arith.constant 0 : i32
      %dma_start3A_18 = tpu.memref_slice %arg2[%add3A, %dma_start3A, %dma_start3A_17] : memref<32x125x80xi32, #tpu.memory_space<hbm>> -> memref<1x125x80xi32, #tpu.memory_space<hbm>>
      %dma_start3A_19 = tpu.memref_squeeze %dma_start3A_18 : memref<1x125x80xi32, #tpu.memory_space<hbm>> -> memref<125x80xi32, #tpu.memory_space<hbm>>
      %dma_start3A_20 = arith.constant 0 : i32
      %dma_start3A_21 = arith.constant 0 : i32
      %dma_start3A_22 = tpu.memref_slice %arg2[%add3A, %dma_start3A_20, %dma_start3A_21] : memref<32x125x80xi32, #tpu.memory_space<hbm>> -> memref<1x125x80xi32, #tpu.memory_space<hbm>>
      %dma_start3A_23 = tpu.memref_squeeze %dma_start3A_22 : memref<1x125x80xi32, #tpu.memory_space<hbm>> -> memref<125x80xi32, #tpu.memory_space<hbm>>
      tpu.enqueue_dma source(%dma_start3A_23 : memref<125x80xi32, #tpu.memory_space<hbm>>) target(%arg4 : memref<125x80xi32, #tpu.memory_space<vmem>>) target_semaphore(%run_scoped3A : memref<!tpu.dma_semaphore, #tpu.memory_space<semaphore_mem>>)
      %dma_wait3A = arith.constant 0 : i32
      %dma_wait3A_24 = arith.constant 0 : i32
      %dma_wait3A_25 = tpu.memref_slice %arg2[%add3A, %dma_wait3A, %dma_wait3A_24] : memref<32x125x80xi32, #tpu.memory_space<hbm>> -> memref<1x125x80xi32, #tpu.memory_space<hbm>>
      %dma_wait3A_26 = tpu.memref_squeeze %dma_wait3A_25 : memref<1x125x80xi32, #tpu.memory_space<hbm>> -> memref<125x80xi32, #tpu.memory_space<hbm>>
      %dma_wait3A_27 = arith.constant 0 : i32
      %dma_wait3A_28 = arith.constant 0 : i32
      %dma_wait3A_29 = tpu.memref_slice %arg2[%add3A, %dma_wait3A_27, %dma_wait3A_28] : memref<32x125x80xi32, #tpu.memory_space<hbm>> -> memref<1x125x80xi32, #tpu.memory_space<hbm>>
      %dma_wait3A_30 = tpu.memref_squeeze %dma_wait3A_29 : memref<1x125x80xi32, #tpu.memory_space<hbm>> -> memref<125x80xi32, #tpu.memory_space<hbm>>
      tpu.wait_dma2 semaphore(%run_scoped3A : memref<!tpu.dma_semaphore, #tpu.memory_space<semaphore_mem>>) src(%dma_wait3A_30 : memref<125x80xi32, #tpu.memory_space<hbm>>) dst(%arg4 : memref<125x80xi32, #tpu.memory_space<vmem>>)
      tpu.yield
    }) : () -> ()
    %broadcast_in_dim3A = arith.constant 0.000000e+00 : f32
    %broadcast_in_dim3A_1 = vector.broadcast %broadcast_in_dim3A : f32 to vector<16xf32>
    %broadcast_in_dim3A_2 = arith.constant 1.000000e+00 : f32
    %broadcast_in_dim3A_3 = vector.broadcast %broadcast_in_dim3A_2 : f32 to vector<16xf32>
    %scan3A = arith.constant 0 : i32
    %scan3A_4 = arith.constant 0 : i32
    %scan3A_5 = arith.constant 640 : i32
    %scan3A_6 = arith.addi %scan3A_4, %scan3A_5 : i32
    %scan3A_7 = arith.constant 1 : i32
    %scan3A_8 = scf.for %scan3A_17 = %scan3A_4 to %scan3A_6 step %scan3A_7 iter_args(%scan3A_18 = %scan3A) -> (i32)  : i32 {
      %mul3A_19 = arith.constant 16 : i32
      %mul3A_20 = arith.muli %scan3A_17, %mul3A_19 : i32
      %swap3A = arith.index_cast %mul3A_20 : i32 to index
      %swap3A_21 = tpu.vector_load %arg5[%swap3A] {strides = array<i32>} : memref<10240xf32, #tpu.memory_space<vmem>>, vector<16xf32>,
      tpu.vector_store %arg5[%swap3A], %broadcast_in_dim3A_1 {strides = array<i32>} : memref<10240xf32, #tpu.memory_space<vmem>>, vector<16xf32>,
      %scan3A_22 = arith.constant 0 : i32
      scf.yield %scan3A_22 : i32
    }
    %scan3A_9 = arith.constant 640 : i32
    %scan3A_10 = arith.constant 0 : i32
    %scan3A_11 = arith.constant 0 : i32
    %scan3A_12 = arith.constant 125 : i32
    %scan3A_13 = arith.addi %scan3A_11, %scan3A_12 : i32
    %scan3A_14 = arith.constant 1 : i32
    %scan3A_15 = scf.for %scan3A_17 = %scan3A_11 to %scan3A_13 step %scan3A_14 iter_args(%scan3A_18 = %scan3A_10) -> (i32)  : i32 {
      %scan3A_19 = arith.constant 0 : i32
      %scan3A_20 = arith.constant 0 : i32
      %scan3A_21 = arith.constant 5 : i32
      %scan3A_22 = arith.addi %scan3A_20, %scan3A_21 : i32
      %scan3A_23 = arith.constant 1 : i32
      %scan3A_24 = scf.for %scan3A_27 = %scan3A_20 to %scan3A_22 step %scan3A_23 iter_args(%scan3A_28 = %scan3A_19) -> (i32)  : i32 {
        %mul3A_29 = arith.constant 16 : i32
        %mul3A_30 = arith.muli %scan3A_27, %mul3A_29 : i32
        %get3A = arith.index_cast %scan3A_17 : i32 to index
        %get3A_31 = arith.index_cast %mul3A_30 : i32 to index
        %get3A_32 = tpu.vector_load %arg4[%get3A, %get3A_31] {strides = array<i32>} : memref<125x80xi32, #tpu.memory_space<vmem>>, vector<16xi32>,
        tpu.vector_store_idx %arg5[%get3A_32], %broadcast_in_dim3A_3 {add = true} : memref<10240xf32, #tpu.memory_space<vmem>>[vector<16xi32>], vector<16xf32>,
        %scan3A_33 = arith.constant 0 : i32
        scf.yield %scan3A_33 : i32
      }
      %scan3A_25 = arith.constant 5 : i32
      %scan3A_26 = arith.constant 0 : i32
      scf.yield %scan3A_26 : i32
    }
    %scan3A_16 = arith.constant 125 : i32
    "tpu.region"() ({
      %run_scoped3A = tpu.sem_alloc : memref<!tpu.dma_semaphore, #tpu.memory_space<semaphore_mem>>
      %dma_start3A = arith.constant 0 : i32
      %dma_start3A_17 = tpu.memref_slice %arg3[%add3A, %dma_start3A] : memref<32x10240xf32, #tpu.memory_space<hbm>> -> memref<1x10240xf32, #tpu.memory_space<hbm>>
      %dma_start3A_18 = tpu.memref_squeeze %dma_start3A_17 : memref<1x10240xf32, #tpu.memory_space<hbm>> -> memref<10240xf32, #tpu.memory_space<hbm>>
      %dma_start3A_19 = arith.constant 0 : i32
      %dma_start3A_20 = tpu.memref_slice %arg3[%add3A, %dma_start3A_19] : memref<32x10240xf32, #tpu.memory_space<hbm>> -> memref<1x10240xf32, #tpu.memory_space<hbm>>
      %dma_start3A_21 = tpu.memref_squeeze %dma_start3A_20 : memref<1x10240xf32, #tpu.memory_space<hbm>> -> memref<10240xf32, #tpu.memory_space<hbm>>
      tpu.enqueue_dma source(%arg5 : memref<10240xf32, #tpu.memory_space<vmem>>) target(%dma_start3A_21 : memref<10240xf32, #tpu.memory_space<hbm>>) target_semaphore(%run_scoped3A : memref<!tpu.dma_semaphore, #tpu.memory_space<semaphore_mem>>)
      %dma_wait3A = arith.constant 0 : i32
      %dma_wait3A_22 = tpu.memref_slice %arg3[%add3A, %dma_wait3A] : memref<32x10240xf32, #tpu.memory_space<hbm>> -> memref<1x10240xf32, #tpu.memory_space<hbm>>
      %dma_wait3A_23 = tpu.memref_squeeze %dma_wait3A_22 : memref<1x10240xf32, #tpu.memory_space<hbm>> -> memref<10240xf32, #tpu.memory_space<hbm>>
      %dma_wait3A_24 = arith.constant 0 : i32
      %dma_wait3A_25 = tpu.memref_slice %arg3[%add3A, %dma_wait3A_24] : memref<32x10240xf32, #tpu.memory_space<hbm>> -> memref<1x10240xf32, #tpu.memory_space<hbm>>
      %dma_wait3A_26 = tpu.memref_squeeze %dma_wait3A_25 : memref<1x10240xf32, #tpu.memory_space<hbm>> -> memref<10240xf32, #tpu.memory_space<hbm>>
      tpu.wait_dma2 semaphore(%run_scoped3A : memref<!tpu.dma_semaphore, #tpu.memory_space<semaphore_mem>>) src(%arg5 : memref<10240xf32, #tpu.memory_space<vmem>>) dst(%dma_wait3A_26 : memref<10240xf32, #tpu.memory_space<hbm>>)
      tpu.yield
    }) : () -> ()
    return
  }
}

#map = affine_map<(d0, d1) -> (0, 0, 0)>
#map1 = affine_map<(d0, d1) -> (0, 0)>
module attributes {stable_mosaic.version = 14 : i64} {
  func.func @sc_spmm(%arg0: i32, %arg1: i32, %arg2: memref<32x80x128xi32, #tpu.memory_space<hbm>>, %arg3: memref<32x80x128xi32, #tpu.memory_space<hbm>>, %arg4: memref<10240x128xf32, #tpu.memory_space<hbm>>, %arg5: memref<2x10240x128xf32, #tpu.memory_space<hbm>>, %arg6: memref<40x128xi32, #tpu.memory_space<vmem>>, %arg7: memref<40x128xi32, #tpu.memory_space<vmem>>, %arg8: memref<128x128xf32, #tpu.memory_space<vmem>>, %arg9: memref<128x128xf32, #tpu.memory_space<vmem>>, %arg10: memref<10240x128xf32, #tpu.memory_space<vmem_shared>>, %arg11: memref<!tpu.dma_semaphore, #tpu.memory_space<semaphore_mem>>, %arg12: memref<!tpu.dma_semaphore, #tpu.memory_space<semaphore_mem>>) attributes {dimension_semantics = [#tpu.dimension_semantics<core_parallel>, #tpu.dimension_semantics<subcore_parallel>], iteration_bounds = array<i64: 2, 16>, scalar_prefetch = 0 : i64, scratch_operands = 7 : i64, tpu.core_type = #tpu.core_type<sc_vector_subcore>, window_params = [{transform_indices = #map}, {transform_indices = #map}, {transform_indices = #map1}, {transform_indices = #map}]} {
    %mul3A = arith.constant 16 : i32
    %mul3A_0 = arith.muli %arg0, %mul3A : i32
    %add3A = arith.addi %mul3A_0, %arg1 : i32
    %broadcast_in_dim3A = arith.constant 0.000000e+00 : f32
    %broadcast_in_dim3A_1 = vector.broadcast %broadcast_in_dim3A : f32 to vector<16xf32>
    %scan3A = arith.constant 0 : i32
    %scan3A_2 = arith.constant 0 : i32
    %scan3A_3 = arith.constant 128 : i32
    %scan3A_4 = arith.addi %scan3A_2, %scan3A_3 : i32
    %scan3A_5 = arith.constant 1 : i32
    %scan3A_6 = scf.for %scan3A_27 = %scan3A_2 to %scan3A_4 step %scan3A_5 iter_args(%scan3A_28 = %scan3A) -> (i32)  : i32 {
      %scan3A_29 = arith.constant 0 : i32
      %scan3A_30 = arith.constant 0 : i32
      %scan3A_31 = arith.constant 8 : i32
      %scan3A_32 = arith.addi %scan3A_30, %scan3A_31 : i32
      %scan3A_33 = arith.constant 1 : i32
      %scan3A_34 = scf.for %scan3A_37 = %scan3A_30 to %scan3A_32 step %scan3A_33 iter_args(%scan3A_38 = %scan3A_29) -> (i32)  : i32 {
        %mul3A_39 = arith.constant 16 : i32
        %mul3A_40 = arith.muli %scan3A_37, %mul3A_39 : i32
        %swap3A = arith.index_cast %scan3A_27 : i32 to index
        %swap3A_41 = arith.index_cast %mul3A_40 : i32 to index
        %swap3A_42 = tpu.vector_load %arg8[%swap3A, %swap3A_41] {strides = array<i32>} : memref<128x128xf32, #tpu.memory_space<vmem>>, vector<16xf32>,
        tpu.vector_store %arg8[%swap3A, %swap3A_41], %broadcast_in_dim3A_1 {strides = array<i32>} : memref<128x128xf32, #tpu.memory_space<vmem>>, vector<16xf32>,
        %scan3A_43 = arith.constant 0 : i32
        scf.yield %scan3A_43 : i32
      }
      %scan3A_35 = arith.constant 8 : i32
      %scan3A_36 = arith.constant 0 : i32
      scf.yield %scan3A_36 : i32
    }
    %scan3A_7 = arith.constant 128 : i32
    %scan3A_8 = arith.constant 0 : i32
    %scan3A_9 = arith.constant 0 : i32
    %scan3A_10 = arith.constant 5 : i32
    %scan3A_11 = arith.addi %scan3A_9, %scan3A_10 : i32
    %scan3A_12 = arith.constant 1 : i32
    %scan3A_13 = scf.for %scan3A_27 = %scan3A_9 to %scan3A_11 step %scan3A_12 iter_args(%scan3A_28 = %scan3A_8) -> (i32)  : i32 {
      %mul3A_29 = arith.constant 640 : i32
      %mul3A_30 = arith.muli %arg1, %mul3A_29 : i32
      %mul3A_31 = arith.constant 128 : i32
      %mul3A_32 = arith.muli %scan3A_27, %mul3A_31 : i32
      %add3A_33 = arith.addi %mul3A_30, %mul3A_32 : i32
      "tpu.region"() ({
        %run_scoped3A = tpu.sem_alloc : memref<!tpu.dma_semaphore, #tpu.memory_space<semaphore_mem>>
        %dma_start3A = arith.constant 0 : i32
        %dma_start3A_35 = tpu.memref_slice %arg10[%add3A_33, %dma_start3A] : memref<10240x128xf32, #tpu.memory_space<vmem_shared>> -> memref<128x128xf32, #tpu.memory_space<vmem_shared>>
        %dma_start3A_36 = arith.constant 0 : i32
        %dma_start3A_37 = tpu.memref_slice %arg10[%add3A_33, %dma_start3A_36] : memref<10240x128xf32, #tpu.memory_space<vmem_shared>> -> memref<128x128xf32, #tpu.memory_space<vmem_shared>>
        tpu.enqueue_dma source(%arg8 : memref<128x128xf32, #tpu.memory_space<vmem>>) target(%dma_start3A_37 : memref<128x128xf32, #tpu.memory_space<vmem_shared>>) target_semaphore(%run_scoped3A : memref<!tpu.dma_semaphore, #tpu.memory_space<semaphore_mem>>)
        %dma_wait3A = arith.constant 0 : i32
        %dma_wait3A_38 = tpu.memref_slice %arg10[%add3A_33, %dma_wait3A] : memref<10240x128xf32, #tpu.memory_space<vmem_shared>> -> memref<128x128xf32, #tpu.memory_space<vmem_shared>>
        %dma_wait3A_39 = arith.constant 0 : i32
        %dma_wait3A_40 = tpu.memref_slice %arg10[%add3A_33, %dma_wait3A_39] : memref<10240x128xf32, #tpu.memory_space<vmem_shared>> -> memref<128x128xf32, #tpu.memory_space<vmem_shared>>
        tpu.wait_dma2 semaphore(%run_scoped3A : memref<!tpu.dma_semaphore, #tpu.memory_space<semaphore_mem>>) src(%arg8 : memref<128x128xf32, #tpu.memory_space<vmem>>) dst(%dma_wait3A_40 : memref<128x128xf32, #tpu.memory_space<vmem_shared>>)
        tpu.yield
      }) : () -> ()
      %scan3A_34 = arith.constant 0 : i32
      scf.yield %scan3A_34 : i32
    }
    %scan3A_14 = arith.constant 5 : i32
    %barrier3A = arith.constant 0 : index
    tpu.barrier barrier_id(%barrier3A)
    %scan3A_15 = arith.constant 0 : i32
    %scan3A_16 = arith.constant 0 : i32
    %scan3A_17 = arith.constant 2 : i32
    %scan3A_18 = arith.addi %scan3A_16, %scan3A_17 : i32
    %scan3A_19 = arith.constant 1 : i32
    %scan3A_20 = scf.for %scan3A_27 = %scan3A_16 to %scan3A_18 step %scan3A_19 iter_args(%scan3A_28 = %scan3A_15) -> (i32)  : i32 {
      %mul3A_29 = arith.constant 40 : i32
      %mul3A_30 = arith.muli %scan3A_27, %mul3A_29 : i32
      "tpu.region"() ({
        %run_scoped3A = tpu.sem_alloc : memref<!tpu.dma_semaphore, #tpu.memory_space<semaphore_mem>>
        %dma_start3A_47 = arith.constant 0 : i32
        %dma_start3A_48 = arith.constant 0 : i32
        %dma_start3A_49 = tpu.memref_slice %arg2[%add3A, %dma_start3A_47, %dma_start3A_48] : memref<32x80x128xi32, #tpu.memory_space<hbm>> -> memref<1x80x128xi32, #tpu.memory_space<hbm>>
        %dma_start3A_50 = tpu.memref_squeeze %dma_start3A_49 : memref<1x80x128xi32, #tpu.memory_space<hbm>> -> memref<80x128xi32, #tpu.memory_space<hbm>>
        %dma_start3A_51 = arith.constant 0 : i32
        %dma_start3A_52 = tpu.memref_slice %dma_start3A_50[%mul3A_30, %dma_start3A_51] : memref<80x128xi32, #tpu.memory_space<hbm>> -> memref<40x128xi32, #tpu.memory_space<hbm>>
        %dma_start3A_53 = arith.constant 0 : i32
        %dma_start3A_54 = arith.constant 0 : i32
        %dma_start3A_55 = tpu.memref_slice %arg2[%add3A, %dma_start3A_53, %dma_start3A_54] : memref<32x80x128xi32, #tpu.memory_space<hbm>> -> memref<1x80x128xi32, #tpu.memory_space<hbm>>
        %dma_start3A_56 = tpu.memref_squeeze %dma_start3A_55 : memref<1x80x128xi32, #tpu.memory_space<hbm>> -> memref<80x128xi32, #tpu.memory_space<hbm>>
        %dma_start3A_57 = arith.constant 0 : i32
        %dma_start3A_58 = tpu.memref_slice %dma_start3A_56[%mul3A_30, %dma_start3A_57] : memref<80x128xi32, #tpu.memory_space<hbm>> -> memref<40x128xi32, #tpu.memory_space<hbm>>
        tpu.enqueue_dma source(%dma_start3A_58 : memref<40x128xi32, #tpu.memory_space<hbm>>) target(%arg6 : memref<40x128xi32, #tpu.memory_space<vmem>>) target_semaphore(%run_scoped3A : memref<!tpu.dma_semaphore, #tpu.memory_space<semaphore_mem>>)
        %dma_wait3A = arith.constant 0 : i32
        %dma_wait3A_59 = arith.constant 0 : i32
        %dma_wait3A_60 = tpu.memref_slice %arg2[%add3A, %dma_wait3A, %dma_wait3A_59] : memref<32x80x128xi32, #tpu.memory_space<hbm>> -> memref<1x80x128xi32, #tpu.memory_space<hbm>>
        %dma_wait3A_61 = tpu.memref_squeeze %dma_wait3A_60 : memref<1x80x128xi32, #tpu.memory_space<hbm>> -> memref<80x128xi32, #tpu.memory_space<hbm>>
        %dma_wait3A_62 = arith.constant 0 : i32
        %dma_wait3A_63 = tpu.memref_slice %dma_wait3A_61[%mul3A_30, %dma_wait3A_62] : memref<80x128xi32, #tpu.memory_space<hbm>> -> memref<40x128xi32, #tpu.memory_space<hbm>>
        %dma_wait3A_64 = arith.constant 0 : i32
        %dma_wait3A_65 = arith.constant 0 : i32
        %dma_wait3A_66 = tpu.memref_slice %arg2[%add3A, %dma_wait3A_64, %dma_wait3A_65] : memref<32x80x128xi32, #tpu.memory_space<hbm>> -> memref<1x80x128xi32, #tpu.memory_space<hbm>>
        %dma_wait3A_67 = tpu.memref_squeeze %dma_wait3A_66 : memref<1x80x128xi32, #tpu.memory_space<hbm>> -> memref<80x128xi32, #tpu.memory_space<hbm>>
        %dma_wait3A_68 = arith.constant 0 : i32
        %dma_wait3A_69 = tpu.memref_slice %dma_wait3A_67[%mul3A_30, %dma_wait3A_68] : memref<80x128xi32, #tpu.memory_space<hbm>> -> memref<40x128xi32, #tpu.memory_space<hbm>>
        tpu.wait_dma2 semaphore(%run_scoped3A : memref<!tpu.dma_semaphore, #tpu.memory_space<semaphore_mem>>) src(%dma_wait3A_69 : memref<40x128xi32, #tpu.memory_space<hbm>>) dst(%arg6 : memref<40x128xi32, #tpu.memory_space<vmem>>)
        tpu.yield
      }) : () -> ()
      %mul3A_31 = arith.constant 40 : i32
      %mul3A_32 = arith.muli %scan3A_27, %mul3A_31 : i32
      "tpu.region"() ({
        %run_scoped3A = tpu.sem_alloc : memref<!tpu.dma_semaphore, #tpu.memory_space<semaphore_mem>>
        %dma_start3A_47 = arith.constant 0 : i32
        %dma_start3A_48 = arith.constant 0 : i32
        %dma_start3A_49 = tpu.memref_slice %arg3[%add3A, %dma_start3A_47, %dma_start3A_48] : memref<32x80x128xi32, #tpu.memory_space<hbm>> -> memref<1x80x128xi32, #tpu.memory_space<hbm>>
        %dma_start3A_50 = tpu.memref_squeeze %dma_start3A_49 : memref<1x80x128xi32, #tpu.memory_space<hbm>> -> memref<80x128xi32, #tpu.memory_space<hbm>>
        %dma_start3A_51 = arith.constant 0 : i32
        %dma_start3A_52 = tpu.memref_slice %dma_start3A_50[%mul3A_32, %dma_start3A_51] : memref<80x128xi32, #tpu.memory_space<hbm>> -> memref<40x128xi32, #tpu.memory_space<hbm>>
        %dma_start3A_53 = arith.constant 0 : i32
        %dma_start3A_54 = arith.constant 0 : i32
        %dma_start3A_55 = tpu.memref_slice %arg3[%add3A, %dma_start3A_53, %dma_start3A_54] : memref<32x80x128xi32, #tpu.memory_space<hbm>> -> memref<1x80x128xi32, #tpu.memory_space<hbm>>
        %dma_start3A_56 = tpu.memref_squeeze %dma_start3A_55 : memref<1x80x128xi32, #tpu.memory_space<hbm>> -> memref<80x128xi32, #tpu.memory_space<hbm>>
        %dma_start3A_57 = arith.constant 0 : i32
        %dma_start3A_58 = tpu.memref_slice %dma_start3A_56[%mul3A_32, %dma_start3A_57] : memref<80x128xi32, #tpu.memory_space<hbm>> -> memref<40x128xi32, #tpu.memory_space<hbm>>
        tpu.enqueue_dma source(%dma_start3A_58 : memref<40x128xi32, #tpu.memory_space<hbm>>) target(%arg7 : memref<40x128xi32, #tpu.memory_space<vmem>>) target_semaphore(%run_scoped3A : memref<!tpu.dma_semaphore, #tpu.memory_space<semaphore_mem>>)
        %dma_wait3A = arith.constant 0 : i32
        %dma_wait3A_59 = arith.constant 0 : i32
        %dma_wait3A_60 = tpu.memref_slice %arg3[%add3A, %dma_wait3A, %dma_wait3A_59] : memref<32x80x128xi32, #tpu.memory_space<hbm>> -> memref<1x80x128xi32, #tpu.memory_space<hbm>>
        %dma_wait3A_61 = tpu.memref_squeeze %dma_wait3A_60 : memref<1x80x128xi32, #tpu.memory_space<hbm>> -> memref<80x128xi32, #tpu.memory_space<hbm>>
        %dma_wait3A_62 = arith.constant 0 : i32
        %dma_wait3A_63 = tpu.memref_slice %dma_wait3A_61[%mul3A_32, %dma_wait3A_62] : memref<80x128xi32, #tpu.memory_space<hbm>> -> memref<40x128xi32, #tpu.memory_space<hbm>>
        %dma_wait3A_64 = arith.constant 0 : i32
        %dma_wait3A_65 = arith.constant 0 : i32
        %dma_wait3A_66 = tpu.memref_slice %arg3[%add3A, %dma_wait3A_64, %dma_wait3A_65] : memref<32x80x128xi32, #tpu.memory_space<hbm>> -> memref<1x80x128xi32, #tpu.memory_space<hbm>>
        %dma_wait3A_67 = tpu.memref_squeeze %dma_wait3A_66 : memref<1x80x128xi32, #tpu.memory_space<hbm>> -> memref<80x128xi32, #tpu.memory_space<hbm>>
        %dma_wait3A_68 = arith.constant 0 : i32
        %dma_wait3A_69 = tpu.memref_slice %dma_wait3A_67[%mul3A_32, %dma_wait3A_68] : memref<80x128xi32, #tpu.memory_space<hbm>> -> memref<40x128xi32, #tpu.memory_space<hbm>>
        tpu.wait_dma2 semaphore(%run_scoped3A : memref<!tpu.dma_semaphore, #tpu.memory_space<semaphore_mem>>) src(%dma_wait3A_69 : memref<40x128xi32, #tpu.memory_space<hbm>>) dst(%arg7 : memref<40x128xi32, #tpu.memory_space<vmem>>)
        tpu.yield
      }) : () -> ()
      %dma_start3A = arith.constant 0 : i32
      %dma_start3A_33 = arith.constant 0 : i32
      %dma_start3A_34 = tpu.memref_slice %arg7[%dma_start3A, %dma_start3A_33] : memref<40x128xi32, #tpu.memory_space<vmem>> -> memref<1x128xi32, #tpu.memory_space<vmem>>
      %dma_start3A_35 = tpu.memref_squeeze %dma_start3A_34 : memref<1x128xi32, #tpu.memory_space<vmem>> -> memref<128xi32, #tpu.memory_space<vmem>>
      %dma_start3A_36 = arith.constant 0 : i32
      %dma_start3A_37 = arith.constant 0 : i32
      %dma_start3A_38 = tpu.memref_slice %arg4[%dma_start3A_36, %dma_start3A_37] : memref<10240x128xf32, #tpu.memory_space<hbm>> -> memref<10240x128xf32, #tpu.memory_space<hbm>>
      tpu.enqueue_indirect_dma source(%dma_start3A_38 : memref<10240x128xf32, #tpu.memory_space<hbm>>) target(%arg8 : memref<128x128xf32, #tpu.memory_space<vmem>>) offsets(%dma_start3A_35 : memref<128xi32, #tpu.memory_space<vmem>>) semaphore(%arg11 : memref<!tpu.dma_semaphore, #tpu.memory_space<semaphore_mem>>)
      %scan3A_39 = arith.constant 0 : i32
      %scan3A_40 = arith.constant 0 : i32
      %scan3A_41 = arith.constant 20 : i32
      %scan3A_42 = arith.addi %scan3A_40, %scan3A_41 : i32
      %scan3A_43 = arith.constant 1 : i32
      %scan3A_44 = scf.for %scan3A_47 = %scan3A_40 to %scan3A_42 step %scan3A_43 iter_args(%scan3A_48 = %scan3A_39) -> (i32)  : i32 {
        %mul3A_49 = arith.constant 2 : i32
        %mul3A_50 = arith.muli %mul3A_49, %scan3A_47 : i32
        %add3A_51 = arith.constant 1 : i32
        %add3A_52 = arith.addi %mul3A_50, %add3A_51 : i32
        %dma_start3A_53 = arith.constant 0 : i32
        %dma_start3A_54 = tpu.memref_slice %arg7[%add3A_52, %dma_start3A_53] : memref<40x128xi32, #tpu.memory_space<vmem>> -> memref<1x128xi32, #tpu.memory_space<vmem>>
        %dma_start3A_55 = tpu.memref_squeeze %dma_start3A_54 : memref<1x128xi32, #tpu.memory_space<vmem>> -> memref<128xi32, #tpu.memory_space<vmem>>
        %dma_start3A_56 = arith.constant 0 : i32
        %dma_start3A_57 = arith.constant 0 : i32
        %dma_start3A_58 = tpu.memref_slice %arg4[%dma_start3A_56, %dma_start3A_57] : memref<10240x128xf32, #tpu.memory_space<hbm>> -> memref<10240x128xf32, #tpu.memory_space<hbm>>
        tpu.enqueue_indirect_dma source(%dma_start3A_58 : memref<10240x128xf32, #tpu.memory_space<hbm>>) target(%arg9 : memref<128x128xf32, #tpu.memory_space<vmem>>) offsets(%dma_start3A_55 : memref<128xi32, #tpu.memory_space<vmem>>) semaphore(%arg12 : memref<!tpu.dma_semaphore, #tpu.memory_space<semaphore_mem>>)
        %dma_wait3A = arith.constant 0 : i32
        %dma_wait3A_59 = tpu.memref_slice %arg7[%mul3A_50, %dma_wait3A] : memref<40x128xi32, #tpu.memory_space<vmem>> -> memref<1x128xi32, #tpu.memory_space<vmem>>
        %dma_wait3A_60 = tpu.memref_squeeze %dma_wait3A_59 : memref<1x128xi32, #tpu.memory_space<vmem>> -> memref<128xi32, #tpu.memory_space<vmem>>
        %dma_wait3A_61 = arith.constant 0 : i32
        %dma_wait3A_62 = arith.constant 0 : i32
        %dma_wait3A_63 = tpu.memref_slice %arg4[%dma_wait3A_61, %dma_wait3A_62] : memref<10240x128xf32, #tpu.memory_space<hbm>> -> memref<10240x128xf32, #tpu.memory_space<hbm>>
        tpu.wait_indirect_dma semaphore(%arg11 : memref<!tpu.dma_semaphore, #tpu.memory_space<semaphore_mem>>) src(%dma_wait3A_63 : memref<10240x128xf32, #tpu.memory_space<hbm>>) dst(%arg8 : memref<128x128xf32, #tpu.memory_space<vmem>>)
        "tpu.region"() ({
          %run_scoped3A = tpu.sem_alloc : memref<!tpu.dma_semaphore, #tpu.memory_space<semaphore_mem>>
          %dma_start3A_79 = arith.constant 0 : i32
          %dma_start3A_80 = tpu.memref_slice %arg6[%mul3A_50, %dma_start3A_79] : memref<40x128xi32, #tpu.memory_space<vmem>> -> memref<1x128xi32, #tpu.memory_space<vmem>>
          %dma_start3A_81 = tpu.memref_squeeze %dma_start3A_80 : memref<1x128xi32, #tpu.memory_space<vmem>> -> memref<128xi32, #tpu.memory_space<vmem>>
          %dma_start3A_82 = arith.constant 0 : i32
          %dma_start3A_83 = arith.constant 0 : i32
          %dma_start3A_84 = tpu.memref_slice %arg10[%dma_start3A_82, %dma_start3A_83] : memref<10240x128xf32, #tpu.memory_space<vmem_shared>> -> memref<10240x128xf32, #tpu.memory_space<vmem_shared>>
          tpu.enqueue_indirect_dma source(%arg8 : memref<128x128xf32, #tpu.memory_space<vmem>>) target(%dma_start3A_84 : memref<10240x128xf32, #tpu.memory_space<vmem_shared>>) offsets(%dma_start3A_81 : memref<128xi32, #tpu.memory_space<vmem>>) semaphore(%run_scoped3A : memref<!tpu.dma_semaphore, #tpu.memory_space<semaphore_mem>>) {add = true}
          %dma_wait3A_85 = arith.constant 0 : i32
          %dma_wait3A_86 = tpu.memref_slice %arg6[%mul3A_50, %dma_wait3A_85] : memref<40x128xi32, #tpu.memory_space<vmem>> -> memref<1x128xi32, #tpu.memory_space<vmem>>
          %dma_wait3A_87 = tpu.memref_squeeze %dma_wait3A_86 : memref<1x128xi32, #tpu.memory_space<vmem>> -> memref<128xi32, #tpu.memory_space<vmem>>
          %dma_wait3A_88 = arith.constant 0 : i32
          %dma_wait3A_89 = arith.constant 0 : i32
          %dma_wait3A_90 = tpu.memref_slice %arg10[%dma_wait3A_88, %dma_wait3A_89] : memref<10240x128xf32, #tpu.memory_space<vmem_shared>> -> memref<10240x128xf32, #tpu.memory_space<vmem_shared>>
          tpu.wait_indirect_dma semaphore(%run_scoped3A : memref<!tpu.dma_semaphore, #tpu.memory_space<semaphore_mem>>) src(%arg8 : memref<128x128xf32, #tpu.memory_space<vmem>>) dst(%dma_wait3A_90 : memref<10240x128xf32, #tpu.memory_space<vmem_shared>>)
          tpu.yield
        }) : () -> ()
        %add3A_64 = arith.constant 2 : i32
        %add3A_65 = arith.addi %mul3A_50, %add3A_64 : i32
        %lt3A = arith.constant 40 : i32
        %lt3A_66 = arith.cmpi slt, %add3A_65, %lt3A : i32
        %convert_element_type3A = arith.extui %lt3A_66 : i1 to i32
        %cond3A = arith.constant 0 : i32
        %cond3A_67 = arith.cmpi ne, %convert_element_type3A, %cond3A : i32
        scf.if %cond3A_67 {
          %add3A_79 = arith.constant 2 : i32
          %add3A_80 = arith.addi %mul3A_50, %add3A_79 : i32
          %dma_start3A_81 = arith.constant 0 : i32
          %dma_start3A_82 = tpu.memref_slice %arg7[%add3A_80, %dma_start3A_81] : memref<40x128xi32, #tpu.memory_space<vmem>> -> memref<1x128xi32, #tpu.memory_space<vmem>>
          %dma_start3A_83 = tpu.memref_squeeze %dma_start3A_82 : memref<1x128xi32, #tpu.memory_space<vmem>> -> memref<128xi32, #tpu.memory_space<vmem>>
          %dma_start3A_84 = arith.constant 0 : i32
          %dma_start3A_85 = arith.constant 0 : i32
          %dma_start3A_86 = tpu.memref_slice %arg4[%dma_start3A_84, %dma_start3A_85] : memref<10240x128xf32, #tpu.memory_space<hbm>> -> memref<10240x128xf32, #tpu.memory_space<hbm>>
          tpu.enqueue_indirect_dma source(%dma_start3A_86 : memref<10240x128xf32, #tpu.memory_space<hbm>>) target(%arg8 : memref<128x128xf32, #tpu.memory_space<vmem>>) offsets(%dma_start3A_83 : memref<128xi32, #tpu.memory_space<vmem>>) semaphore(%arg11 : memref<!tpu.dma_semaphore, #tpu.memory_space<semaphore_mem>>)
        } else {
        }
        %add3A_68 = arith.constant 1 : i32
        %add3A_69 = arith.addi %mul3A_50, %add3A_68 : i32
        %dma_wait3A_70 = arith.constant 0 : i32
        %dma_wait3A_71 = tpu.memref_slice %arg7[%add3A_69, %dma_wait3A_70] : memref<40x128xi32, #tpu.memory_space<vmem>> -> memref<1x128xi32, #tpu.memory_space<vmem>>
        %dma_wait3A_72 = tpu.memref_squeeze %dma_wait3A_71 : memref<1x128xi32, #tpu.memory_space<vmem>> -> memref<128xi32, #tpu.memory_space<vmem>>
        %dma_wait3A_73 = arith.constant 0 : i32
        %dma_wait3A_74 = arith.constant 0 : i32
        %dma_wait3A_75 = tpu.memref_slice %arg4[%dma_wait3A_73, %dma_wait3A_74] : memref<10240x128xf32, #tpu.memory_space<hbm>> -> memref<10240x128xf32, #tpu.memory_space<hbm>>
        tpu.wait_indirect_dma semaphore(%arg12 : memref<!tpu.dma_semaphore, #tpu.memory_space<semaphore_mem>>) src(%dma_wait3A_75 : memref<10240x128xf32, #tpu.memory_space<hbm>>) dst(%arg9 : memref<128x128xf32, #tpu.memory_space<vmem>>)
        %add3A_76 = arith.constant 1 : i32
        %add3A_77 = arith.addi %mul3A_50, %add3A_76 : i32
        "tpu.region"() ({
          %run_scoped3A = tpu.sem_alloc : memref<!tpu.dma_semaphore, #tpu.memory_space<semaphore_mem>>
          %dma_start3A_79 = arith.constant 0 : i32
          %dma_start3A_80 = tpu.memref_slice %arg6[%add3A_77, %dma_start3A_79] : memref<40x128xi32, #tpu.memory_space<vmem>> -> memref<1x128xi32, #tpu.memory_space<vmem>>
          %dma_start3A_81 = tpu.memref_squeeze %dma_start3A_80 : memref<1x128xi32, #tpu.memory_space<vmem>> -> memref<128xi32, #tpu.memory_space<vmem>>
          %dma_start3A_82 = arith.constant 0 : i32
          %dma_start3A_83 = arith.constant 0 : i32
          %dma_start3A_84 = tpu.memref_slice %arg10[%dma_start3A_82, %dma_start3A_83] : memref<10240x128xf32, #tpu.memory_space<vmem_shared>> -> memref<10240x128xf32, #tpu.memory_space<vmem_shared>>
          tpu.enqueue_indirect_dma source(%arg9 : memref<128x128xf32, #tpu.memory_space<vmem>>) target(%dma_start3A_84 : memref<10240x128xf32, #tpu.memory_space<vmem_shared>>) offsets(%dma_start3A_81 : memref<128xi32, #tpu.memory_space<vmem>>) semaphore(%run_scoped3A : memref<!tpu.dma_semaphore, #tpu.memory_space<semaphore_mem>>) {add = true}
          %dma_wait3A_85 = arith.constant 0 : i32
          %dma_wait3A_86 = tpu.memref_slice %arg6[%add3A_77, %dma_wait3A_85] : memref<40x128xi32, #tpu.memory_space<vmem>> -> memref<1x128xi32, #tpu.memory_space<vmem>>
          %dma_wait3A_87 = tpu.memref_squeeze %dma_wait3A_86 : memref<1x128xi32, #tpu.memory_space<vmem>> -> memref<128xi32, #tpu.memory_space<vmem>>
          %dma_wait3A_88 = arith.constant 0 : i32
          %dma_wait3A_89 = arith.constant 0 : i32
          %dma_wait3A_90 = tpu.memref_slice %arg10[%dma_wait3A_88, %dma_wait3A_89] : memref<10240x128xf32, #tpu.memory_space<vmem_shared>> -> memref<10240x128xf32, #tpu.memory_space<vmem_shared>>
          tpu.wait_indirect_dma semaphore(%run_scoped3A : memref<!tpu.dma_semaphore, #tpu.memory_space<semaphore_mem>>) src(%arg9 : memref<128x128xf32, #tpu.memory_space<vmem>>) dst(%dma_wait3A_90 : memref<10240x128xf32, #tpu.memory_space<vmem_shared>>)
          tpu.yield
        }) : () -> ()
        %scan3A_78 = arith.constant 0 : i32
        scf.yield %scan3A_78 : i32
      }
      %scan3A_45 = arith.constant 20 : i32
      %scan3A_46 = arith.constant 0 : i32
      scf.yield %scan3A_46 : i32
    }
    %scan3A_21 = arith.constant 2 : i32
    %barrier3A_22 = arith.constant 0 : index
    tpu.barrier barrier_id(%barrier3A_22)
    %mul3A_23 = arith.constant 640 : i32
    %mul3A_24 = arith.muli %arg1, %mul3A_23 : i32
    %mul3A_25 = arith.constant 640 : i32
    %mul3A_26 = arith.muli %arg1, %mul3A_25 : i32
    "tpu.region"() ({
      %run_scoped3A = tpu.sem_alloc : memref<!tpu.dma_semaphore, #tpu.memory_space<semaphore_mem>>
      %dma_start3A = arith.constant 0 : i32
      %dma_start3A_27 = arith.constant 0 : i32
      %dma_start3A_28 = tpu.memref_slice %arg5[%arg0, %dma_start3A, %dma_start3A_27] : memref<2x10240x128xf32, #tpu.memory_space<hbm>> -> memref<1x10240x128xf32, #tpu.memory_space<hbm>>
      %dma_start3A_29 = tpu.memref_squeeze %dma_start3A_28 : memref<1x10240x128xf32, #tpu.memory_space<hbm>> -> memref<10240x128xf32, #tpu.memory_space<hbm>>
      %dma_start3A_30 = arith.constant 0 : i32
      %dma_start3A_31 = tpu.memref_slice %dma_start3A_29[%mul3A_26, %dma_start3A_30] : memref<10240x128xf32, #tpu.memory_space<hbm>> -> memref<640x128xf32, #tpu.memory_space<hbm>>
      %dma_start3A_32 = arith.constant 0 : i32
      %dma_start3A_33 = tpu.memref_slice %arg10[%mul3A_24, %dma_start3A_32] : memref<10240x128xf32, #tpu.memory_space<vmem_shared>> -> memref<640x128xf32, #tpu.memory_space<vmem_shared>>
      tpu.enqueue_dma source(%dma_start3A_33 : memref<640x128xf32, #tpu.memory_space<vmem_shared>>) target(%dma_start3A_31 : memref<640x128xf32, #tpu.memory_space<hbm>>) target_semaphore(%run_scoped3A : memref<!tpu.dma_semaphore, #tpu.memory_space<semaphore_mem>>)
      %dma_wait3A = arith.constant 0 : i32
      %dma_wait3A_34 = arith.constant 0 : i32
      %dma_wait3A_35 = tpu.memref_slice %arg5[%arg0, %dma_wait3A, %dma_wait3A_34] : memref<2x10240x128xf32, #tpu.memory_space<hbm>> -> memref<1x10240x128xf32, #tpu.memory_space<hbm>>
      %dma_wait3A_36 = tpu.memref_squeeze %dma_wait3A_35 : memref<1x10240x128xf32, #tpu.memory_space<hbm>> -> memref<10240x128xf32, #tpu.memory_space<hbm>>
      %dma_wait3A_37 = arith.constant 0 : i32
      %dma_wait3A_38 = tpu.memref_slice %dma_wait3A_36[%mul3A_26, %dma_wait3A_37] : memref<10240x128xf32, #tpu.memory_space<hbm>> -> memref<640x128xf32, #tpu.memory_space<hbm>>
      %dma_wait3A_39 = arith.constant 0 : i32
      %dma_wait3A_40 = tpu.memref_slice %arg10[%mul3A_24, %dma_wait3A_39] : memref<10240x128xf32, #tpu.memory_space<vmem_shared>> -> memref<640x128xf32, #tpu.memory_space<vmem_shared>>
      tpu.wait_dma2 semaphore(%run_scoped3A : memref<!tpu.dma_semaphore, #tpu.memory_space<semaphore_mem>>) src(%dma_wait3A_40 : memref<640x128xf32, #tpu.memory_space<vmem_shared>>) dst(%dma_wait3A_38 : memref<640x128xf32, #tpu.memory_space<hbm>>)
      tpu.yield
    }) : () -> ()
    return
  }
}

#map = affine_map<(d0, d1) -> (0, 0, 0)>
#map1 = affine_map<(d0, d1) -> (0, 0, 0, 0)>
module attributes {stable_mosaic.version = 14 : i64} {
  func.func @sc_spmm_c(%arg0: i32, %arg1: i32, %arg2: memref<32x80x128xi32, #tpu.memory_space<hbm>>, %arg3: memref<32x80x128xi32, #tpu.memory_space<hbm>>, %arg4: memref<8x10240x128xf32, #tpu.memory_space<hbm>>, %arg5: memref<2x8x10240x128xf32, #tpu.memory_space<hbm>>, %arg6: memref<40x128xi32, #tpu.memory_space<vmem>>, %arg7: memref<40x128xi32, #tpu.memory_space<vmem>>, %arg8: memref<128x128xf32, #tpu.memory_space<vmem>>, %arg9: memref<128x128xf32, #tpu.memory_space<vmem>>, %arg10: memref<10240x128xf32, #tpu.memory_space<vmem_shared>>, %arg11: memref<!tpu.dma_semaphore, #tpu.memory_space<semaphore_mem>>, %arg12: memref<!tpu.dma_semaphore, #tpu.memory_space<semaphore_mem>>) attributes {dimension_semantics = [#tpu.dimension_semantics<core_parallel>, #tpu.dimension_semantics<subcore_parallel>], iteration_bounds = array<i64: 2, 16>, scalar_prefetch = 0 : i64, scratch_operands = 7 : i64, tpu.core_type = #tpu.core_type<sc_vector_subcore>, window_params = [{transform_indices = #map}, {transform_indices = #map}, {transform_indices = #map}, {transform_indices = #map1}]} {
    %mul3A = arith.constant 16 : i32
    %mul3A_0 = arith.muli %arg0, %mul3A : i32
    %add3A = arith.addi %mul3A_0, %arg1 : i32
    %broadcast_in_dim3A = arith.constant 0.000000e+00 : f32
    %broadcast_in_dim3A_1 = vector.broadcast %broadcast_in_dim3A : f32 to vector<16xf32>
    %scan3A = arith.constant 0 : i32
    %scan3A_2 = arith.constant 0 : i32
    %scan3A_3 = arith.constant 128 : i32
    %scan3A_4 = arith.addi %scan3A_2, %scan3A_3 : i32
    %scan3A_5 = arith.constant 1 : i32
    %scan3A_6 = scf.for %scan3A_22 = %scan3A_2 to %scan3A_4 step %scan3A_5 iter_args(%scan3A_23 = %scan3A) -> (i32)  : i32 {
      %scan3A_24 = arith.constant 0 : i32
      %scan3A_25 = arith.constant 0 : i32
      %scan3A_26 = arith.constant 8 : i32
      %scan3A_27 = arith.addi %scan3A_25, %scan3A_26 : i32
      %scan3A_28 = arith.constant 1 : i32
      %scan3A_29 = scf.for %scan3A_32 = %scan3A_25 to %scan3A_27 step %scan3A_28 iter_args(%scan3A_33 = %scan3A_24) -> (i32)  : i32 {
        %mul3A_34 = arith.constant 16 : i32
        %mul3A_35 = arith.muli %scan3A_32, %mul3A_34 : i32
        %swap3A = arith.index_cast %scan3A_22 : i32 to index
        %swap3A_36 = arith.index_cast %mul3A_35 : i32 to index
        %swap3A_37 = tpu.vector_load %arg8[%swap3A, %swap3A_36] {strides = array<i32>} : memref<128x128xf32, #tpu.memory_space<vmem>>, vector<16xf32>,
        tpu.vector_store %arg8[%swap3A, %swap3A_36], %broadcast_in_dim3A_1 {strides = array<i32>} : memref<128x128xf32, #tpu.memory_space<vmem>>, vector<16xf32>,
        %scan3A_38 = arith.constant 0 : i32
        scf.yield %scan3A_38 : i32
      }
      %scan3A_30 = arith.constant 8 : i32
      %scan3A_31 = arith.constant 0 : i32
      scf.yield %scan3A_31 : i32
    }
    %scan3A_7 = arith.constant 128 : i32
    %scan3A_8 = arith.constant 0 : i32
    %scan3A_9 = arith.constant 0 : i32
    %scan3A_10 = arith.constant 5 : i32
    %scan3A_11 = arith.addi %scan3A_9, %scan3A_10 : i32
    %scan3A_12 = arith.constant 1 : i32
    %scan3A_13 = scf.for %scan3A_22 = %scan3A_9 to %scan3A_11 step %scan3A_12 iter_args(%scan3A_23 = %scan3A_8) -> (i32)  : i32 {
      %mul3A_24 = arith.constant 640 : i32
      %mul3A_25 = arith.muli %arg1, %mul3A_24 : i32
      %mul3A_26 = arith.constant 128 : i32
      %mul3A_27 = arith.muli %scan3A_22, %mul3A_26 : i32
      %add3A_28 = arith.addi %mul3A_25, %mul3A_27 : i32
      "tpu.region"() ({
        %run_scoped3A = tpu.sem_alloc : memref<!tpu.dma_semaphore, #tpu.memory_space<semaphore_mem>>
        %dma_start3A = arith.constant 0 : i32
        %dma_start3A_30 = tpu.memref_slice %arg10[%add3A_28, %dma_start3A] : memref<10240x128xf32, #tpu.memory_space<vmem_shared>> -> memref<128x128xf32, #tpu.memory_space<vmem_shared>>
        %dma_start3A_31 = arith.constant 0 : i32
        %dma_start3A_32 = tpu.memref_slice %arg10[%add3A_28, %dma_start3A_31] : memref<10240x128xf32, #tpu.memory_space<vmem_shared>> -> memref<128x128xf32, #tpu.memory_space<vmem_shared>>
        tpu.enqueue_dma source(%arg8 : memref<128x128xf32, #tpu.memory_space<vmem>>) target(%dma_start3A_32 : memref<128x128xf32, #tpu.memory_space<vmem_shared>>) target_semaphore(%run_scoped3A : memref<!tpu.dma_semaphore, #tpu.memory_space<semaphore_mem>>)
        %dma_wait3A = arith.constant 0 : i32
        %dma_wait3A_33 = tpu.memref_slice %arg10[%add3A_28, %dma_wait3A] : memref<10240x128xf32, #tpu.memory_space<vmem_shared>> -> memref<128x128xf32, #tpu.memory_space<vmem_shared>>
        %dma_wait3A_34 = arith.constant 0 : i32
        %dma_wait3A_35 = tpu.memref_slice %arg10[%add3A_28, %dma_wait3A_34] : memref<10240x128xf32, #tpu.memory_space<vmem_shared>> -> memref<128x128xf32, #tpu.memory_space<vmem_shared>>
        tpu.wait_dma2 semaphore(%run_scoped3A : memref<!tpu.dma_semaphore, #tpu.memory_space<semaphore_mem>>) src(%arg8 : memref<128x128xf32, #tpu.memory_space<vmem>>) dst(%dma_wait3A_35 : memref<128x128xf32, #tpu.memory_space<vmem_shared>>)
        tpu.yield
      }) : () -> ()
      %scan3A_29 = arith.constant 0 : i32
      scf.yield %scan3A_29 : i32
    }
    %scan3A_14 = arith.constant 5 : i32
    %barrier3A = arith.constant 0 : index
    tpu.barrier barrier_id(%barrier3A)
    %scan3A_15 = arith.constant 0 : i32
    %scan3A_16 = arith.constant 0 : i32
    %scan3A_17 = arith.constant 8 : i32
    %scan3A_18 = arith.addi %scan3A_16, %scan3A_17 : i32
    %scan3A_19 = arith.constant 1 : i32
    %scan3A_20 = scf.for %scan3A_22 = %scan3A_16 to %scan3A_18 step %scan3A_19 iter_args(%scan3A_23 = %scan3A_15) -> (i32)  : i32 {
      %scan3A_24 = arith.constant 0 : i32
      %scan3A_25 = arith.constant 0 : i32
      %scan3A_26 = arith.constant 2 : i32
      %scan3A_27 = arith.addi %scan3A_25, %scan3A_26 : i32
      %scan3A_28 = arith.constant 1 : i32
      %scan3A_29 = scf.for %scan3A_38 = %scan3A_25 to %scan3A_27 step %scan3A_28 iter_args(%scan3A_39 = %scan3A_24) -> (i32)  : i32 {
        %mul3A_40 = arith.constant 40 : i32
        %mul3A_41 = arith.muli %scan3A_38, %mul3A_40 : i32
        "tpu.region"() ({
          %run_scoped3A = tpu.sem_alloc : memref<!tpu.dma_semaphore, #tpu.memory_space<semaphore_mem>>
          %dma_start3A_62 = arith.constant 0 : i32
          %dma_start3A_63 = arith.constant 0 : i32
          %dma_start3A_64 = tpu.memref_slice %arg2[%add3A, %dma_start3A_62, %dma_start3A_63] : memref<32x80x128xi32, #tpu.memory_space<hbm>> -> memref<1x80x128xi32, #tpu.memory_space<hbm>>
          %dma_start3A_65 = tpu.memref_squeeze %dma_start3A_64 : memref<1x80x128xi32, #tpu.memory_space<hbm>> -> memref<80x128xi32, #tpu.memory_space<hbm>>
          %dma_start3A_66 = arith.constant 0 : i32
          %dma_start3A_67 = tpu.memref_slice %dma_start3A_65[%mul3A_41, %dma_start3A_66] : memref<80x128xi32, #tpu.memory_space<hbm>> -> memref<40x128xi32, #tpu.memory_space<hbm>>
          %dma_start3A_68 = arith.constant 0 : i32
          %dma_start3A_69 = arith.constant 0 : i32
          %dma_start3A_70 = tpu.memref_slice %arg2[%add3A, %dma_start3A_68, %dma_start3A_69] : memref<32x80x128xi32, #tpu.memory_space<hbm>> -> memref<1x80x128xi32, #tpu.memory_space<hbm>>
          %dma_start3A_71 = tpu.memref_squeeze %dma_start3A_70 : memref<1x80x128xi32, #tpu.memory_space<hbm>> -> memref<80x128xi32, #tpu.memory_space<hbm>>
          %dma_start3A_72 = arith.constant 0 : i32
          %dma_start3A_73 = tpu.memref_slice %dma_start3A_71[%mul3A_41, %dma_start3A_72] : memref<80x128xi32, #tpu.memory_space<hbm>> -> memref<40x128xi32, #tpu.memory_space<hbm>>
          tpu.enqueue_dma source(%dma_start3A_73 : memref<40x128xi32, #tpu.memory_space<hbm>>) target(%arg6 : memref<40x128xi32, #tpu.memory_space<vmem>>) target_semaphore(%run_scoped3A : memref<!tpu.dma_semaphore, #tpu.memory_space<semaphore_mem>>)
          %dma_wait3A = arith.constant 0 : i32
          %dma_wait3A_74 = arith.constant 0 : i32
          %dma_wait3A_75 = tpu.memref_slice %arg2[%add3A, %dma_wait3A, %dma_wait3A_74] : memref<32x80x128xi32, #tpu.memory_space<hbm>> -> memref<1x80x128xi32, #tpu.memory_space<hbm>>
          %dma_wait3A_76 = tpu.memref_squeeze %dma_wait3A_75 : memref<1x80x128xi32, #tpu.memory_space<hbm>> -> memref<80x128xi32, #tpu.memory_space<hbm>>
          %dma_wait3A_77 = arith.constant 0 : i32
          %dma_wait3A_78 = tpu.memref_slice %dma_wait3A_76[%mul3A_41, %dma_wait3A_77] : memref<80x128xi32, #tpu.memory_space<hbm>> -> memref<40x128xi32, #tpu.memory_space<hbm>>
          %dma_wait3A_79 = arith.constant 0 : i32
          %dma_wait3A_80 = arith.constant 0 : i32
          %dma_wait3A_81 = tpu.memref_slice %arg2[%add3A, %dma_wait3A_79, %dma_wait3A_80] : memref<32x80x128xi32, #tpu.memory_space<hbm>> -> memref<1x80x128xi32, #tpu.memory_space<hbm>>
          %dma_wait3A_82 = tpu.memref_squeeze %dma_wait3A_81 : memref<1x80x128xi32, #tpu.memory_space<hbm>> -> memref<80x128xi32, #tpu.memory_space<hbm>>
          %dma_wait3A_83 = arith.constant 0 : i32
          %dma_wait3A_84 = tpu.memref_slice %dma_wait3A_82[%mul3A_41, %dma_wait3A_83] : memref<80x128xi32, #tpu.memory_space<hbm>> -> memref<40x128xi32, #tpu.memory_space<hbm>>
          tpu.wait_dma2 semaphore(%run_scoped3A : memref<!tpu.dma_semaphore, #tpu.memory_space<semaphore_mem>>) src(%dma_wait3A_84 : memref<40x128xi32, #tpu.memory_space<hbm>>) dst(%arg6 : memref<40x128xi32, #tpu.memory_space<vmem>>)
          tpu.yield
        }) : () -> ()
        %mul3A_42 = arith.constant 40 : i32
        %mul3A_43 = arith.muli %scan3A_38, %mul3A_42 : i32
        "tpu.region"() ({
          %run_scoped3A = tpu.sem_alloc : memref<!tpu.dma_semaphore, #tpu.memory_space<semaphore_mem>>
          %dma_start3A_62 = arith.constant 0 : i32
          %dma_start3A_63 = arith.constant 0 : i32
          %dma_start3A_64 = tpu.memref_slice %arg3[%add3A, %dma_start3A_62, %dma_start3A_63] : memref<32x80x128xi32, #tpu.memory_space<hbm>> -> memref<1x80x128xi32, #tpu.memory_space<hbm>>
          %dma_start3A_65 = tpu.memref_squeeze %dma_start3A_64 : memref<1x80x128xi32, #tpu.memory_space<hbm>> -> memref<80x128xi32, #tpu.memory_space<hbm>>
          %dma_start3A_66 = arith.constant 0 : i32
          %dma_start3A_67 = tpu.memref_slice %dma_start3A_65[%mul3A_43, %dma_start3A_66] : memref<80x128xi32, #tpu.memory_space<hbm>> -> memref<40x128xi32, #tpu.memory_space<hbm>>
          %dma_start3A_68 = arith.constant 0 : i32
          %dma_start3A_69 = arith.constant 0 : i32
          %dma_start3A_70 = tpu.memref_slice %arg3[%add3A, %dma_start3A_68, %dma_start3A_69] : memref<32x80x128xi32, #tpu.memory_space<hbm>> -> memref<1x80x128xi32, #tpu.memory_space<hbm>>
          %dma_start3A_71 = tpu.memref_squeeze %dma_start3A_70 : memref<1x80x128xi32, #tpu.memory_space<hbm>> -> memref<80x128xi32, #tpu.memory_space<hbm>>
          %dma_start3A_72 = arith.constant 0 : i32
          %dma_start3A_73 = tpu.memref_slice %dma_start3A_71[%mul3A_43, %dma_start3A_72] : memref<80x128xi32, #tpu.memory_space<hbm>> -> memref<40x128xi32, #tpu.memory_space<hbm>>
          tpu.enqueue_dma source(%dma_start3A_73 : memref<40x128xi32, #tpu.memory_space<hbm>>) target(%arg7 : memref<40x128xi32, #tpu.memory_space<vmem>>) target_semaphore(%run_scoped3A : memref<!tpu.dma_semaphore, #tpu.memory_space<semaphore_mem>>)
          %dma_wait3A = arith.constant 0 : i32
          %dma_wait3A_74 = arith.constant 0 : i32
          %dma_wait3A_75 = tpu.memref_slice %arg3[%add3A, %dma_wait3A, %dma_wait3A_74] : memref<32x80x128xi32, #tpu.memory_space<hbm>> -> memref<1x80x128xi32, #tpu.memory_space<hbm>>
          %dma_wait3A_76 = tpu.memref_squeeze %dma_wait3A_75 : memref<1x80x128xi32, #tpu.memory_space<hbm>> -> memref<80x128xi32, #tpu.memory_space<hbm>>
          %dma_wait3A_77 = arith.constant 0 : i32
          %dma_wait3A_78 = tpu.memref_slice %dma_wait3A_76[%mul3A_43, %dma_wait3A_77] : memref<80x128xi32, #tpu.memory_space<hbm>> -> memref<40x128xi32, #tpu.memory_space<hbm>>
          %dma_wait3A_79 = arith.constant 0 : i32
          %dma_wait3A_80 = arith.constant 0 : i32
          %dma_wait3A_81 = tpu.memref_slice %arg3[%add3A, %dma_wait3A_79, %dma_wait3A_80] : memref<32x80x128xi32, #tpu.memory_space<hbm>> -> memref<1x80x128xi32, #tpu.memory_space<hbm>>
          %dma_wait3A_82 = tpu.memref_squeeze %dma_wait3A_81 : memref<1x80x128xi32, #tpu.memory_space<hbm>> -> memref<80x128xi32, #tpu.memory_space<hbm>>
          %dma_wait3A_83 = arith.constant 0 : i32
          %dma_wait3A_84 = tpu.memref_slice %dma_wait3A_82[%mul3A_43, %dma_wait3A_83] : memref<80x128xi32, #tpu.memory_space<hbm>> -> memref<40x128xi32, #tpu.memory_space<hbm>>
          tpu.wait_dma2 semaphore(%run_scoped3A : memref<!tpu.dma_semaphore, #tpu.memory_space<semaphore_mem>>) src(%dma_wait3A_84 : memref<40x128xi32, #tpu.memory_space<hbm>>) dst(%arg7 : memref<40x128xi32, #tpu.memory_space<vmem>>)
          tpu.yield
        }) : () -> ()
        %dma_start3A = arith.constant 0 : i32
        %dma_start3A_44 = arith.constant 0 : i32
        %dma_start3A_45 = tpu.memref_slice %arg7[%dma_start3A, %dma_start3A_44] : memref<40x128xi32, #tpu.memory_space<vmem>> -> memref<1x128xi32, #tpu.memory_space<vmem>>
        %dma_start3A_46 = tpu.memref_squeeze %dma_start3A_45 : memref<1x128xi32, #tpu.memory_space<vmem>> -> memref<128xi32, #tpu.memory_space<vmem>>
        %dma_start3A_47 = arith.constant 0 : i32
        %dma_start3A_48 = arith.constant 0 : i32
        %dma_start3A_49 = tpu.memref_slice %arg4[%scan3A_22, %dma_start3A_47, %dma_start3A_48] : memref<8x10240x128xf32, #tpu.memory_space<hbm>> -> memref<1x10240x128xf32, #tpu.memory_space<hbm>>
        %dma_start3A_50 = tpu.memref_squeeze %dma_start3A_49 : memref<1x10240x128xf32, #tpu.memory_space<hbm>> -> memref<10240x128xf32, #tpu.memory_space<hbm>>
        %dma_start3A_51 = arith.constant 0 : i32
        %dma_start3A_52 = arith.constant 0 : i32
        %dma_start3A_53 = tpu.memref_slice %dma_start3A_50[%dma_start3A_51, %dma_start3A_52] : memref<10240x128xf32, #tpu.memory_space<hbm>> -> memref<10240x128xf32, #tpu.memory_space<hbm>>
        tpu.enqueue_indirect_dma source(%dma_start3A_53 : memref<10240x128xf32, #tpu.memory_space<hbm>>) target(%arg8 : memref<128x128xf32, #tpu.memory_space<vmem>>) offsets(%dma_start3A_46 : memref<128xi32, #tpu.memory_space<vmem>>) semaphore(%arg11 : memref<!tpu.dma_semaphore, #tpu.memory_space<semaphore_mem>>)
        %scan3A_54 = arith.constant 0 : i32
        %scan3A_55 = arith.constant 0 : i32
        %scan3A_56 = arith.constant 20 : i32
        %scan3A_57 = arith.addi %scan3A_55, %scan3A_56 : i32
        %scan3A_58 = arith.constant 1 : i32
        %scan3A_59 = scf.for %scan3A_62 = %scan3A_55 to %scan3A_57 step %scan3A_58 iter_args(%scan3A_63 = %scan3A_54) -> (i32)  : i32 {
          %mul3A_64 = arith.constant 2 : i32
          %mul3A_65 = arith.muli %mul3A_64, %scan3A_62 : i32
          %add3A_66 = arith.constant 1 : i32
          %add3A_67 = arith.addi %mul3A_65, %add3A_66 : i32
          %dma_start3A_68 = arith.constant 0 : i32
          %dma_start3A_69 = tpu.memref_slice %arg7[%add3A_67, %dma_start3A_68] : memref<40x128xi32, #tpu.memory_space<vmem>> -> memref<1x128xi32, #tpu.memory_space<vmem>>
          %dma_start3A_70 = tpu.memref_squeeze %dma_start3A_69 : memref<1x128xi32, #tpu.memory_space<vmem>> -> memref<128xi32, #tpu.memory_space<vmem>>
          %dma_start3A_71 = arith.constant 0 : i32
          %dma_start3A_72 = arith.constant 0 : i32
          %dma_start3A_73 = tpu.memref_slice %arg4[%scan3A_22, %dma_start3A_71, %dma_start3A_72] : memref<8x10240x128xf32, #tpu.memory_space<hbm>> -> memref<1x10240x128xf32, #tpu.memory_space<hbm>>
          %dma_start3A_74 = tpu.memref_squeeze %dma_start3A_73 : memref<1x10240x128xf32, #tpu.memory_space<hbm>> -> memref<10240x128xf32, #tpu.memory_space<hbm>>
          %dma_start3A_75 = arith.constant 0 : i32
          %dma_start3A_76 = arith.constant 0 : i32
          %dma_start3A_77 = tpu.memref_slice %dma_start3A_74[%dma_start3A_75, %dma_start3A_76] : memref<10240x128xf32, #tpu.memory_space<hbm>> -> memref<10240x128xf32, #tpu.memory_space<hbm>>
          tpu.enqueue_indirect_dma source(%dma_start3A_77 : memref<10240x128xf32, #tpu.memory_space<hbm>>) target(%arg9 : memref<128x128xf32, #tpu.memory_space<vmem>>) offsets(%dma_start3A_70 : memref<128xi32, #tpu.memory_space<vmem>>) semaphore(%arg12 : memref<!tpu.dma_semaphore, #tpu.memory_space<semaphore_mem>>)
          %dma_wait3A = arith.constant 0 : i32
          %dma_wait3A_78 = tpu.memref_slice %arg7[%mul3A_65, %dma_wait3A] : memref<40x128xi32, #tpu.memory_space<vmem>> -> memref<1x128xi32, #tpu.memory_space<vmem>>
          %dma_wait3A_79 = tpu.memref_squeeze %dma_wait3A_78 : memref<1x128xi32, #tpu.memory_space<vmem>> -> memref<128xi32, #tpu.memory_space<vmem>>
          %dma_wait3A_80 = arith.constant 0 : i32
          %dma_wait3A_81 = arith.constant 0 : i32
          %dma_wait3A_82 = tpu.memref_slice %arg4[%scan3A_22, %dma_wait3A_80, %dma_wait3A_81] : memref<8x10240x128xf32, #tpu.memory_space<hbm>> -> memref<1x10240x128xf32, #tpu.memory_space<hbm>>
          %dma_wait3A_83 = tpu.memref_squeeze %dma_wait3A_82 : memref<1x10240x128xf32, #tpu.memory_space<hbm>> -> memref<10240x128xf32, #tpu.memory_space<hbm>>
          %dma_wait3A_84 = arith.constant 0 : i32
          %dma_wait3A_85 = arith.constant 0 : i32
          %dma_wait3A_86 = tpu.memref_slice %dma_wait3A_83[%dma_wait3A_84, %dma_wait3A_85] : memref<10240x128xf32, #tpu.memory_space<hbm>> -> memref<10240x128xf32, #tpu.memory_space<hbm>>
          tpu.wait_indirect_dma semaphore(%arg11 : memref<!tpu.dma_semaphore, #tpu.memory_space<semaphore_mem>>) src(%dma_wait3A_86 : memref<10240x128xf32, #tpu.memory_space<hbm>>) dst(%arg8 : memref<128x128xf32, #tpu.memory_space<vmem>>)
          "tpu.region"() ({
            %run_scoped3A = tpu.sem_alloc : memref<!tpu.dma_semaphore, #tpu.memory_space<semaphore_mem>>
            %dma_start3A_106 = arith.constant 0 : i32
            %dma_start3A_107 = tpu.memref_slice %arg6[%mul3A_65, %dma_start3A_106] : memref<40x128xi32, #tpu.memory_space<vmem>> -> memref<1x128xi32, #tpu.memory_space<vmem>>
            %dma_start3A_108 = tpu.memref_squeeze %dma_start3A_107 : memref<1x128xi32, #tpu.memory_space<vmem>> -> memref<128xi32, #tpu.memory_space<vmem>>
            %dma_start3A_109 = arith.constant 0 : i32
            %dma_start3A_110 = arith.constant 0 : i32
            %dma_start3A_111 = tpu.memref_slice %arg10[%dma_start3A_109, %dma_start3A_110] : memref<10240x128xf32, #tpu.memory_space<vmem_shared>> -> memref<10240x128xf32, #tpu.memory_space<vmem_shared>>
            tpu.enqueue_indirect_dma source(%arg8 : memref<128x128xf32, #tpu.memory_space<vmem>>) target(%dma_start3A_111 : memref<10240x128xf32, #tpu.memory_space<vmem_shared>>) offsets(%dma_start3A_108 : memref<128xi32, #tpu.memory_space<vmem>>) semaphore(%run_scoped3A : memref<!tpu.dma_semaphore, #tpu.memory_space<semaphore_mem>>) {add = true}
            %dma_wait3A_112 = arith.constant 0 : i32
            %dma_wait3A_113 = tpu.memref_slice %arg6[%mul3A_65, %dma_wait3A_112] : memref<40x128xi32, #tpu.memory_space<vmem>> -> memref<1x128xi32, #tpu.memory_space<vmem>>
            %dma_wait3A_114 = tpu.memref_squeeze %dma_wait3A_113 : memref<1x128xi32, #tpu.memory_space<vmem>> -> memref<128xi32, #tpu.memory_space<vmem>>
            %dma_wait3A_115 = arith.constant 0 : i32
            %dma_wait3A_116 = arith.constant 0 : i32
            %dma_wait3A_117 = tpu.memref_slice %arg10[%dma_wait3A_115, %dma_wait3A_116] : memref<10240x128xf32, #tpu.memory_space<vmem_shared>> -> memref<10240x128xf32, #tpu.memory_space<vmem_shared>>
            tpu.wait_indirect_dma semaphore(%run_scoped3A : memref<!tpu.dma_semaphore, #tpu.memory_space<semaphore_mem>>) src(%arg8 : memref<128x128xf32, #tpu.memory_space<vmem>>) dst(%dma_wait3A_117 : memref<10240x128xf32, #tpu.memory_space<vmem_shared>>)
            tpu.yield
          }) : () -> ()
          %add3A_87 = arith.constant 2 : i32
          %add3A_88 = arith.addi %mul3A_65, %add3A_87 : i32
          %lt3A = arith.constant 40 : i32
          %lt3A_89 = arith.cmpi slt, %add3A_88, %lt3A : i32
          %convert_element_type3A = arith.extui %lt3A_89 : i1 to i32
          %cond3A = arith.constant 0 : i32
          %cond3A_90 = arith.cmpi ne, %convert_element_type3A, %cond3A : i32
          scf.if %cond3A_90 {
            %add3A_106 = arith.constant 2 : i32
            %add3A_107 = arith.addi %mul3A_65, %add3A_106 : i32
            %dma_start3A_108 = arith.constant 0 : i32
            %dma_start3A_109 = tpu.memref_slice %arg7[%add3A_107, %dma_start3A_108] : memref<40x128xi32, #tpu.memory_space<vmem>> -> memref<1x128xi32, #tpu.memory_space<vmem>>
            %dma_start3A_110 = tpu.memref_squeeze %dma_start3A_109 : memref<1x128xi32, #tpu.memory_space<vmem>> -> memref<128xi32, #tpu.memory_space<vmem>>
            %dma_start3A_111 = arith.constant 0 : i32
            %dma_start3A_112 = arith.constant 0 : i32
            %dma_start3A_113 = tpu.memref_slice %arg4[%scan3A_22, %dma_start3A_111, %dma_start3A_112] : memref<8x10240x128xf32, #tpu.memory_space<hbm>> -> memref<1x10240x128xf32, #tpu.memory_space<hbm>>
            %dma_start3A_114 = tpu.memref_squeeze %dma_start3A_113 : memref<1x10240x128xf32, #tpu.memory_space<hbm>> -> memref<10240x128xf32, #tpu.memory_space<hbm>>
            %dma_start3A_115 = arith.constant 0 : i32
            %dma_start3A_116 = arith.constant 0 : i32
            %dma_start3A_117 = tpu.memref_slice %dma_start3A_114[%dma_start3A_115, %dma_start3A_116] : memref<10240x128xf32, #tpu.memory_space<hbm>> -> memref<10240x128xf32, #tpu.memory_space<hbm>>
            tpu.enqueue_indirect_dma source(%dma_start3A_117 : memref<10240x128xf32, #tpu.memory_space<hbm>>) target(%arg8 : memref<128x128xf32, #tpu.memory_space<vmem>>) offsets(%dma_start3A_110 : memref<128xi32, #tpu.memory_space<vmem>>) semaphore(%arg11 : memref<!tpu.dma_semaphore, #tpu.memory_space<semaphore_mem>>)
          } else {
          }
          %add3A_91 = arith.constant 1 : i32
          %add3A_92 = arith.addi %mul3A_65, %add3A_91 : i32
          %dma_wait3A_93 = arith.constant 0 : i32
          %dma_wait3A_94 = tpu.memref_slice %arg7[%add3A_92, %dma_wait3A_93] : memref<40x128xi32, #tpu.memory_space<vmem>> -> memref<1x128xi32, #tpu.memory_space<vmem>>
          %dma_wait3A_95 = tpu.memref_squeeze %dma_wait3A_94 : memref<1x128xi32, #tpu.memory_space<vmem>> -> memref<128xi32, #tpu.memory_space<vmem>>
          %dma_wait3A_96 = arith.constant 0 : i32
          %dma_wait3A_97 = arith.constant 0 : i32
          %dma_wait3A_98 = tpu.memref_slice %arg4[%scan3A_22, %dma_wait3A_96, %dma_wait3A_97] : memref<8x10240x128xf32, #tpu.memory_space<hbm>> -> memref<1x10240x128xf32, #tpu.memory_space<hbm>>
          %dma_wait3A_99 = tpu.memref_squeeze %dma_wait3A_98 : memref<1x10240x128xf32, #tpu.memory_space<hbm>> -> memref<10240x128xf32, #tpu.memory_space<hbm>>
          %dma_wait3A_100 = arith.constant 0 : i32
          %dma_wait3A_101 = arith.constant 0 : i32
          %dma_wait3A_102 = tpu.memref_slice %dma_wait3A_99[%dma_wait3A_100, %dma_wait3A_101] : memref<10240x128xf32, #tpu.memory_space<hbm>> -> memref<10240x128xf32, #tpu.memory_space<hbm>>
          tpu.wait_indirect_dma semaphore(%arg12 : memref<!tpu.dma_semaphore, #tpu.memory_space<semaphore_mem>>) src(%dma_wait3A_102 : memref<10240x128xf32, #tpu.memory_space<hbm>>) dst(%arg9 : memref<128x128xf32, #tpu.memory_space<vmem>>)
          %add3A_103 = arith.constant 1 : i32
          %add3A_104 = arith.addi %mul3A_65, %add3A_103 : i32
          "tpu.region"() ({
            %run_scoped3A = tpu.sem_alloc : memref<!tpu.dma_semaphore, #tpu.memory_space<semaphore_mem>>
            %dma_start3A_106 = arith.constant 0 : i32
            %dma_start3A_107 = tpu.memref_slice %arg6[%add3A_104, %dma_start3A_106] : memref<40x128xi32, #tpu.memory_space<vmem>> -> memref<1x128xi32, #tpu.memory_space<vmem>>
            %dma_start3A_108 = tpu.memref_squeeze %dma_start3A_107 : memref<1x128xi32, #tpu.memory_space<vmem>> -> memref<128xi32, #tpu.memory_space<vmem>>
            %dma_start3A_109 = arith.constant 0 : i32
            %dma_start3A_110 = arith.constant 0 : i32
            %dma_start3A_111 = tpu.memref_slice %arg10[%dma_start3A_109, %dma_start3A_110] : memref<10240x128xf32, #tpu.memory_space<vmem_shared>> -> memref<10240x128xf32, #tpu.memory_space<vmem_shared>>
            tpu.enqueue_indirect_dma source(%arg9 : memref<128x128xf32, #tpu.memory_space<vmem>>) target(%dma_start3A_111 : memref<10240x128xf32, #tpu.memory_space<vmem_shared>>) offsets(%dma_start3A_108 : memref<128xi32, #tpu.memory_space<vmem>>) semaphore(%run_scoped3A : memref<!tpu.dma_semaphore, #tpu.memory_space<semaphore_mem>>) {add = true}
            %dma_wait3A_112 = arith.constant 0 : i32
            %dma_wait3A_113 = tpu.memref_slice %arg6[%add3A_104, %dma_wait3A_112] : memref<40x128xi32, #tpu.memory_space<vmem>> -> memref<1x128xi32, #tpu.memory_space<vmem>>
            %dma_wait3A_114 = tpu.memref_squeeze %dma_wait3A_113 : memref<1x128xi32, #tpu.memory_space<vmem>> -> memref<128xi32, #tpu.memory_space<vmem>>
            %dma_wait3A_115 = arith.constant 0 : i32
            %dma_wait3A_116 = arith.constant 0 : i32
            %dma_wait3A_117 = tpu.memref_slice %arg10[%dma_wait3A_115, %dma_wait3A_116] : memref<10240x128xf32, #tpu.memory_space<vmem_shared>> -> memref<10240x128xf32, #tpu.memory_space<vmem_shared>>
            tpu.wait_indirect_dma semaphore(%run_scoped3A : memref<!tpu.dma_semaphore, #tpu.memory_space<semaphore_mem>>) src(%arg9 : memref<128x128xf32, #tpu.memory_space<vmem>>) dst(%dma_wait3A_117 : memref<10240x128xf32, #tpu.memory_space<vmem_shared>>)
            tpu.yield
          }) : () -> ()
          %scan3A_105 = arith.constant 0 : i32
          scf.yield %scan3A_105 : i32
        }
        %scan3A_60 = arith.constant 20 : i32
        %scan3A_61 = arith.constant 0 : i32
        scf.yield %scan3A_61 : i32
      }
      %scan3A_30 = arith.constant 2 : i32
      %barrier3A_31 = arith.constant 0 : index
      tpu.barrier barrier_id(%barrier3A_31)
      %mul3A_32 = arith.constant 640 : i32
      %mul3A_33 = arith.muli %arg1, %mul3A_32 : i32
      %mul3A_34 = arith.constant 640 : i32
      %mul3A_35 = arith.muli %arg1, %mul3A_34 : i32
      "tpu.region"() ({
        %run_scoped3A = tpu.sem_alloc : memref<!tpu.dma_semaphore, #tpu.memory_space<semaphore_mem>>
        %dma_start3A = arith.constant 0 : i32
        %dma_start3A_38 = arith.constant 0 : i32
        %dma_start3A_39 = arith.constant 0 : i32
        %dma_start3A_40 = tpu.memref_slice %arg5[%arg0, %dma_start3A, %dma_start3A_38, %dma_start3A_39] : memref<2x8x10240x128xf32, #tpu.memory_space<hbm>> -> memref<1x8x10240x128xf32, #tpu.memory_space<hbm>>
        %dma_start3A_41 = tpu.memref_squeeze %dma_start3A_40 : memref<1x8x10240x128xf32, #tpu.memory_space<hbm>> -> memref<8x10240x128xf32, #tpu.memory_space<hbm>>
        %dma_start3A_42 = arith.constant 0 : i32
        %dma_start3A_43 = arith.constant 0 : i32
        %dma_start3A_44 = tpu.memref_slice %dma_start3A_41[%scan3A_22, %dma_start3A_42, %dma_start3A_43] : memref<8x10240x128xf32, #tpu.memory_space<hbm>> -> memref<1x10240x128xf32, #tpu.memory_space<hbm>>
        %dma_start3A_45 = tpu.memref_squeeze %dma_start3A_44 : memref<1x10240x128xf32, #tpu.memory_space<hbm>> -> memref<10240x128xf32, #tpu.memory_space<hbm>>
        %dma_start3A_46 = arith.constant 0 : i32
        %dma_start3A_47 = tpu.memref_slice %dma_start3A_45[%mul3A_35, %dma_start3A_46] : memref<10240x128xf32, #tpu.memory_space<hbm>> -> memref<640x128xf32, #tpu.memory_space<hbm>>
        %dma_start3A_48 = arith.constant 0 : i32
        %dma_start3A_49 = tpu.memref_slice %arg10[%mul3A_33, %dma_start3A_48] : memref<10240x128xf32, #tpu.memory_space<vmem_shared>> -> memref<640x128xf32, #tpu.memory_space<vmem_shared>>
        tpu.enqueue_dma source(%dma_start3A_49 : memref<640x128xf32, #tpu.memory_space<vmem_shared>>) target(%dma_start3A_47 : memref<640x128xf32, #tpu.memory_space<hbm>>) target_semaphore(%run_scoped3A : memref<!tpu.dma_semaphore, #tpu.memory_space<semaphore_mem>>)
        %dma_wait3A = arith.constant 0 : i32
        %dma_wait3A_50 = arith.constant 0 : i32
        %dma_wait3A_51 = arith.constant 0 : i32
        %dma_wait3A_52 = tpu.memref_slice %arg5[%arg0, %dma_wait3A, %dma_wait3A_50, %dma_wait3A_51] : memref<2x8x10240x128xf32, #tpu.memory_space<hbm>> -> memref<1x8x10240x128xf32, #tpu.memory_space<hbm>>
        %dma_wait3A_53 = tpu.memref_squeeze %dma_wait3A_52 : memref<1x8x10240x128xf32, #tpu.memory_space<hbm>> -> memref<8x10240x128xf32, #tpu.memory_space<hbm>>
        %dma_wait3A_54 = arith.constant 0 : i32
        %dma_wait3A_55 = arith.constant 0 : i32
        %dma_wait3A_56 = tpu.memref_slice %dma_wait3A_53[%scan3A_22, %dma_wait3A_54, %dma_wait3A_55] : memref<8x10240x128xf32, #tpu.memory_space<hbm>> -> memref<1x10240x128xf32, #tpu.memory_space<hbm>>
        %dma_wait3A_57 = tpu.memref_squeeze %dma_wait3A_56 : memref<1x10240x128xf32, #tpu.memory_space<hbm>> -> memref<10240x128xf32, #tpu.memory_space<hbm>>
        %dma_wait3A_58 = arith.constant 0 : i32
        %dma_wait3A_59 = tpu.memref_slice %dma_wait3A_57[%mul3A_35, %dma_wait3A_58] : memref<10240x128xf32, #tpu.memory_space<hbm>> -> memref<640x128xf32, #tpu.memory_space<hbm>>
        %dma_wait3A_60 = arith.constant 0 : i32
        %dma_wait3A_61 = tpu.memref_slice %arg10[%mul3A_33, %dma_wait3A_60] : memref<10240x128xf32, #tpu.memory_space<vmem_shared>> -> memref<640x128xf32, #tpu.memory_space<vmem_shared>>
        tpu.wait_dma2 semaphore(%run_scoped3A : memref<!tpu.dma_semaphore, #tpu.memory_space<semaphore_mem>>) src(%dma_wait3A_61 : memref<640x128xf32, #tpu.memory_space<vmem_shared>>) dst(%dma_wait3A_59 : memref<640x128xf32, #tpu.memory_space<hbm>>)
        tpu.yield
      }) : () -> ()
      %barrier3A_36 = arith.constant 0 : index
      tpu.barrier barrier_id(%barrier3A_36)
      %scan3A_37 = arith.constant 0 : i32
      scf.yield %scan3A_37 : i32
    }
    %scan3A_21 = arith.constant 8 : i32
    return
  }
}

module attributes {stable_mosaic.version = 14 : i64} {
  func.func @_tc1_body(%arg0: memref<32x10240xf32, #tpu.memory_space<vmem>>, %arg1: memref<10000x128xf32, #tpu.memory_space<vmem>>, %arg2: memref<10240x1xf32, #tpu.memory_space<vmem>>, %arg3: memref<10240x128xf32, #tpu.memory_space<vmem>>) attributes {dimension_semantics = [], scalar_prefetch = 0 : i64, scratch_operands = 0 : i64, tpu.core_type = #tpu.core_type<tc>} {
    %get3A = arith.constant 0 : index
    %get3A_0 = arith.constant 0 : index
    %get3A_1 = vector.load %arg0[%get3A, %get3A_0] : memref<32x10240xf32, #tpu.memory_space<vmem>>, vector<32x10240xf32>
    %reduce_sum3A = arith.constant dense<0.000000e+00> : vector<10240xf32>
    %reduce_sum3A_2 = vector.multi_reduction <add>, %get3A_1, %reduce_sum3A [0] : vector<32x10240xf32> to vector<10240xf32>
    %gt3A = arith.constant 0.000000e+00 : f32
    %gt3A_3 = vector.broadcast %gt3A : f32 to vector<10240xf32>
    %gt3A_4 = arith.cmpf ogt, %reduce_sum3A_2, %gt3A_3 : vector<10240xf32>
    %rsqrt3A = math.rsqrt %reduce_sum3A_2 : vector<10240xf32>
    %jit3A = arith.constant 0.000000e+00 : f32
    %broadcast_in_dim3A = vector.broadcast %jit3A : f32 to vector<10240xf32>
    %select_n3A = arith.select %gt3A_4, %rsqrt3A, %broadcast_in_dim3A : vector<10240xi1>, vector<10240xf32>
    %broadcast_in_dim3A_5 = vector.shape_cast %select_n3A : vector<10240xf32> to vector<10240x1xf32>
    %swap3A = arith.constant 0 : index
    %swap3A_6 = arith.constant 0 : index
    %swap3A_7 = vector.load %arg2[%swap3A, %swap3A_6] : memref<10240x1xf32, #tpu.memory_space<vmem>>, vector<10240x1xf32>
    tpu.vector_store %arg2[%swap3A, %swap3A_6], %broadcast_in_dim3A_5 {strides = array<i32>} : memref<10240x1xf32, #tpu.memory_space<vmem>>, vector<10240x1xf32>,
    %slice3A = vector.extract_strided_slice %select_n3A {offsets = [0], sizes = [10000], strides = [1]} : vector<10240xf32> to vector<10000xf32>
    %broadcast_in_dim3A_8 = vector.shape_cast %slice3A : vector<10000xf32> to vector<10000x1xf32>
    %get3A_9 = arith.constant 0 : index
    %get3A_10 = arith.constant 0 : index
    %get3A_11 = vector.load %arg1[%get3A_9, %get3A_10] : memref<10000x128xf32, #tpu.memory_space<vmem>>, vector<10000x128xf32>
    %mul3A = vector.broadcast %broadcast_in_dim3A_8 : vector<10000x1xf32> to vector<10000x128xf32>
    %mul3A_12 = arith.mulf %mul3A, %get3A_11 : vector<10000x128xf32>
    %swap3A_13 = arith.constant 0 : index
    %swap3A_14 = arith.constant 0 : index
    %swap3A_15 = vector.load %arg3[%swap3A_13, %swap3A_14] : memref<10240x128xf32, #tpu.memory_space<vmem>>, vector<10000x128xf32>
    tpu.vector_store %arg3[%swap3A_13, %swap3A_14], %mul3A_12 {strides = array<i32>} : memref<10240x128xf32, #tpu.memory_space<vmem>>, vector<10000x128xf32>,
    %broadcast_in_dim3A_16 = arith.constant 0.000000e+00 : f32
    %broadcast_in_dim3A_17 = vector.broadcast %broadcast_in_dim3A_16 : f32 to vector<240x128xf32>
    %swap3A_18 = arith.constant 10000 : index
    %swap3A_19 = arith.constant 0 : index
    %swap3A_20 = vector.load %arg3[%swap3A_18, %swap3A_19] : memref<10240x128xf32, #tpu.memory_space<vmem>>, vector<240x128xf32>
    tpu.vector_store %arg3[%swap3A_18, %swap3A_19], %broadcast_in_dim3A_17 {strides = array<i32>} : memref<10240x128xf32, #tpu.memory_space<vmem>>, vector<240x128xf32>,
    return
  }
}

module attributes {stable_mosaic.version = 14 : i64} {
  func.func @_tc2_body(%arg0: i32, %arg1: memref<2x1024x128xf32, #tpu.memory_space<vmem>>, %arg2: memref<32x10240xf32, #tpu.memory_space<vmem>>, %arg3: memref<1024x1xf32, #tpu.memory_space<vmem>>, %arg4: memref<128x1024xf32, #tpu.memory_space<vmem>>, %arg5: memref<1x1024xf32, #tpu.memory_space<vmem>>, %arg6: memref<1024x1024xf32, #tpu.memory_space<vmem>>, %arg7: memref<1x1024xf32, #tpu.memory_space<vmem>>, %arg8: memref<8x1024x128xf32, #tpu.memory_space<vmem>>) attributes {dimension_semantics = [#tpu.dimension_semantics<arbitrary>], iteration_bounds = array<i64: 10>, scalar_prefetch = 0 : i64, scratch_operands = 0 : i64, tpu.core_type = #tpu.core_type<tc>, window_params = [{transform_indices = @transform_0, window_bounds = array<i64: 2, 1024, 128>}, {pipeline_mode = #tpu.pipeline_mode<synchronous>, transform_indices = @transform_1, window_bounds = array<i64: 32, 10240>}, {transform_indices = @transform_2, window_bounds = array<i64: 1024, 1>}, {pipeline_mode = #tpu.pipeline_mode<synchronous>, transform_indices = @transform_3, window_bounds = array<i64: 128, 1024>}, {pipeline_mode = #tpu.pipeline_mode<synchronous>, transform_indices = @transform_4, window_bounds = array<i64: 1, 1024>}, {pipeline_mode = #tpu.pipeline_mode<synchronous>, transform_indices = @transform_5, window_bounds = array<i64: 1024, 1024>}, {pipeline_mode = #tpu.pipeline_mode<synchronous>, transform_indices = @transform_6, window_bounds = array<i64: 1, 1024>}, {transform_indices = @transform_7, window_bounds = array<i64: 8, 1024, 128>}]} {
    %get3A = arith.constant 0 : index
    %get3A_0 = arith.constant 0 : index
    %get3A_1 = vector.load %arg3[%get3A, %get3A_0] : memref<1024x1xf32, #tpu.memory_space<vmem>>, vector<1024x1xf32>
    %get3A_2 = arith.constant 0 : index
    %get3A_3 = arith.constant 0 : index
    %get3A_4 = arith.constant 0 : index
    %get3A_5 = vector.load %arg1[%get3A_2, %get3A_3, %get3A_4] : memref<2x1024x128xf32, #tpu.memory_space<vmem>>, vector<1x1024x128xf32>
    %get3A_6 = vector.shape_cast %get3A_5 : vector<1x1024x128xf32> to vector<1024x128xf32>
    %get3A_7 = arith.constant 1 : index
    %get3A_8 = arith.constant 0 : index
    %get3A_9 = arith.constant 0 : index
    %get3A_10 = vector.load %arg1[%get3A_7, %get3A_8, %get3A_9] : memref<2x1024x128xf32, #tpu.memory_space<vmem>>, vector<1x1024x128xf32>
    %get3A_11 = vector.shape_cast %get3A_10 : vector<1x1024x128xf32> to vector<1024x128xf32>
    %add3A = arith.addf %get3A_6, %get3A_11 : vector<1024x128xf32>
    %mul3A = vector.broadcast %get3A_1 : vector<1024x1xf32> to vector<1024x128xf32>
    %mul3A_12 = arith.mulf %add3A, %mul3A : vector<1024x128xf32>
    %mul3A_13 = arith.constant 1024 : i32
    %mul3A_14 = arith.muli %arg0, %mul3A_13 : i32
    %get3A_15 = arith.constant 0 : index
    %get3A_16 = arith.index_cast %mul3A_14 : i32 to index
    %get3A_17 = vector.load %arg2[%get3A_15, %get3A_16] : memref<32x10240xf32, #tpu.memory_space<vmem>>, vector<32x1024xf32>
    %reduce_sum3A = arith.constant dense<0.000000e+00> : vector<1024xf32>
    %reduce_sum3A_18 = vector.multi_reduction <add>, %get3A_17, %reduce_sum3A [0] : vector<32x1024xf32> to vector<1024xf32>
    %broadcast_in_dim3A = vector.shape_cast %reduce_sum3A_18 : vector<1024xf32> to vector<1024x1xf32>
    %mul3A_19 = arith.mulf %broadcast_in_dim3A, %get3A_1 : vector<1024x1xf32>
    %get3A_20 = arith.constant 0 : index
    %get3A_21 = arith.constant 0 : index
    %get3A_22 = vector.load %arg4[%get3A_20, %get3A_21] : memref<128x1024xf32, #tpu.memory_space<vmem>>, vector<128x1024xf32>
    %dot_general3A = arith.constant dense<0.000000e+00> : vector<1024x1024xf32>
    %dot_general3A_23 = tpu.matmul %mul3A_12, %get3A_22, %dot_general3A {dimension_numbers = #tpu.dot_dimension_numbers<[1], [0], [0], [1], [0, 0, 1, 1], [], []>, transpose_lhs_hint = false} : vector<1024x128xf32>, vector<128x1024xf32>, vector<1024x1024xf32> -> vector<1024x1024xf32>
    %get3A_24 = arith.constant 0 : index
    %get3A_25 = arith.constant 0 : index
    %get3A_26 = vector.load %arg5[%get3A_24, %get3A_25] : memref<1x1024xf32, #tpu.memory_space<vmem>>, vector<1x1024xf32>
    %mul3A_27 = vector.broadcast %mul3A_19 : vector<1024x1xf32> to vector<1024x1024xf32>
    %mul3A_28 = vector.broadcast %get3A_26 : vector<1x1024xf32> to vector<1024x1024xf32>
    %mul3A_29 = arith.mulf %mul3A_27, %mul3A_28 : vector<1024x1024xf32>
    %add3A_30 = arith.addf %dot_general3A_23, %mul3A_29 : vector<1024x1024xf32>
    %max3A = arith.constant 0.000000e+00 : f32
    %max3A_31 = vector.broadcast %max3A : f32 to vector<1024x1024xf32>
    %max3A_32 = arith.maximumf %add3A_30, %max3A_31 : vector<1024x1024xf32>
    %get3A_33 = arith.constant 0 : index
    %get3A_34 = arith.constant 0 : index
    %get3A_35 = vector.load %arg6[%get3A_33, %get3A_34] : memref<1024x1024xf32, #tpu.memory_space<vmem>>, vector<1024x128xf32>
    %dot_general3A_36 = arith.constant dense<0.000000e+00> : vector<1024x128xf32>
    %dot_general3A_37 = tpu.matmul %max3A_32, %get3A_35, %dot_general3A_36 {dimension_numbers = #tpu.dot_dimension_numbers<[1], [0], [0], [1], [0, 0, 1, 1], [], []>, transpose_lhs_hint = false} : vector<1024x1024xf32>, vector<1024x128xf32>, vector<1024x128xf32> -> vector<1024x128xf32>
    %get3A_38 = arith.constant 0 : index
    %get3A_39 = arith.constant 0 : index
    %get3A_40 = vector.load %arg7[%get3A_38, %get3A_39] : memref<1x1024xf32, #tpu.memory_space<vmem>>, vector<1x128xf32>
    %add3A_41 = vector.broadcast %get3A_40 : vector<1x128xf32> to vector<1024x128xf32>
    %add3A_42 = arith.addf %dot_general3A_37, %add3A_41 : vector<1024x128xf32>
    %mul3A_43 = vector.broadcast %get3A_1 : vector<1024x1xf32> to vector<1024x128xf32>
    %mul3A_44 = arith.mulf %add3A_42, %mul3A_43 : vector<1024x128xf32>
    %swap3A = arith.constant 0 : index
    %swap3A_45 = arith.constant 0 : index
    %swap3A_46 = arith.constant 0 : index
    %swap3A_47 = vector.load %arg8[%swap3A, %swap3A_45, %swap3A_46] : memref<8x1024x128xf32, #tpu.memory_space<vmem>>, vector<1x1024x128xf32>
    %swap3A_48 = vector.shape_cast %swap3A_47 : vector<1x1024x128xf32> to vector<1024x128xf32>
    %swap3A_49 = vector.shape_cast %mul3A_44 : vector<1024x128xf32> to vector<1x1024x128xf32>
    tpu.vector_store %arg8[%swap3A, %swap3A_45, %swap3A_46], %swap3A_49 {strides = array<i32>} : memref<8x1024x128xf32, #tpu.memory_space<vmem>>, vector<1x1024x128xf32>,
    %get3A_50 = arith.constant 0 : index
    %get3A_51 = arith.constant 128 : index
    %get3A_52 = vector.load %arg6[%get3A_50, %get3A_51] : memref<1024x1024xf32, #tpu.memory_space<vmem>>, vector<1024x128xf32>
    %dot_general3A_53 = arith.constant dense<0.000000e+00> : vector<1024x128xf32>
    %dot_general3A_54 = tpu.matmul %max3A_32, %get3A_52, %dot_general3A_53 {dimension_numbers = #tpu.dot_dimension_numbers<[1], [0], [0], [1], [0, 0, 1, 1], [], []>, transpose_lhs_hint = false} : vector<1024x1024xf32>, vector<1024x128xf32>, vector<1024x128xf32> -> vector<1024x128xf32>
    %get3A_55 = arith.constant 0 : index
    %get3A_56 = arith.constant 128 : index
    %get3A_57 = vector.load %arg7[%get3A_55, %get3A_56] : memref<1x1024xf32, #tpu.memory_space<vmem>>, vector<1x128xf32>
    %add3A_58 = vector.broadcast %get3A_57 : vector<1x128xf32> to vector<1024x128xf32>
    %add3A_59 = arith.addf %dot_general3A_54, %add3A_58 : vector<1024x128xf32>
    %mul3A_60 = vector.broadcast %get3A_1 : vector<1024x1xf32> to vector<1024x128xf32>
    %mul3A_61 = arith.mulf %add3A_59, %mul3A_60 : vector<1024x128xf32>
    %swap3A_62 = arith.constant 1 : index
    %swap3A_63 = arith.constant 0 : index
    %swap3A_64 = arith.constant 0 : index
    %swap3A_65 = vector.load %arg8[%swap3A_62, %swap3A_63, %swap3A_64] : memref<8x1024x128xf32, #tpu.memory_space<vmem>>, vector<1x1024x128xf32>
    %swap3A_66 = vector.shape_cast %swap3A_65 : vector<1x1024x128xf32> to vector<1024x128xf32>
    %swap3A_67 = vector.shape_cast %mul3A_61 : vector<1024x128xf32> to vector<1x1024x128xf32>
    tpu.vector_store %arg8[%swap3A_62, %swap3A_63, %swap3A_64], %swap3A_67 {strides = array<i32>} : memref<8x1024x128xf32, #tpu.memory_space<vmem>>, vector<1x1024x128xf32>,
    %get3A_68 = arith.constant 0 : index
    %get3A_69 = arith.constant 256 : index
    %get3A_70 = vector.load %arg6[%get3A_68, %get3A_69] : memref<1024x1024xf32, #tpu.memory_space<vmem>>, vector<1024x128xf32>
    %dot_general3A_71 = arith.constant dense<0.000000e+00> : vector<1024x128xf32>
    %dot_general3A_72 = tpu.matmul %max3A_32, %get3A_70, %dot_general3A_71 {dimension_numbers = #tpu.dot_dimension_numbers<[1], [0], [0], [1], [0, 0, 1, 1], [], []>, transpose_lhs_hint = false} : vector<1024x1024xf32>, vector<1024x128xf32>, vector<1024x128xf32> -> vector<1024x128xf32>
    %get3A_73 = arith.constant 0 : index
    %get3A_74 = arith.constant 256 : index
    %get3A_75 = vector.load %arg7[%get3A_73, %get3A_74] : memref<1x1024xf32, #tpu.memory_space<vmem>>, vector<1x128xf32>
    %add3A_76 = vector.broadcast %get3A_75 : vector<1x128xf32> to vector<1024x128xf32>
    %add3A_77 = arith.addf %dot_general3A_72, %add3A_76 : vector<1024x128xf32>
    %mul3A_78 = vector.broadcast %get3A_1 : vector<1024x1xf32> to vector<1024x128xf32>
    %mul3A_79 = arith.mulf %add3A_77, %mul3A_78 : vector<1024x128xf32>
    %swap3A_80 = arith.constant 2 : index
    %swap3A_81 = arith.constant 0 : index
    %swap3A_82 = arith.constant 0 : index
    %swap3A_83 = vector.load %arg8[%swap3A_80, %swap3A_81, %swap3A_82] : memref<8x1024x128xf32, #tpu.memory_space<vmem>>, vector<1x1024x128xf32>
    %swap3A_84 = vector.shape_cast %swap3A_83 : vector<1x1024x128xf32> to vector<1024x128xf32>
    %swap3A_85 = vector.shape_cast %mul3A_79 : vector<1024x128xf32> to vector<1x1024x128xf32>
    tpu.vector_store %arg8[%swap3A_80, %swap3A_81, %swap3A_82], %swap3A_85 {strides = array<i32>} : memref<8x1024x128xf32, #tpu.memory_space<vmem>>, vector<1x1024x128xf32>,
    %get3A_86 = arith.constant 0 : index
    %get3A_87 = arith.constant 384 : index
    %get3A_88 = vector.load %arg6[%get3A_86, %get3A_87] : memref<1024x1024xf32, #tpu.memory_space<vmem>>, vector<1024x128xf32>
    %dot_general3A_89 = arith.constant dense<0.000000e+00> : vector<1024x128xf32>
    %dot_general3A_90 = tpu.matmul %max3A_32, %get3A_88, %dot_general3A_89 {dimension_numbers = #tpu.dot_dimension_numbers<[1], [0], [0], [1], [0, 0, 1, 1], [], []>, transpose_lhs_hint = false} : vector<1024x1024xf32>, vector<1024x128xf32>, vector<1024x128xf32> -> vector<1024x128xf32>
    %get3A_91 = arith.constant 0 : index
    %get3A_92 = arith.constant 384 : index
    %get3A_93 = vector.load %arg7[%get3A_91, %get3A_92] : memref<1x1024xf32, #tpu.memory_space<vmem>>, vector<1x128xf32>
    %add3A_94 = vector.broadcast %get3A_93 : vector<1x128xf32> to vector<1024x128xf32>
    %add3A_95 = arith.addf %dot_general3A_90, %add3A_94 : vector<1024x128xf32>
    %mul3A_96 = vector.broadcast %get3A_1 : vector<1024x1xf32> to vector<1024x128xf32>
    %mul3A_97 = arith.mulf %add3A_95, %mul3A_96 : vector<1024x128xf32>
    %swap3A_98 = arith.constant 3 : index
    %swap3A_99 = arith.constant 0 : index
    %swap3A_100 = arith.constant 0 : index
    %swap3A_101 = vector.load %arg8[%swap3A_98, %swap3A_99, %swap3A_100] : memref<8x1024x128xf32, #tpu.memory_space<vmem>>, vector<1x1024x128xf32>
    %swap3A_102 = vector.shape_cast %swap3A_101 : vector<1x1024x128xf32> to vector<1024x128xf32>
    %swap3A_103 = vector.shape_cast %mul3A_97 : vector<1024x128xf32> to vector<1x1024x128xf32>
    tpu.vector_store %arg8[%swap3A_98, %swap3A_99, %swap3A_100], %swap3A_103 {strides = array<i32>} : memref<8x1024x128xf32, #tpu.memory_space<vmem>>, vector<1x1024x128xf32>,
    %get3A_104 = arith.constant 0 : index
    %get3A_105 = arith.constant 512 : index
    %get3A_106 = vector.load %arg6[%get3A_104, %get3A_105] : memref<1024x1024xf32, #tpu.memory_space<vmem>>, vector<1024x128xf32>
    %dot_general3A_107 = arith.constant dense<0.000000e+00> : vector<1024x128xf32>
    %dot_general3A_108 = tpu.matmul %max3A_32, %get3A_106, %dot_general3A_107 {dimension_numbers = #tpu.dot_dimension_numbers<[1], [0], [0], [1], [0, 0, 1, 1], [], []>, transpose_lhs_hint = false} : vector<1024x1024xf32>, vector<1024x128xf32>, vector<1024x128xf32> -> vector<1024x128xf32>
    %get3A_109 = arith.constant 0 : index
    %get3A_110 = arith.constant 512 : index
    %get3A_111 = vector.load %arg7[%get3A_109, %get3A_110] : memref<1x1024xf32, #tpu.memory_space<vmem>>, vector<1x128xf32>
    %add3A_112 = vector.broadcast %get3A_111 : vector<1x128xf32> to vector<1024x128xf32>
    %add3A_113 = arith.addf %dot_general3A_108, %add3A_112 : vector<1024x128xf32>
    %mul3A_114 = vector.broadcast %get3A_1 : vector<1024x1xf32> to vector<1024x128xf32>
    %mul3A_115 = arith.mulf %add3A_113, %mul3A_114 : vector<1024x128xf32>
    %swap3A_116 = arith.constant 4 : index
    %swap3A_117 = arith.constant 0 : index
    %swap3A_118 = arith.constant 0 : index
    %swap3A_119 = vector.load %arg8[%swap3A_116, %swap3A_117, %swap3A_118] : memref<8x1024x128xf32, #tpu.memory_space<vmem>>, vector<1x1024x128xf32>
    %swap3A_120 = vector.shape_cast %swap3A_119 : vector<1x1024x128xf32> to vector<1024x128xf32>
    %swap3A_121 = vector.shape_cast %mul3A_115 : vector<1024x128xf32> to vector<1x1024x128xf32>
    tpu.vector_store %arg8[%swap3A_116, %swap3A_117, %swap3A_118], %swap3A_121 {strides = array<i32>} : memref<8x1024x128xf32, #tpu.memory_space<vmem>>, vector<1x1024x128xf32>,
    %get3A_122 = arith.constant 0 : index
    %get3A_123 = arith.constant 640 : index
    %get3A_124 = vector.load %arg6[%get3A_122, %get3A_123] : memref<1024x1024xf32, #tpu.memory_space<vmem>>, vector<1024x128xf32>
    %dot_general3A_125 = arith.constant dense<0.000000e+00> : vector<1024x128xf32>
    %dot_general3A_126 = tpu.matmul %max3A_32, %get3A_124, %dot_general3A_125 {dimension_numbers = #tpu.dot_dimension_numbers<[1], [0], [0], [1], [0, 0, 1, 1], [], []>, transpose_lhs_hint = false} : vector<1024x1024xf32>, vector<1024x128xf32>, vector<1024x128xf32> -> vector<1024x128xf32>
    %get3A_127 = arith.constant 0 : index
    %get3A_128 = arith.constant 640 : index
    %get3A_129 = vector.load %arg7[%get3A_127, %get3A_128] : memref<1x1024xf32, #tpu.memory_space<vmem>>, vector<1x128xf32>
    %add3A_130 = vector.broadcast %get3A_129 : vector<1x128xf32> to vector<1024x128xf32>
    %add3A_131 = arith.addf %dot_general3A_126, %add3A_130 : vector<1024x128xf32>
    %mul3A_132 = vector.broadcast %get3A_1 : vector<1024x1xf32> to vector<1024x128xf32>
    %mul3A_133 = arith.mulf %add3A_131, %mul3A_132 : vector<1024x128xf32>
    %swap3A_134 = arith.constant 5 : index
    %swap3A_135 = arith.constant 0 : index
    %swap3A_136 = arith.constant 0 : index
    %swap3A_137 = vector.load %arg8[%swap3A_134, %swap3A_135, %swap3A_136] : memref<8x1024x128xf32, #tpu.memory_space<vmem>>, vector<1x1024x128xf32>
    %swap3A_138 = vector.shape_cast %swap3A_137 : vector<1x1024x128xf32> to vector<1024x128xf32>
    %swap3A_139 = vector.shape_cast %mul3A_133 : vector<1024x128xf32> to vector<1x1024x128xf32>
    tpu.vector_store %arg8[%swap3A_134, %swap3A_135, %swap3A_136], %swap3A_139 {strides = array<i32>} : memref<8x1024x128xf32, #tpu.memory_space<vmem>>, vector<1x1024x128xf32>,
    %get3A_140 = arith.constant 0 : index
    %get3A_141 = arith.constant 768 : index
    %get3A_142 = vector.load %arg6[%get3A_140, %get3A_141] : memref<1024x1024xf32, #tpu.memory_space<vmem>>, vector<1024x128xf32>
    %dot_general3A_143 = arith.constant dense<0.000000e+00> : vector<1024x128xf32>
    %dot_general3A_144 = tpu.matmul %max3A_32, %get3A_142, %dot_general3A_143 {dimension_numbers = #tpu.dot_dimension_numbers<[1], [0], [0], [1], [0, 0, 1, 1], [], []>, transpose_lhs_hint = false} : vector<1024x1024xf32>, vector<1024x128xf32>, vector<1024x128xf32> -> vector<1024x128xf32>
    %get3A_145 = arith.constant 0 : index
    %get3A_146 = arith.constant 768 : index
    %get3A_147 = vector.load %arg7[%get3A_145, %get3A_146] : memref<1x1024xf32, #tpu.memory_space<vmem>>, vector<1x128xf32>
    %add3A_148 = vector.broadcast %get3A_147 : vector<1x128xf32> to vector<1024x128xf32>
    %add3A_149 = arith.addf %dot_general3A_144, %add3A_148 : vector<1024x128xf32>
    %mul3A_150 = vector.broadcast %get3A_1 : vector<1024x1xf32> to vector<1024x128xf32>
    %mul3A_151 = arith.mulf %add3A_149, %mul3A_150 : vector<1024x128xf32>
    %swap3A_152 = arith.constant 6 : index
    %swap3A_153 = arith.constant 0 : index
    %swap3A_154 = arith.constant 0 : index
    %swap3A_155 = vector.load %arg8[%swap3A_152, %swap3A_153, %swap3A_154] : memref<8x1024x128xf32, #tpu.memory_space<vmem>>, vector<1x1024x128xf32>
    %swap3A_156 = vector.shape_cast %swap3A_155 : vector<1x1024x128xf32> to vector<1024x128xf32>
    %swap3A_157 = vector.shape_cast %mul3A_151 : vector<1024x128xf32> to vector<1x1024x128xf32>
    tpu.vector_store %arg8[%swap3A_152, %swap3A_153, %swap3A_154], %swap3A_157 {strides = array<i32>} : memref<8x1024x128xf32, #tpu.memory_space<vmem>>, vector<1x1024x128xf32>,
    %get3A_158 = arith.constant 0 : index
    %get3A_159 = arith.constant 896 : index
    %get3A_160 = vector.load %arg6[%get3A_158, %get3A_159] : memref<1024x1024xf32, #tpu.memory_space<vmem>>, vector<1024x128xf32>
    %dot_general3A_161 = arith.constant dense<0.000000e+00> : vector<1024x128xf32>
    %dot_general3A_162 = tpu.matmul %max3A_32, %get3A_160, %dot_general3A_161 {dimension_numbers = #tpu.dot_dimension_numbers<[1], [0], [0], [1], [0, 0, 1, 1], [], []>, transpose_lhs_hint = false} : vector<1024x1024xf32>, vector<1024x128xf32>, vector<1024x128xf32> -> vector<1024x128xf32>
    %get3A_163 = arith.constant 0 : index
    %get3A_164 = arith.constant 896 : index
    %get3A_165 = vector.load %arg7[%get3A_163, %get3A_164] : memref<1x1024xf32, #tpu.memory_space<vmem>>, vector<1x128xf32>
    %add3A_166 = vector.broadcast %get3A_165 : vector<1x128xf32> to vector<1024x128xf32>
    %add3A_167 = arith.addf %dot_general3A_162, %add3A_166 : vector<1024x128xf32>
    %mul3A_168 = vector.broadcast %get3A_1 : vector<1024x1xf32> to vector<1024x128xf32>
    %mul3A_169 = arith.mulf %add3A_167, %mul3A_168 : vector<1024x128xf32>
    %swap3A_170 = arith.constant 7 : index
    %swap3A_171 = arith.constant 0 : index
    %swap3A_172 = arith.constant 0 : index
    %swap3A_173 = vector.load %arg8[%swap3A_170, %swap3A_171, %swap3A_172] : memref<8x1024x128xf32, #tpu.memory_space<vmem>>, vector<1x1024x128xf32>
    %swap3A_174 = vector.shape_cast %swap3A_173 : vector<1x1024x128xf32> to vector<1024x128xf32>
    %swap3A_175 = vector.shape_cast %mul3A_169 : vector<1024x128xf32> to vector<1x1024x128xf32>
    tpu.vector_store %arg8[%swap3A_170, %swap3A_171, %swap3A_172], %swap3A_175 {strides = array<i32>} : memref<8x1024x128xf32, #tpu.memory_space<vmem>>, vector<1x1024x128xf32>,
    return
  }
  func.func @transform_0(%arg0: i32) -> (i32, i32, i32) {
    %c0_i32 = arith.constant 0 : i32
    %c0_i32_0 = arith.constant 0 : i32
    %c0_i32_1 = arith.constant 0 : i32
    return %c0_i32, %arg0, %c0_i32_0 : i32, i32, i32
  }
  func.func @transform_1(%arg0: i32) -> (i32, i32) {
    %c0_i32 = arith.constant 0 : i32
    %c0_i32_0 = arith.constant 0 : i32
    %c0_i32_1 = arith.constant 0 : i32
    return %c0_i32, %c0_i32_0 : i32, i32
  }
  func.func @transform_2(%arg0: i32) -> (i32, i32) {
    %c0_i32 = arith.constant 0 : i32
    %c0_i32_0 = arith.constant 0 : i32
    return %arg0, %c0_i32 : i32, i32
  }
  func.func @transform_3(%arg0: i32) -> (i32, i32) {
    %c0_i32 = arith.constant 0 : i32
    %c0_i32_0 = arith.constant 0 : i32
    %c0_i32_1 = arith.constant 0 : i32
    return %c0_i32, %c0_i32_0 : i32, i32
  }
  func.func @transform_4(%arg0: i32) -> (i32, i32) {
    %c0_i32 = arith.constant 0 : i32
    %c0_i32_0 = arith.constant 0 : i32
    %c0_i32_1 = arith.constant 0 : i32
    return %c0_i32, %c0_i32_0 : i32, i32
  }
  func.func @transform_5(%arg0: i32) -> (i32, i32) {
    %c0_i32 = arith.constant 0 : i32
    %c0_i32_0 = arith.constant 0 : i32
    %c0_i32_1 = arith.constant 0 : i32
    return %c0_i32, %c0_i32_0 : i32, i32
  }
  func.func @transform_6(%arg0: i32) -> (i32, i32) {
    %c0_i32 = arith.constant 0 : i32
    %c0_i32_0 = arith.constant 0 : i32
    %c0_i32_1 = arith.constant 0 : i32
    return %c0_i32, %c0_i32_0 : i32, i32
  }
  func.func @transform_7(%arg0: i32) -> (i32, i32, i32) {
    %c0_i32 = arith.constant 0 : i32
    %c0_i32_0 = arith.constant 0 : i32
    %c0_i32_1 = arith.constant 0 : i32
    return %c0_i32, %arg0, %c0_i32_0 : i32, i32, i32
  }
}

module attributes {stable_mosaic.version = 14 : i64} {
  func.func @_tc3_body(%arg0: i32, %arg1: memref<2x8x1000x128xf32, #tpu.memory_space<vmem>>, %arg2: memref<1000x1xf32, #tpu.memory_space<vmem>>, %arg3: memref<1000x1024xf32, #tpu.memory_space<vmem>>) attributes {dimension_semantics = [#tpu.dimension_semantics<arbitrary>], iteration_bounds = array<i64: 10>, scalar_prefetch = 0 : i64, scratch_operands = 0 : i64, tpu.core_type = #tpu.core_type<tc>, window_params = [{transform_indices = @transform_0, window_bounds = array<i64: 2, 8, 1000, 128>}, {transform_indices = @transform_1, window_bounds = array<i64: 1000, 1>}, {transform_indices = @transform_2, window_bounds = array<i64: 1000, 1024>}]} {
    %get3A = arith.constant 0 : index
    %get3A_0 = arith.constant 0 : index
    %get3A_1 = vector.load %arg2[%get3A, %get3A_0] : memref<1000x1xf32, #tpu.memory_space<vmem>>, vector<1000x1xf32>
    %get3A_2 = arith.constant 0 : index
    %get3A_3 = arith.constant 0 : index
    %get3A_4 = arith.constant 0 : index
    %get3A_5 = arith.constant 0 : index
    %get3A_6 = vector.load %arg1[%get3A_2, %get3A_3, %get3A_4, %get3A_5] : memref<2x8x1000x128xf32, #tpu.memory_space<vmem>>, vector<1x8x1000x128xf32>
    %get3A_7 = vector.shape_cast %get3A_6 : vector<1x8x1000x128xf32> to vector<8x1000x128xf32>
    %get3A_8 = arith.constant 1 : index
    %get3A_9 = arith.constant 0 : index
    %get3A_10 = arith.constant 0 : index
    %get3A_11 = arith.constant 0 : index
    %get3A_12 = vector.load %arg1[%get3A_8, %get3A_9, %get3A_10, %get3A_11] : memref<2x8x1000x128xf32, #tpu.memory_space<vmem>>, vector<1x8x1000x128xf32>
    %get3A_13 = vector.shape_cast %get3A_12 : vector<1x8x1000x128xf32> to vector<8x1000x128xf32>
    %add3A = arith.addf %get3A_7, %get3A_13 : vector<8x1000x128xf32>
    %slice3A = vector.extract_strided_slice %add3A {offsets = [0, 0, 0], sizes = [1, 1000, 128], strides = [1, 1, 1]} : vector<8x1000x128xf32> to vector<1x1000x128xf32>
    %squeeze3A = vector.shape_cast %slice3A : vector<1x1000x128xf32> to vector<1000x128xf32>
    %mul3A = vector.broadcast %get3A_1 : vector<1000x1xf32> to vector<1000x128xf32>
    %mul3A_14 = arith.mulf %squeeze3A, %mul3A : vector<1000x128xf32>
    %max3A = arith.constant 0.000000e+00 : f32
    %max3A_15 = vector.broadcast %max3A : f32 to vector<1000x128xf32>
    %max3A_16 = arith.maximumf %mul3A_14, %max3A_15 : vector<1000x128xf32>
    %swap3A = arith.constant 0 : index
    %swap3A_17 = arith.constant 0 : index
    %swap3A_18 = vector.load %arg3[%swap3A, %swap3A_17] : memref<1000x1024xf32, #tpu.memory_space<vmem>>, vector<1000x128xf32>
    tpu.vector_store %arg3[%swap3A, %swap3A_17], %max3A_16 {strides = array<i32>} : memref<1000x1024xf32, #tpu.memory_space<vmem>>, vector<1000x128xf32>,
    %slice3A_19 = vector.extract_strided_slice %add3A {offsets = [1, 0, 0], sizes = [1, 1000, 128], strides = [1, 1, 1]} : vector<8x1000x128xf32> to vector<1x1000x128xf32>
    %squeeze3A_20 = vector.shape_cast %slice3A_19 : vector<1x1000x128xf32> to vector<1000x128xf32>
    %slice3A_21 = vector.extract_strided_slice %add3A {offsets = [0, 0, 0], sizes = [1, 1000, 128], strides = [1, 1, 1]} : vector<8x1000x128xf32> to vector<1x1000x128xf32>
    %squeeze3A_22 = vector.shape_cast %slice3A_21 : vector<1x1000x128xf32> to vector<1000x128xf32>
    %sub3A = arith.subf %squeeze3A_20, %squeeze3A_22 : vector<1000x128xf32>
    %mul3A_23 = vector.broadcast %get3A_1 : vector<1000x1xf32> to vector<1000x128xf32>
    %mul3A_24 = arith.mulf %sub3A, %mul3A_23 : vector<1000x128xf32>
    %max3A_25 = arith.constant 0.000000e+00 : f32
    %max3A_26 = vector.broadcast %max3A_25 : f32 to vector<1000x128xf32>
    %max3A_27 = arith.maximumf %mul3A_24, %max3A_26 : vector<1000x128xf32>
    %swap3A_28 = arith.constant 0 : index
    %swap3A_29 = arith.constant 128 : index
    %swap3A_30 = vector.load %arg3[%swap3A_28, %swap3A_29] : memref<1000x1024xf32, #tpu.memory_space<vmem>>, vector<1000x128xf32>
    tpu.vector_store %arg3[%swap3A_28, %swap3A_29], %max3A_27 {strides = array<i32>} : memref<1000x1024xf32, #tpu.memory_space<vmem>>, vector<1000x128xf32>,
    %slice3A_31 = vector.extract_strided_slice %add3A {offsets = [2, 0, 0], sizes = [1, 1000, 128], strides = [1, 1, 1]} : vector<8x1000x128xf32> to vector<1x1000x128xf32>
    %squeeze3A_32 = vector.shape_cast %slice3A_31 : vector<1x1000x128xf32> to vector<1000x128xf32>
    %slice3A_33 = vector.extract_strided_slice %add3A {offsets = [1, 0, 0], sizes = [1, 1000, 128], strides = [1, 1, 1]} : vector<8x1000x128xf32> to vector<1x1000x128xf32>
    %squeeze3A_34 = vector.shape_cast %slice3A_33 : vector<1x1000x128xf32> to vector<1000x128xf32>
    %sub3A_35 = arith.subf %squeeze3A_32, %squeeze3A_34 : vector<1000x128xf32>
    %mul3A_36 = vector.broadcast %get3A_1 : vector<1000x1xf32> to vector<1000x128xf32>
    %mul3A_37 = arith.mulf %sub3A_35, %mul3A_36 : vector<1000x128xf32>
    %max3A_38 = arith.constant 0.000000e+00 : f32
    %max3A_39 = vector.broadcast %max3A_38 : f32 to vector<1000x128xf32>
    %max3A_40 = arith.maximumf %mul3A_37, %max3A_39 : vector<1000x128xf32>
    %swap3A_41 = arith.constant 0 : index
    %swap3A_42 = arith.constant 256 : index
    %swap3A_43 = vector.load %arg3[%swap3A_41, %swap3A_42] : memref<1000x1024xf32, #tpu.memory_space<vmem>>, vector<1000x128xf32>
    tpu.vector_store %arg3[%swap3A_41, %swap3A_42], %max3A_40 {strides = array<i32>} : memref<1000x1024xf32, #tpu.memory_space<vmem>>, vector<1000x128xf32>,
    %slice3A_44 = vector.extract_strided_slice %add3A {offsets = [3, 0, 0], sizes = [1, 1000, 128], strides = [1, 1, 1]} : vector<8x1000x128xf32> to vector<1x1000x128xf32>
    %squeeze3A_45 = vector.shape_cast %slice3A_44 : vector<1x1000x128xf32> to vector<1000x128xf32>
    %slice3A_46 = vector.extract_strided_slice %add3A {offsets = [2, 0, 0], sizes = [1, 1000, 128], strides = [1, 1, 1]} : vector<8x1000x128xf32> to vector<1x1000x128xf32>
    %squeeze3A_47 = vector.shape_cast %slice3A_46 : vector<1x1000x128xf32> to vector<1000x128xf32>
    %sub3A_48 = arith.subf %squeeze3A_45, %squeeze3A_47 : vector<1000x128xf32>
    %mul3A_49 = vector.broadcast %get3A_1 : vector<1000x1xf32> to vector<1000x128xf32>
    %mul3A_50 = arith.mulf %sub3A_48, %mul3A_49 : vector<1000x128xf32>
    %max3A_51 = arith.constant 0.000000e+00 : f32
    %max3A_52 = vector.broadcast %max3A_51 : f32 to vector<1000x128xf32>
    %max3A_53 = arith.maximumf %mul3A_50, %max3A_52 : vector<1000x128xf32>
    %swap3A_54 = arith.constant 0 : index
    %swap3A_55 = arith.constant 384 : index
    %swap3A_56 = vector.load %arg3[%swap3A_54, %swap3A_55] : memref<1000x1024xf32, #tpu.memory_space<vmem>>, vector<1000x128xf32>
    tpu.vector_store %arg3[%swap3A_54, %swap3A_55], %max3A_53 {strides = array<i32>} : memref<1000x1024xf32, #tpu.memory_space<vmem>>, vector<1000x128xf32>,
    %slice3A_57 = vector.extract_strided_slice %add3A {offsets = [4, 0, 0], sizes = [1, 1000, 128], strides = [1, 1, 1]} : vector<8x1000x128xf32> to vector<1x1000x128xf32>
    %squeeze3A_58 = vector.shape_cast %slice3A_57 : vector<1x1000x128xf32> to vector<1000x128xf32>
    %slice3A_59 = vector.extract_strided_slice %add3A {offsets = [3, 0, 0], sizes = [1, 1000, 128], strides = [1, 1, 1]} : vector<8x1000x128xf32> to vector<1x1000x128xf32>
    %squeeze3A_60 = vector.shape_cast %slice3A_59 : vector<1x1000x128xf32> to vector<1000x128xf32>
    %sub3A_61 = arith.subf %squeeze3A_58, %squeeze3A_60 : vector<1000x128xf32>
    %mul3A_62 = vector.broadcast %get3A_1 : vector<1000x1xf32> to vector<1000x128xf32>
    %mul3A_63 = arith.mulf %sub3A_61, %mul3A_62 : vector<1000x128xf32>
    %max3A_64 = arith.constant 0.000000e+00 : f32
    %max3A_65 = vector.broadcast %max3A_64 : f32 to vector<1000x128xf32>
    %max3A_66 = arith.maximumf %mul3A_63, %max3A_65 : vector<1000x128xf32>
    %swap3A_67 = arith.constant 0 : index
    %swap3A_68 = arith.constant 512 : index
    %swap3A_69 = vector.load %arg3[%swap3A_67, %swap3A_68] : memref<1000x1024xf32, #tpu.memory_space<vmem>>, vector<1000x128xf32>
    tpu.vector_store %arg3[%swap3A_67, %swap3A_68], %max3A_66 {strides = array<i32>} : memref<1000x1024xf32, #tpu.memory_space<vmem>>, vector<1000x128xf32>,
    %slice3A_70 = vector.extract_strided_slice %add3A {offsets = [5, 0, 0], sizes = [1, 1000, 128], strides = [1, 1, 1]} : vector<8x1000x128xf32> to vector<1x1000x128xf32>
    %squeeze3A_71 = vector.shape_cast %slice3A_70 : vector<1x1000x128xf32> to vector<1000x128xf32>
    %slice3A_72 = vector.extract_strided_slice %add3A {offsets = [4, 0, 0], sizes = [1, 1000, 128], strides = [1, 1, 1]} : vector<8x1000x128xf32> to vector<1x1000x128xf32>
    %squeeze3A_73 = vector.shape_cast %slice3A_72 : vector<1x1000x128xf32> to vector<1000x128xf32>
    %sub3A_74 = arith.subf %squeeze3A_71, %squeeze3A_73 : vector<1000x128xf32>
    %mul3A_75 = vector.broadcast %get3A_1 : vector<1000x1xf32> to vector<1000x128xf32>
    %mul3A_76 = arith.mulf %sub3A_74, %mul3A_75 : vector<1000x128xf32>
    %max3A_77 = arith.constant 0.000000e+00 : f32
    %max3A_78 = vector.broadcast %max3A_77 : f32 to vector<1000x128xf32>
    %max3A_79 = arith.maximumf %mul3A_76, %max3A_78 : vector<1000x128xf32>
    %swap3A_80 = arith.constant 0 : index
    %swap3A_81 = arith.constant 640 : index
    %swap3A_82 = vector.load %arg3[%swap3A_80, %swap3A_81] : memref<1000x1024xf32, #tpu.memory_space<vmem>>, vector<1000x128xf32>
    tpu.vector_store %arg3[%swap3A_80, %swap3A_81], %max3A_79 {strides = array<i32>} : memref<1000x1024xf32, #tpu.memory_space<vmem>>, vector<1000x128xf32>,
    %slice3A_83 = vector.extract_strided_slice %add3A {offsets = [6, 0, 0], sizes = [1, 1000, 128], strides = [1, 1, 1]} : vector<8x1000x128xf32> to vector<1x1000x128xf32>
    %squeeze3A_84 = vector.shape_cast %slice3A_83 : vector<1x1000x128xf32> to vector<1000x128xf32>
    %slice3A_85 = vector.extract_strided_slice %add3A {offsets = [5, 0, 0], sizes = [1, 1000, 128], strides = [1, 1, 1]} : vector<8x1000x128xf32> to vector<1x1000x128xf32>
    %squeeze3A_86 = vector.shape_cast %slice3A_85 : vector<1x1000x128xf32> to vector<1000x128xf32>
    %sub3A_87 = arith.subf %squeeze3A_84, %squeeze3A_86 : vector<1000x128xf32>
    %mul3A_88 = vector.broadcast %get3A_1 : vector<1000x1xf32> to vector<1000x128xf32>
    %mul3A_89 = arith.mulf %sub3A_87, %mul3A_88 : vector<1000x128xf32>
    %max3A_90 = arith.constant 0.000000e+00 : f32
    %max3A_91 = vector.broadcast %max3A_90 : f32 to vector<1000x128xf32>
    %max3A_92 = arith.maximumf %mul3A_89, %max3A_91 : vector<1000x128xf32>
    %swap3A_93 = arith.constant 0 : index
    %swap3A_94 = arith.constant 768 : index
    %swap3A_95 = vector.load %arg3[%swap3A_93, %swap3A_94] : memref<1000x1024xf32, #tpu.memory_space<vmem>>, vector<1000x128xf32>
    tpu.vector_store %arg3[%swap3A_93, %swap3A_94], %max3A_92 {strides = array<i32>} : memref<1000x1024xf32, #tpu.memory_space<vmem>>, vector<1000x128xf32>,
    %slice3A_96 = vector.extract_strided_slice %add3A {offsets = [7, 0, 0], sizes = [1, 1000, 128], strides = [1, 1, 1]} : vector<8x1000x128xf32> to vector<1x1000x128xf32>
    %squeeze3A_97 = vector.shape_cast %slice3A_96 : vector<1x1000x128xf32> to vector<1000x128xf32>
    %slice3A_98 = vector.extract_strided_slice %add3A {offsets = [6, 0, 0], sizes = [1, 1000, 128], strides = [1, 1, 1]} : vector<8x1000x128xf32> to vector<1x1000x128xf32>
    %squeeze3A_99 = vector.shape_cast %slice3A_98 : vector<1x1000x128xf32> to vector<1000x128xf32>
    %sub3A_100 = arith.subf %squeeze3A_97, %squeeze3A_99 : vector<1000x128xf32>
    %mul3A_101 = vector.broadcast %get3A_1 : vector<1000x1xf32> to vector<1000x128xf32>
    %mul3A_102 = arith.mulf %sub3A_100, %mul3A_101 : vector<1000x128xf32>
    %max3A_103 = arith.constant 0.000000e+00 : f32
    %max3A_104 = vector.broadcast %max3A_103 : f32 to vector<1000x128xf32>
    %max3A_105 = arith.maximumf %mul3A_102, %max3A_104 : vector<1000x128xf32>
    %swap3A_106 = arith.constant 0 : index
    %swap3A_107 = arith.constant 896 : index
    %swap3A_108 = vector.load %arg3[%swap3A_106, %swap3A_107] : memref<1000x1024xf32, #tpu.memory_space<vmem>>, vector<1000x128xf32>
    tpu.vector_store %arg3[%swap3A_106, %swap3A_107], %max3A_105 {strides = array<i32>} : memref<1000x1024xf32, #tpu.memory_space<vmem>>, vector<1000x128xf32>,
    return
  }
  func.func @transform_0(%arg0: i32) -> (i32, i32, i32, i32) {
    %c0_i32 = arith.constant 0 : i32
    %c0_i32_0 = arith.constant 0 : i32
    %c0_i32_1 = arith.constant 0 : i32
    %c0_i32_2 = arith.constant 0 : i32
    return %c0_i32, %c0_i32_0, %arg0, %c0_i32_1 : i32, i32, i32, i32
  }
  func.func @transform_1(%arg0: i32) -> (i32, i32) {
    %c0_i32 = arith.constant 0 : i32
    %c0_i32_0 = arith.constant 0 : i32
    return %arg0, %c0_i32 : i32, i32
  }
  func.func @transform_2(%arg0: i32) -> (i32, i32) {
    %c0_i32 = arith.constant 0 : i32
    %c0_i32_0 = arith.constant 0 : i32
    return %arg0, %c0_i32 : i32, i32
  }
}

</mosaic_0001>

<sc_bundles>
// kernel: kernel.12.cloned.1.call-start
scs
__scs_entry_jumppad:
0x0: {  	(pc) =	sbr.rel $0x88, $3  }
0x1: {  	(tag) =	ssettag $0x0;
	lr =	simm.s32 $0x1  }
0x2: {  	[smem:$0x3F9B] =	sst lr;
	_ =	strace $0xD0000000  }
0x3: {  	_ = 	snop  }
0x4: {  	_ = 	snop  }
0x5: {  	_ = 	snop  }
0x6: {  	_ = 	snop  }
0x7: {  	_ = 	snop  }
__scs_overlays_trampoline_lowered:
0x8: {  	[smem:$0x3FAA] =	sst s0  }
0x9: {  	[smem:$0x3FAB] =	sst s1  }
0xa: {  	[smem:$0x3FAC] =	sst s2  }
0xb: {  	[smem:$0x3FAD] =	sst s3  }
0xc: {  	[smem:$0x3FAE] =	sst s4  }
0xd: {  	[smem:$0x3FAF] =	sst s5  }
0xe: {  	[smem:$0x3FB0] =	sst s6  }
0xf: {  	[smem:$0x3FB1] =	sst s7  }
0x10: {  	[smem:$0x3FB2] =	sst s8  }
0x11: {  	[smem:$0x3FB3] =	sst s9;
	s0 =	simm.s32 @!p0 $0x0  }
0x12: {  	s1 =	sld [smem:$0x3F99];
	s0 =	simm.s32 @p0 $0x1  }
0x13: {  	[smem:$0x3FB4] =	sst s0;
	s0 =	simm.s32 @!p1 $0x0  }
0x14: {  	s2 =	sld [smem:$0x3F98];
	s0 =	simm.s32 @p1 $0x1  }
0x15: {  	[smem:$0x3FB5] =	sst s0;
	s0 =	simm.s32 @!p2 $0x0  }
0x16: {  	s3 =	sld [smem:$0x3FDB];
	s0 =	simm.s32 @p2 $0x1  }
0x17: {  	s4 =	simm.s32 $0x1BF5;
	[smem:$0x3FB7] =	sst s0  }
0x18: {  	s0 =	sld [smem:$0x3F9A];
	_ =	swait.ge [sflag:s4], $0x0  }
0x19: {  	s7 =	sld [smem:$0x3F9B]  }
0x1a: {  	s8 =	sadd.s32 $0xFFFFE003, lr  }
0x1b: {  	s9 =	sadd.s32 $0xFFFFFEF7, lr;
	s5 =	simm.s32 $0xFFFFFFFF;
	p2 =	slt.u32 s8, $0xFFFFF086  }
0x1c: {  	p1 =	slt.u32 s9, $0xF7A;
	s5 =	simm.s32 @!p2 $0x0  }
0x1d: {  	s5 =	simm.s32 @p1 $0x1;
	p0 =	seq.s32 s7, s2  }
0x1e: {  	s7 =	smul.u32 @!p0 $0xF7A, s2;
	p2 =	seq.s32 @!p0 s5, $0x0  }
0x1f: {  	s9 =	smul.u32 $0xF7A, s1;
	s8 =	simm.s32 @!p0 $0x1BF5;
	p2 =	por !p2, p0  }
0x20: {  	[sflag:s8] =	ssyncset.s32 @!p0 $0xFFFFF086;
	s6 =	sadd.s32 @!p0 s3, s7;
	s7 =	simm.s32 @!p0 $0x108  }
0x21: {  	s3 =	sadd.s32 s3, s9;
	s6 =	sadd.s32 @!p0 $0x88, s6;
	s7 =	simm.s32 @p2 $0x1082  }
0x22: {  	[simem:s7], [sflag:s8] =	dma.local @!p0 [hbm:s6], $0xF7A  }
0x23: {  	s9 =	sor.u32 $0xD0000000, s2;
	s6 =	simm.s32 $0x108;
	_ =	swait.ge @!p0 [sflag:s8], $0x0  }
0x24: {  	s3 =	sadd.s32 $0x88, s3;
	s6 =	simm.s32 @!p1 $0x1082;
	[sflag:s4] =	ssyncset.s32 $0xFFFFF086  }
0x25: {  	[simem:s6], [sflag:s4] =	dma.local [hbm:s3], $0xF7A  }
0x26: {  	[smem:$0x3F9B] =	sst s1;
	(tag) =	ssettag s2;
	_ =	strace s9  }
0x27: {  	s1 =	sld [smem:$0x3FAB]  }
0x28: {  	s2 =	sld [smem:$0x3FAC]  }
0x29: {  	s4 =	sld [smem:$0x3FAE]  }
0x2a: {  	p0 =	seq.s32 s5, $0x0;
	s5 =	sld [smem:$0x3FAF]  }
0x2b: {  	s6 =	sld [smem:$0x3FB0]  }
0x2c: {  	s7 =	sld [smem:$0x3FB1]  }
0x2d: {  	s3 =	simm.s32 $0x108;
	s8 =	sld [smem:$0x3FB2]  }
0x2e: {  	s3 =	simm.s32 @!p0 $0x1082;
	s9 =	sld [smem:$0x3FB3]  }
0x2f: {  	lr =	sadd.s32 s0, s3;
	s0 =	sld [smem:$0x3FAA]  }
0x30: {  	s3 =	sld [smem:$0x3FAD]  }
0x31: {  	[smem:$0x3FB6] =	sst s10  }
0x32: {  	s10 =	sld [smem:$0x3FB4];
	_ =	sdelay $0x3  }
0x33: {  	p0 =	seq.s32 s10, $0x1;
	s10 =	sld [smem:$0x3FB6];
	_ =	sdelay $0x3  }
0x34: {  	[smem:$0x3FB6] =	sst s10  }
0x35: {  	s10 =	sld [smem:$0x3FB5];
	_ =	sdelay $0x3  }
0x36: {  	p1 =	seq.s32 s10, $0x1;
	s10 =	sld [smem:$0x3FB6];
	_ =	sdelay $0x3  }
0x37: {  	[smem:$0x3FB6] =	sst s10  }
0x38: {  	s10 =	sld [smem:$0x3FB7]  }
0x39: {  	_ = 	snop;
	(pc) =	sbr.ind lr, $3  }
0x3a: {  	_ = 	snop  }
0x3b: {  	_ = 	snop  }
0x3c: {  	p2 =	seq.s32 s10, $0x1;
	s10 =	sld [smem:$0x3FB6]  }
0x3d: {  	_ =	shalt  }
0x3e: {  	_ =	shalt  }
0x3f: {  	_ =	shalt  }
0x40: {  	_ =	shalt  }
0x41: {  	_ =	shalt  }
0x42: {  	_ =	shalt  }
0x43: {  	_ =	shalt  }
0x44: {  	_ =	shalt  }
0x45: {  	_ =	shalt  }
0x46: {  	_ =	shalt  }
0x47: {  	_ =	shalt  }
0x48: {  	_ =	shalt  }
0x49: {  	_ =	shalt  }
0x4a: {  	_ =	shalt  }
0x4b: {  	_ =	shalt  }
0x4c: {  	_ =	shalt  }
0x4d: {  	_ =	shalt  }
0x4e: {  	_ =	shalt  }
0x4f: {  	_ =	shalt  }
0x50: {  	_ =	shalt  }
0x51: {  	_ =	shalt  }
0x52: {  	_ =	shalt  }
0x53: {  	_ =	shalt  }
0x54: {  	_ =	shalt  }
0x55: {  	_ =	shalt  }
0x56: {  	_ =	shalt  }
0x57: {  	_ =	shalt  }
0x58: {  	_ =	shalt  }
0x59: {  	_ =	shalt  }
0x5a: {  	_ =	shalt  }
0x5b: {  	_ =	shalt  }
0x5c: {  	_ =	shalt  }
0x5d: {  	_ =	shalt  }
0x5e: {  	_ =	shalt  }
0x5f: {  	_ =	shalt  }
0x60: {  	_ =	shalt  }
0x61: {  	_ =	shalt  }
0x62: {  	_ =	shalt  }
0x63: {  	_ =	shalt  }
0x64: {  	_ =	shalt  }
0x65: {  	_ =	shalt  }
0x66: {  	_ =	shalt  }
0x67: {  	_ =	shalt  }
0x68: {  	_ =	shalt  }
0x69: {  	_ =	shalt  }
0x6a: {  	_ =	shalt  }
0x6b: {  	_ =	shalt  }
0x6c: {  	_ =	shalt  }
0x6d: {  	_ =	shalt  }
0x6e: {  	_ =	shalt  }
0x6f: {  	_ =	shalt  }
0x70: {  	_ =	shalt  }
0x71: {  	_ =	shalt  }
0x72: {  	_ =	shalt  }
0x73: {  	_ =	shalt  }
0x74: {  	_ =	shalt  }
0x75: {  	_ =	shalt  }
0x76: {  	_ =	shalt  }
0x77: {  	_ =	shalt  }
0x78: {  	_ =	shalt  }
0x79: {  	_ =	shalt  }
0x7a: {  	_ =	shalt  }
0x7b: {  	_ =	shalt  }
0x7c: {  	_ =	shalt  }
0x7d: {  	_ =	shalt  }
0x7e: {  	_ =	shalt  }
0x7f: {  	_ =	shalt  }
0x80: {  	_ =	shalt  }
0x81: {  	_ =	shalt  }
0x82: {  	_ =	shalt  }
0x83: {  	_ =	shalt  }
0x84: {  	_ =	shalt  }
0x85: {  	_ =	shalt  }
0x86: {  	_ =	shalt  }
0x87: {  	_ =	shalt  }
.Lfunc_end0:
.L_simem_size_0:
called_computation.1_lowered:
.L_overlay_start_0:
0x88: {  	s2 =	sld [smem:$0x3FD9]  }
0x89: {  	s3 =	sld [smem:$0x3FFE];
	_ =	sdelay $0x1  }
0x8a: {  	s1 =	srdreg.scid  }
0x8b: {  	s0 =	sand.u32 $0x1, s1  }
0x8c: {  	s17 =	sshll.u32 s0, $0xA;
	s2 =	sadd.s32 s3, s2  }
0x8d: {  	s2 =	sadd.s32 s2, s17  }
0x8e: {  	[smem:$0x3FC2] =	sst s2  }
0x8f: {  	_ = 	snop  }
0x90: {  	s18 =	sld [smem:$0x3FD0];
	(tm) =	ssettm $0x1  }
0x91: {  	s19 =	sld [smem:$0x3FFB];
	_ =	sdelay $0x3  }
0x92: {  	_ =	strace s19  }
0x93: {  	s2 =	sld [smem:$0x3FFC];
	_ =	sdelay $0x3  }
0x94: {  	_ =	strace s2  }
0x95: {  	s2 =	sld [smem:$0x3FFD];
	_ =	sdelay $0x3  }
0x96: {  	_ =	strace s2  }
0x97: {  	_ =	strace $0x8FFFFFFF  }
0x98: {  	s20 =	sld [smem:$0x3FDB];
	_ =	sdelay $0x1  }
0x99: {  	s4 =	simm.s32 $_scs_section_size  }
0x9a: {  	s5 =	simm.s32 $_size__tile_overlayer_lowered;
	s6 =	simm.s32 $_tile_overlayer_lowered  }
0x9b: {  	s7 =	simm.s32 $0x1BFF;
	s21 =	sshll.u32 s6, $0x1;
	s4 =	sadd.s32 s4, s20  }
0x9c: {  	s22 =	simm.s32 $0x0;
	s5 =	sshll.u32 s5, $0x1;
	s6 =	sadd.s32 s21, s4  }
0x9d: {  	[timem:s22], [sflag:s7] =	dma.local [hbm:s6], s5  }
0x9e: {  	_ =	swait.ge [sflag:s7], s5  }
0x9f: {  	s5 =	ssub.s32 $0x0, s5;
	[sflag:s7] =	ssyncset.done $0x0  }
0xa0: {  	[sflag:s7] =	ssyncadd.s32 s5;
	_ =	sdelay $0x1  }
0xa1: {  	s23 =	simm.s32 $0x1B8B  }
0xa2: {  	_ =	swait.ge [sflag:s23], $0x1  }
0xa3: {  	[sflag:s23] =	ssyncset.done $0x0  }
0xa4: {  	[sflag:s23] =	ssyncadd.s32 $0xFFFFFFFF  }
0xa5: {  	s5 =	sld [smem:$0x0]  }
0xa6: {  	s6 =	sand.u32 $0xFFFFFFFE, s1  }
0xa7: {  	p0 =	sne.s32 s1, s6  }
0xa8: {  	s6 =	sshll.u32 @p0 s6, $0xE  }
0xa9: {  	s6 =	sadd.s32 @p0 $0x11B8D, s6;
	s7 =	sshll.u32 @p0 s5, $0x11  }
0xaa: {  	s6 =	sor.u32 @p0 s7, s6  }
0xab: {  	[sflag:s6] =	ssyncadd.remote.s32 @p0 $0x1;
	_ =	sdelay $0x1  }
0xac: {  	s6 =	simm.s32 @p0 $0x1B8D  }
0xad: {  	_ =	swait.eq @p0 [sflag:s6], $0x1  }
0xae: {  	[sflag:s6] =	ssyncadd.s32 @p0 $0xFFFFFFFF  }
0xaf: {  	s7 =	sshll.u32 @!p0 s1, $0xE  }
0xb0: {  	s7 =	sor.u32 @!p0 $0x4000, s7;
	s6 =	simm.s32 @!p0 $0x1B8D  }
0xb1: {  	s5 =	sshll.u32 @!p0 s5, $0x11;
	s7 =	sadd.s32 @!p0 $0x11B8D, s7;
	_ =	swait.eq @!p0 [sflag:s6], $0x1  }
0xb2: {  	s5 =	sor.u32 @!p0 s5, s7;
	[sflag:s6] =	ssyncadd.s32 @!p0 $0xFFFFFFFF  }
0xb3: {  	s25 =	simm.s32 $0x1B8E;
	s24 =	sld [smem:$0x3FFE];
	[sflag:s5] =	ssyncadd.remote.s32 @!p0 $0x1  }
0xb4: {  	s26 =	simm.s32 $execute0_lowered;
	[smem:$0x3FD2] =	sst s25  }
0xb5: {  	s6 =	sshll.u32 s26, $0x1;
	_ =	strace $0x8000004C;
	[dreg:$0x1] =	wrdreg $0xFFFFFFFF  }
0xb6: {  	s28 =	simm.s32 $_size_execute0_lowered;
	s4 =	sadd.s32 s4, s6;
	[dreg:$0x0] =	wrdreg $0x0  }
0xb7: {  	s6 =	sshll.u32 s28, $0x1;
	[dreg:$0x2] =	wrdreg s4  }
0xb8: {  	[dreg:$0x3] =	wrdreg s6  }
0xb9: {  	[dreg:$0x4] =	wrdreg $0xC0  }
0xba: {  	_ =	task [dreg:s22], $0x5FFFF  }
0xbb: {  	[dreg:$0x1] =	wrdreg $0xFFFFFFFF  }
0xbc: {  	[dreg:$0x0] =	wrdreg $0x60  }
0xbd: {  	[dreg:$0x2] =	wrdreg s24  }
0xbe: {  	[dreg:$0x3] =	wrdreg s18  }
0xbf: {  	[dreg:$0x4] =	wrdreg $0xA8000  }
0xc0: {  	[dreg:$0x5] =	wrdreg $0x9  }
0xc1: {  	_ =	task.clear_ibuf [dreg:s22], $0x6FFFF;
	_ =	strace $0x9000004C  }
0xc2: {  	s29 =	simm.s32 $0x9;
	_ =	strace $0x8000004E  }
0xc3: {  	_ =	swait.ge [sflag:s29], $0x1  }
0xc4: {  	[sflag:s29] =	ssyncadd.s32 $0xFFFFFFFF  }
0xc5: {  	_ =	strace $0x9000004E  }
0xc6: {  	_ =	sfence  }
0xc7: {  	s30 =	sld [smem:$0x0];
	_ =	sdelay $0x2  }
0xc8: {  	s31 =	sshll.u32 s1, $0xD;
	s1 =	sshrl.u32 s1, $0x2  }
0xc9: {  	s4 =	sand.u32 $0x4000, s31;
	s1 =	sadd.s32 s1, s30  }
0xca: {  	s0 =	sor.u32 s4, s0;
	s1 =	sshll.u32 s1, $0x11  }
0xcb: {  	s0 =	sor.u32 s1, s0  }
0xcc: {  	s0 =	sadd.s32 $0x8F2B, s0  }
0xcd: {  	[sflag:s0] =	ssyncadd.remote.s32 $0x1  }
0xce: {  	_ =	sfence.sel $0xFFFF  }
0xcf: {  	[dreg:$0x0] =	wrdreg $0xFFFFFFFF;
	(pc) =	sbr.abs _section_cstart, $3  }
0xd0: {  	[dreg:$0x1] =	wrdreg $0xFFFFFFFF  }
0xd1: {  	_ =	task.clear_ibuf [dreg:s22], $0x2FFFF;
	_ =	strace $0x9FFFFFFF  }
0xd2: {  	(tm) =	ssettm $0x7FFFFFFF  }
0xd3: {  	_ =	shalt  }
tec
execute0_lowered:
.L_overlay_start_1:
0x0: {  	(tag) =	ssettag $0x1  }
0x1: {  	s4 =	rddreg [dreg:$0x0]  }
0x2: {  	s0 =	srdreg.scid;
	s8 =	rddreg [dreg:$0x1]  }
0x3: {  	s2 =	rddreg [dreg:$0x2];
	s1 =	stileid.u32;
	s3 =	simm.s32 $0x0  }
0x4: {  	s13 =	simm.s32 $0x2800;
	s14 =	simm.s32 $0x3;
	s15 =	simm.s32 $0x1400  }
0x5: {  	s16 =	simm.s32 $0x80;
	s17 =	simm.s32 $0x6800;
	s18 =	simm.s32 $0x1  }
0x6: {  	s19 =	simm.s32 $0x2;
	s20 =	simm.s32 $0x2780;
	s21 =	simm.s32 $0x1300  }
0x7: {  	s5 =	sand.u32 $0x1, s0;
	s0 =	rddreg [dreg:$0x3];
	s9 =	smul.u32 $0x50000, s1  }
0x8: {  	s22 =	simm.s32 $0x1380;
	[smem:$0x7FF] =	sst s3;
	s24 =	smul.u32 $0x2800, s1  }
0x9: {  	s6 =	sshll.u32 s5, $0x4;
	_ =	strace $0x8000004D;
	s7 =	ssub.s32 $0x2, s5  }
0xa: {  	s31 =	smul.u32 $0x28000, s5;
	s6 =	sor.u32 s1, s6;
	s29 =	sshrl.u32 s7, $0x1  }
0xb: {  	s30 =	sshrl.u32 s9, $0x2;
	s6 =	smul.u32 $0x500, s6;
	s11 =	ssub.s32 s7, s29  }
0xc: {  	s5 =	sadd.s32 s30, s2;
	s23 =	sadd.s32 s8, s31;
	s8 =	smax.u32 s11, $0x1  }
0xd: {  	s9 =	sadd.s32 $0x4000, s5;
	s11 =	sadd.s32 $0xC000, s5;
	s12 =	sadd.s32 $0x10000, s5  }
0xe: {  	s23 =	sadd.s32 s24, s23;
	s10 =	sadd.s32 s6, s4;
	s4 =	sadd.s32 $0x21E00, s4  }
0xf: {  	v0 =	vimm.f32 $0.0e+00;
	s6 =	sadd.s32 $0x5E400, s10;
	s7 =	sadd.s32 $0x54400, s10;
	s10 =	sadd.s32 $0x8000, s5  }
.LBB2_1:
0x10: {  	s24 =	simm.s32 $0x0;
	s25 =	simm.s32 $0x200  }
.LBB2_2:
0x11: {  	p0 =	sne.s32 s25, $0xFE00;
	[tilespmem:s24+$0x2870] =	vst v0  }
0x12: {  	[tilespmem:s24+$0x2800] =	vst v0  }
0x13: {  	[tilespmem:s24+$0x2810] =	vst v0  }
.Ltmp0:
0x14: {  	[tilespmem:s24+$0x2820] =	vst v0;
	(pc) =	sbr.rel @p0 .LBB2_2-.Ltmp0, $4  }
0x15: {  	[tilespmem:s24+$0x2830] =	vst v0  }
0x16: {  	[tilespmem:s24+$0x2840] =	vst v0  }
0x17: {  	[tilespmem:s24+$0x2850] =	vst v0  }
0x18: {  	[tilespmem:s24+$0x2860] =	vst v0;
	s24 =	sshra.s32 s25, $0x2;
	s25 =	sadd.s32 $0x200, s25  }
0x19: {  	[tilespmem:s24+$0x2870] =	vst v0  }
0x1a: {  	[tilespmem:s24+$0x2800] =	vst v0  }
0x1b: {  	[tilespmem:s24+$0x2810] =	vst v0  }
0x1c: {  	[tilespmem:s24+$0x2820] =	vst v0  }
0x1d: {  	[tilespmem:s24+$0x2830] =	vst v0  }
0x1e: {  	[tilespmem:s24+$0x2840] =	vst v0  }
0x1f: {  	[tilespmem:s24+$0x2850] =	vst v0  }
0x20: {  	[tilespmem:s24+$0x2860] =	vst v0  }
0x21: {  	[spmem:s5] =	stream.linear.scatter [tilespmem:s13], [sflag:$0x3], $0x4000, $0x38;
	[tilespmem:$0x1E800] =	vst v63  }
0x22: {  	_ =	swait.ge [sflag:s14], $0x4000  }
0x23: {  	[sflag:s14] =	ssyncset.done $0x0  }
0x24: {  	[sflag:s14] =	ssyncadd.s32 $0xFFFFC000  }
0x25: {  	[spmem:s9] =	stream.linear.scatter [tilespmem:s13], [sflag:$0x3], $0x4000, $0x38;
	[tilespmem:$0x1E800] =	vst v63  }
0x26: {  	_ =	swait.ge [sflag:s14], $0x4000  }
0x27: {  	[sflag:s14] =	ssyncset.done $0x0  }
0x28: {  	[sflag:s14] =	ssyncadd.s32 $0xFFFFC000  }
0x29: {  	[spmem:s10] =	stream.linear.scatter [tilespmem:s13], [sflag:$0x3], $0x4000, $0x38;
	[tilespmem:$0x1E800] =	vst v63  }
0x2a: {  	_ =	swait.ge [sflag:s14], $0x4000  }
0x2b: {  	[sflag:s14] =	ssyncset.done $0x0  }
0x2c: {  	[sflag:s14] =	ssyncadd.s32 $0xFFFFC000  }
0x2d: {  	[spmem:s11] =	stream.linear.scatter [tilespmem:s13], [sflag:$0x3], $0x4000, $0x38;
	[tilespmem:$0x1E800] =	vst v63  }
0x2e: {  	_ =	swait.ge [sflag:s14], $0x4000  }
0x2f: {  	[sflag:s14] =	ssyncset.done $0x0  }
0x30: {  	[sflag:s14] =	ssyncadd.s32 $0xFFFFC000  }
0x31: {  	[spmem:s12] =	stream.linear.scatter [tilespmem:s13], [sflag:$0x3], $0x4000, $0x38;
	[tilespmem:$0x1E800] =	vst v63  }
0x32: {  	_ =	swait.ge [sflag:s14], $0x4000  }
0x33: {  	[sflag:s14] =	ssyncset.done $0x0  }
0x34: {  	[sflag:s14] =	ssyncadd.s32 $0xFFFFC000  }
0x35: {  	s26 =	simm.s32 $0x0;
	[bflag:$0x0] =	sbarrier.arrive $0xFFFF  }
0x36: {  	[tilespmem:s26], [sflag:$0x3] =	stream.linear.gather [hbm4b:s6+s26], $0x1400, $0x38;
	[tilespmem:$0x1E800] =	vst v63  }
0x37: {  	_ =	swait.ge [sflag:s14], $0x1400  }
0x38: {  	[sflag:s14] =	ssyncset.done $0x0  }
0x39: {  	[sflag:s14] =	ssyncadd.s32 $0xFFFFEC00  }
0x3a: {  	[tilespmem:s15], [sflag:$0x3] =	stream.linear.gather [hbm4b:s7+s26], $0x1400, $0x38;
	[tilespmem:$0x1E800] =	vst v63  }
0x3b: {  	_ =	swait.ge [sflag:s14], $0x1400  }
0x3c: {  	[sflag:s14] =	ssyncset.done $0x0  }
0x3d: {  	[sflag:s14] =	ssyncadd.s32 $0xFFFFEC00  }
0x3e: {  	[tilespmem:s13], [sflag:$0x1] =	stream.indirect.gather [hbm4b:s4+s16], $0x80, s15, s16, $0xb8;
	[tilespmem:$0x1E800] =	vst v63  }
0x3f: {  	s28 =	simm.s32 $0x1480  }
0x40: {  	[tilespmem:s17], [sflag:$0x2] =	stream.indirect.gather [hbm4b:s4+s16], $0x80, s28, s16, $0xb8;
	[tilespmem:$0x1E800] =	vst v63  }
0x41: {  	_ =	swait.ge [sflag:s18], $0x4000  }
0x42: {  	[sflag:s18] =	ssyncset.done $0x0  }
0x43: {  	s29 =	simm.s32 $0x0;
	[sflag:s18] =	ssyncadd.s32 $0xFFFFC000  }
0x44: {  	[spmem:s2] =	stream.indirect.scatter.add.f32 [tilespmem:s13], [sflag:$0x3], $0x80, s29, s16, $0xb8;
	[tilespmem:$0x1E800] =	vst v63  }
0x45: {  	_ =	swait.ge [sflag:s14], $0x4000  }
0x46: {  	[sflag:s14] =	ssyncset.done $0x0  }
0x47: {  	s30 =	simm.s32 $0x1500;
	[sflag:s14] =	ssyncadd.s32 $0xFFFFC000  }
0x48: {  	[tilespmem:s13], [sflag:$0x1] =	stream.indirect.gather [hbm4b:s4+s16], $0x80, s30, s16, $0xb8;
	[tilespmem:$0x1E800] =	vst v63  }
0x49: {  	_ =	swait.ge [sflag:s19], $0x4000  }
0x4a: {  	[sflag:s19] =	ssyncset.done $0x0  }
0x4b: {  	s31 =	simm.s32 $0x80;
	[sflag:s19] =	ssyncadd.s32 $0xFFFFC000  }
0x4c: {  	[spmem:s2] =	stream.indirect.scatter.add.f32 [tilespmem:s17], [sflag:$0x3], $0x80, s31, s16, $0xb8;
	[tilespmem:$0x1E800] =	vst v63  }
0x4d: {  	_ =	swait.ge [sflag:s14], $0x4000  }
0x4e: {  	s25 =	simm.s32 $0x800;
	s24 =	simm.s32 $0x100;
	[sflag:s14] =	ssyncset.done $0x0  }
.LBB2_4:
0x4f: {  	s26 =	sadd.s32 $0x1480, s24  }
0x50: {  	[sflag:s14] =	ssyncadd.s32 $0xFFFFC000;
	s28 =	smov.u32 s25;
	s29 =	sadd.s32 $0x400, s25  }
0x51: {  	[tilespmem:s17], [sflag:$0x2] =	stream.indirect.gather [hbm4b:s4+s16], $0x80, s26, s16, $0xb8;
	[tilespmem:$0x1E800] =	vst v63  }
0x52: {  	p0 =	sne.s32 s25, $0x4800;
	_ =	swait.ge [sflag:s18], $0x4000  }
0x53: {  	[sflag:s18] =	ssyncset.done $0x0  }
0x54: {  	[sflag:s18] =	ssyncadd.s32 $0xFFFFC000  }
0x55: {  	[spmem:s2] =	stream.indirect.scatter.add.f32 [tilespmem:s13], [sflag:$0x3], $0x80, s24, s16, $0xb8;
	[tilespmem:$0x1E800] =	vst v63  }
0x56: {  	_ =	swait.ge [sflag:s14], $0x4000  }
0x57: {  	[sflag:s14] =	ssyncset.done $0x0  }
0x58: {  	s25 =	sadd.s32 $0x1500, s24;
	[sflag:s14] =	ssyncadd.s32 $0xFFFFC000  }
0x59: {  	[tilespmem:s13], [sflag:$0x1] =	stream.indirect.gather [hbm4b:s4+s16], $0x80, s25, s16, $0xb8;
	[tilespmem:$0x1E800] =	vst v63  }
0x5a: {  	_ =	swait.ge [sflag:s19], $0x4000  }
.Ltmp1:
0x5b: {  	[sflag:s19] =	ssyncset.done $0x0;
	(pc) =	sbr.rel @p0 .LBB2_4-.Ltmp1, $4  }
0x5c: {  	s24 =	sadd.s32 $0x80, s24;
	[sflag:s19] =	ssyncadd.s32 $0xFFFFC000  }
0x5d: {  	[spmem:s2] =	stream.indirect.scatter.add.f32 [tilespmem:s17], [sflag:$0x3], $0x80, s24, s16, $0xb8;
	[tilespmem:$0x1E800] =	vst v63  }
0x5e: {  	_ =	swait.ge [sflag:s14], $0x4000  }
0x5f: {  	s25 =	smov.u32 s29;
	s24 =	sshra.s32 s28, $0x2;
	[sflag:s14] =	ssyncset.done $0x0  }
0x60: {  	s25 =	sadd.s32 $0x1480, s24;
	[sflag:s14] =	ssyncadd.s32 $0xFFFFC000  }
0x61: {  	[tilespmem:s17], [sflag:$0x2] =	stream.indirect.gather [hbm4b:s4+s16], $0x80, s25, s16, $0xb8;
	[tilespmem:$0x1E800] =	vst v63  }
0x62: {  	_ =	swait.ge [sflag:s18], $0x4000  }
0x63: {  	[sflag:s18] =	ssyncset.done $0x0  }
0x64: {  	[sflag:s18] =	ssyncadd.s32 $0xFFFFC000  }
0x65: {  	[spmem:s2] =	stream.indirect.scatter.add.f32 [tilespmem:s13], [sflag:$0x3], $0x80, s24, s16, $0xb8;
	[tilespmem:$0x1E800] =	vst v63  }
0x66: {  	_ =	swait.ge [sflag:s14], $0x4000  }
0x67: {  	[sflag:s14] =	ssyncset.done $0x0  }
0x68: {  	s28 =	sadd.s32 $0x1500, s24;
	[sflag:s14] =	ssyncadd.s32 $0xFFFFC000  }
0x69: {  	[tilespmem:s13], [sflag:$0x1] =	stream.indirect.gather [hbm4b:s4+s16], $0x80, s28, s16, $0xb8;
	[tilespmem:$0x1E800] =	vst v63  }
0x6a: {  	_ =	swait.ge [sflag:s19], $0x4000  }
0x6b: {  	[sflag:s19] =	ssyncset.done $0x0  }
0x6c: {  	s29 =	sadd.s32 $0x80, s24;
	[sflag:s19] =	ssyncadd.s32 $0xFFFFC000  }
0x6d: {  	[spmem:s2] =	stream.indirect.scatter.add.f32 [tilespmem:s17], [sflag:$0x3], $0x80, s29, s16, $0xb8;
	[tilespmem:$0x1E800] =	vst v63  }
0x6e: {  	_ =	swait.ge [sflag:s14], $0x4000  }
0x6f: {  	[sflag:s14] =	ssyncset.done $0x0  }
0x70: {  	[sflag:s14] =	ssyncadd.s32 $0xFFFFC000  }
0x71: {  	[tilespmem:s17], [sflag:$0x2] =	stream.indirect.gather [hbm4b:s4+s16], $0x80, s20, s16, $0xb8;
	[tilespmem:$0x1E800] =	vst v63  }
0x72: {  	_ =	swait.ge [sflag:s18], $0x4000  }
0x73: {  	[sflag:s18] =	ssyncset.done $0x0  }
0x74: {  	[sflag:s18] =	ssyncadd.s32 $0xFFFFC000  }
0x75: {  	[spmem:s2] =	stream.indirect.scatter.add.f32 [tilespmem:s13], [sflag:$0x3], $0x80, s21, s16, $0xb8;
	[tilespmem:$0x1E800] =	vst v63  }
0x76: {  	_ =	swait.ge [sflag:s14], $0x4000  }
0x77: {  	[sflag:s14] =	ssyncset.done $0x0  }
0x78: {  	[sflag:s14] =	ssyncadd.s32 $0xFFFFC000  }
0x79: {  	_ =	swait.ge [sflag:s19], $0x4000  }
0x7a: {  	[sflag:s19] =	ssyncset.done $0x0  }
0x7b: {  	[sflag:s19] =	ssyncadd.s32 $0xFFFFC000  }
0x7c: {  	[spmem:s2] =	stream.indirect.scatter.add.f32 [tilespmem:s17], [sflag:$0x3], $0x80, s22, s16, $0xb8;
	[tilespmem:$0x1E800] =	vst v63  }
0x7d: {  	_ =	swait.ge [sflag:s14], $0x4000  }
0x7e: {  	[sflag:s14] =	ssyncset.done $0x0  }
0x7f: {  	s30 =	sadd.s32 $0x280, s6;
	s31 =	simm.s32 $0x0;
	[sflag:s14] =	ssyncadd.s32 $0xFFFFC000  }
0x80: {  	[tilespmem:s31], [sflag:$0x3] =	stream.linear.gather [hbm4b:s30+s31], $0x1400, $0x38;
	[tilespmem:$0x1E800] =	vst v63  }
0x81: {  	_ =	swait.ge [sflag:s14], $0x1400  }
0x82: {  	[sflag:s14] =	ssyncset.done $0x0  }
0x83: {  	s26 =	sadd.s32 $0x280, s7;
	[sflag:s14] =	ssyncadd.s32 $0xFFFFEC00  }
0x84: {  	[tilespmem:s15], [sflag:$0x3] =	stream.linear.gather [hbm4b:s26+s31], $0x1400, $0x38;
	[tilespmem:$0x1E800] =	vst v63  }
0x85: {  	_ =	swait.ge [sflag:s14], $0x1400  }
0x86: {  	[sflag:s14] =	ssyncset.done $0x0  }
0x87: {  	[sflag:s14] =	ssyncadd.s32 $0xFFFFEC00  }
0x88: {  	[tilespmem:s13], [sflag:$0x1] =	stream.indirect.gather [hbm4b:s4+s16], $0x80, s15, s16, $0xb8;
	[tilespmem:$0x1E800] =	vst v63  }
0x89: {  	s28 =	simm.s32 $0x1480  }
0x8a: {  	[tilespmem:s17], [sflag:$0x2] =	stream.indirect.gather [hbm4b:s4+s16], $0x80, s28, s16, $0xb8;
	[tilespmem:$0x1E800] =	vst v63  }
0x8b: {  	_ =	swait.ge [sflag:s18], $0x4000  }
0x8c: {  	[sflag:s18] =	ssyncset.done $0x0  }
0x8d: {  	s29 =	simm.s32 $0x0;
	[sflag:s18] =	ssyncadd.s32 $0xFFFFC000  }
0x8e: {  	[spmem:s2] =	stream.indirect.scatter.add.f32 [tilespmem:s13], [sflag:$0x3], $0x80, s29, s16, $0xb8;
	[tilespmem:$0x1E800] =	vst v63  }
0x8f: {  	_ =	swait.ge [sflag:s14], $0x4000  }
0x90: {  	[sflag:s14] =	ssyncset.done $0x0  }
0x91: {  	s30 =	simm.s32 $0x1500;
	[sflag:s14] =	ssyncadd.s32 $0xFFFFC000  }
0x92: {  	[tilespmem:s13], [sflag:$0x1] =	stream.indirect.gather [hbm4b:s4+s16], $0x80, s30, s16, $0xb8;
	[tilespmem:$0x1E800] =	vst v63  }
0x93: {  	_ =	swait.ge [sflag:s19], $0x4000  }
0x94: {  	[sflag:s19] =	ssyncset.done $0x0  }
0x95: {  	s31 =	simm.s32 $0x80;
	[sflag:s19] =	ssyncadd.s32 $0xFFFFC000  }
0x96: {  	[spmem:s2] =	stream.indirect.scatter.add.f32 [tilespmem:s17], [sflag:$0x3], $0x80, s31, s16, $0xb8;
	[tilespmem:$0x1E800] =	vst v63  }
0x97: {  	_ =	swait.ge [sflag:s14], $0x4000  }
0x98: {  	s25 =	simm.s32 $0x800;
	s24 =	simm.s32 $0x100;
	[sflag:s14] =	ssyncset.done $0x0  }
.LBB2_6:
0x99: {  	s26 =	sadd.s32 $0x1480, s24  }
0x9a: {  	[sflag:s14] =	ssyncadd.s32 $0xFFFFC000;
	s28 =	smov.u32 s25;
	s29 =	sadd.s32 $0x400, s25  }
0x9b: {  	[tilespmem:s17], [sflag:$0x2] =	stream.indirect.gather [hbm4b:s4+s16], $0x80, s26, s16, $0xb8;
	[tilespmem:$0x1E800] =	vst v63  }
0x9c: {  	p0 =	sne.s32 s25, $0x4800;
	_ =	swait.ge [sflag:s18], $0x4000  }
0x9d: {  	[sflag:s18] =	ssyncset.done $0x0  }
0x9e: {  	[sflag:s18] =	ssyncadd.s32 $0xFFFFC000  }
0x9f: {  	[spmem:s2] =	stream.indirect.scatter.add.f32 [tilespmem:s13], [sflag:$0x3], $0x80, s24, s16, $0xb8;
	[tilespmem:$0x1E800] =	vst v63  }
0xa0: {  	_ =	swait.ge [sflag:s14], $0x4000  }
0xa1: {  	[sflag:s14] =	ssyncset.done $0x0  }
0xa2: {  	s25 =	sadd.s32 $0x1500, s24;
	[sflag:s14] =	ssyncadd.s32 $0xFFFFC000  }
0xa3: {  	[tilespmem:s13], [sflag:$0x1] =	stream.indirect.gather [hbm4b:s4+s16], $0x80, s25, s16, $0xb8;
	[tilespmem:$0x1E800] =	vst v63  }
0xa4: {  	_ =	swait.ge [sflag:s19], $0x4000  }
.Ltmp2:
0xa5: {  	[sflag:s19] =	ssyncset.done $0x0;
	(pc) =	sbr.rel @p0 .LBB2_6-.Ltmp2, $4  }
0xa6: {  	s24 =	sadd.s32 $0x80, s24;
	[sflag:s19] =	ssyncadd.s32 $0xFFFFC000  }
0xa7: {  	[spmem:s2] =	stream.indirect.scatter.add.f32 [tilespmem:s17], [sflag:$0x3], $0x80, s24, s16, $0xb8;
	[tilespmem:$0x1E800] =	vst v63  }
0xa8: {  	_ =	swait.ge [sflag:s14], $0x4000  }
0xa9: {  	s25 =	smov.u32 s29;
	s24 =	sshra.s32 s28, $0x2;
	[sflag:s14] =	ssyncset.done $0x0  }
0xaa: {  	s25 =	sadd.s32 $0x1480, s24;
	[sflag:s14] =	ssyncadd.s32 $0xFFFFC000  }
0xab: {  	[tilespmem:s17], [sflag:$0x2] =	stream.indirect.gather [hbm4b:s4+s16], $0x80, s25, s16, $0xb8;
	[tilespmem:$0x1E800] =	vst v63  }
0xac: {  	_ =	swait.ge [sflag:s18], $0x4000  }
0xad: {  	[sflag:s18] =	ssyncset.done $0x0  }
0xae: {  	[sflag:s18] =	ssyncadd.s32 $0xFFFFC000  }
0xaf: {  	[spmem:s2] =	stream.indirect.scatter.add.f32 [tilespmem:s13], [sflag:$0x3], $0x80, s24, s16, $0xb8;
	[tilespmem:$0x1E800] =	vst v63  }
0xb0: {  	_ =	swait.ge [sflag:s14], $0x4000  }
0xb1: {  	[sflag:s14] =	ssyncset.done $0x0  }
0xb2: {  	s28 =	sadd.s32 $0x1500, s24;
	[sflag:s14] =	ssyncadd.s32 $0xFFFFC000  }
0xb3: {  	[tilespmem:s13], [sflag:$0x1] =	stream.indirect.gather [hbm4b:s4+s16], $0x80, s28, s16, $0xb8;
	[tilespmem:$0x1E800] =	vst v63  }
0xb4: {  	_ =	swait.ge [sflag:s19], $0x4000  }
0xb5: {  	[sflag:s19] =	ssyncset.done $0x0  }
0xb6: {  	s29 =	sadd.s32 $0x80, s24;
	[sflag:s19] =	ssyncadd.s32 $0xFFFFC000  }
0xb7: {  	[spmem:s2] =	stream.indirect.scatter.add.f32 [tilespmem:s17], [sflag:$0x3], $0x80, s29, s16, $0xb8;
	[tilespmem:$0x1E800] =	vst v63  }
0xb8: {  	_ =	swait.ge [sflag:s14], $0x4000  }
0xb9: {  	[sflag:s14] =	ssyncset.done $0x0  }
0xba: {  	[sflag:s14] =	ssyncadd.s32 $0xFFFFC000  }
0xbb: {  	[tilespmem:s17], [sflag:$0x2] =	stream.indirect.gather [hbm4b:s4+s16], $0x80, s20, s16, $0xb8;
	[tilespmem:$0x1E800] =	vst v63  }
0xbc: {  	_ =	swait.ge [sflag:s18], $0x4000  }
0xbd: {  	[sflag:s18] =	ssyncset.done $0x0  }
0xbe: {  	[sflag:s18] =	ssyncadd.s32 $0xFFFFC000  }
0xbf: {  	[spmem:s2] =	stream.indirect.scatter.add.f32 [tilespmem:s13], [sflag:$0x3], $0x80, s21, s16, $0xb8;
	[tilespmem:$0x1E800] =	vst v63  }
0xc0: {  	_ =	swait.ge [sflag:s14], $0x4000  }
0xc1: {  	[sflag:s14] =	ssyncset.done $0x0  }
0xc2: {  	[sflag:s14] =	ssyncadd.s32 $0xFFFFC000  }
0xc3: {  	_ =	swait.ge [sflag:s19], $0x4000  }
0xc4: {  	[sflag:s19] =	ssyncset.done $0x0  }
0xc5: {  	[sflag:s19] =	ssyncadd.s32 $0xFFFFC000  }
0xc6: {  	[spmem:s2] =	stream.indirect.scatter.add.f32 [tilespmem:s17], [sflag:$0x3], $0x80, s22, s16, $0xb8;
	[tilespmem:$0x1E800] =	vst v63  }
0xc7: {  	_ =	swait.ge [sflag:s14], $0x4000  }
0xc8: {  	s30 =	sshll.u32 s1, $0x6;
	s3 =	sadd.s32 $0x1, s3;
	[sflag:s14] =	ssyncset.done $0x0  }
0xc9: {  	s31 =	sshrl.u32 s5, $0x3;
	p0 =	sne.s32 s3, s8;
	[sflag:s14] =	ssyncadd.s32 $0xFFFFC000  }
.Ltmp3:
0xca: {  	s24 =	sor.u32 $0x1C03, s30;
	[bflag:$0x0] =	sbarrier.arrive $0xFFFF;
	(pc) =	sbr.rel @p0 .LBB2_1-.Ltmp3, $4  }
0xcb: {  	[hbm:s23], [sflag:s24] =	dma.local [spmem:s31], $0x2800  }
0xcc: {  	_ =	swait.ge [sflag:s14], $0x2800  }
0xcd: {  	[sflag:s14] =	ssyncset.done $0x0  }
0xce: {  	[sflag:s14] =	ssyncadd.s32 $0xFFFFD800  }
0xcf: {  	_ =	sfence.sel $0x180000  }
0xd0: {  	[bflag:$0x0] =	sbarrier.arrive $0xFFFF  }
0xd1: {  	p0 =	sne.s32 s1, $0x0;
	_ =	strace $0x9000004D  }
0xd2: {  	s0 =	sadd.s32 @!p0 $0x100000, s0;
	[bflag:$0x2] =	sbarrier.arrive $0xFFFF  }
0xd3: {  	[sflag:s0] =	ssyncadd.tile.s32 @!p0 $0x1;
	_ =	shalt  }
.Lfunc_end2:
_tile_overlayer_lowered:
.L_overlay_start_2:
0xd4: {  	(tag) =	ssettag $0x2  }
0xd5: {  	s0 =	rddreg [dreg:$0x0];
	s2 =	stileid.u32  }
0xd6: {  	s1 =	rddreg [dreg:$0x1];
	p0 =	sne.s32 s2, $0x0  }
0xd7: {  	s3 =	rddreg [dreg:$0x2];
	[bflag:$0x3] =	sbarrier.arrive $0xFFFF;
	s2 =	simm.s32 @!p0 $0x1C03  }
0xd8: {  	[timem:s3], [sflag:s2] =	dma.local @!p0 [hbm:s0], s1  }
0xd9: {  	s0 =	simm.s32 @!p0 $0x3  }
0xda: {  	_ =	swait.ge @!p0 [sflag:s0], s1  }
0xdb: {  	s1 =	ssub.s32 @!p0 $0x0, s1;
	[sflag:s0] =	ssyncset.done @!p0 $0x0  }
0xdc: {  	[sflag:s0] =	ssyncadd.s32 @!p0 s1  }
0xdd: {  	[bflag:$0x3] =	sbarrier.arrive $0xFFFF  }
0xde: {  	_ =	shalt  }

// kernel: kernel.15.cloned.1.call-start
scs
__scs_entry_jumppad:
0x0: {  	(pc) =	sbr.rel $0x88, $3  }
0x1: {  	(tag) =	ssettag $0x0;
	lr =	simm.s32 $0x1  }
0x2: {  	[smem:$0x3F9B] =	sst lr;
	_ =	strace $0xD0000000  }
0x3: {  	_ = 	snop  }
0x4: {  	_ = 	snop  }
0x5: {  	_ = 	snop  }
0x6: {  	_ = 	snop  }
0x7: {  	_ = 	snop  }
__scs_overlays_trampoline_lowered:
0x8: {  	[smem:$0x3FAA] =	sst s0  }
0x9: {  	[smem:$0x3FAB] =	sst s1  }
0xa: {  	[smem:$0x3FAC] =	sst s2  }
0xb: {  	[smem:$0x3FAD] =	sst s3  }
0xc: {  	[smem:$0x3FAE] =	sst s4  }
0xd: {  	[smem:$0x3FAF] =	sst s5  }
0xe: {  	[smem:$0x3FB0] =	sst s6  }
0xf: {  	[smem:$0x3FB1] =	sst s7  }
0x10: {  	[smem:$0x3FB2] =	sst s8  }
0x11: {  	[smem:$0x3FB3] =	sst s9;
	s0 =	simm.s32 @!p0 $0x0  }
0x12: {  	s1 =	sld [smem:$0x3F99];
	s0 =	simm.s32 @p0 $0x1  }
0x13: {  	[smem:$0x3FB4] =	sst s0;
	s0 =	simm.s32 @!p1 $0x0  }
0x14: {  	s2 =	sld [smem:$0x3F98];
	s0 =	simm.s32 @p1 $0x1  }
0x15: {  	[smem:$0x3FB5] =	sst s0;
	s0 =	simm.s32 @!p2 $0x0  }
0x16: {  	s3 =	sld [smem:$0x3FDB];
	s0 =	simm.s32 @p2 $0x1  }
0x17: {  	s4 =	simm.s32 $0x1BF5;
	[smem:$0x3FB7] =	sst s0  }
0x18: {  	s0 =	sld [smem:$0x3F9A];
	_ =	swait.ge [sflag:s4], $0x0  }
0x19: {  	s7 =	sld [smem:$0x3F9B]  }
0x1a: {  	s8 =	sadd.s32 $0xFFFFE003, lr  }
0x1b: {  	s9 =	sadd.s32 $0xFFFFFEF7, lr;
	s5 =	simm.s32 $0xFFFFFFFF;
	p2 =	slt.u32 s8, $0xFFFFF086  }
0x1c: {  	p1 =	slt.u32 s9, $0xF7A;
	s5 =	simm.s32 @!p2 $0x0  }
0x1d: {  	s5 =	simm.s32 @p1 $0x1;
	p0 =	seq.s32 s7, s2  }
0x1e: {  	s7 =	smul.u32 @!p0 $0xF7A, s2;
	p2 =	seq.s32 @!p0 s5, $0x0  }
0x1f: {  	s9 =	smul.u32 $0xF7A, s1;
	s8 =	simm.s32 @!p0 $0x1BF5;
	p2 =	por !p2, p0  }
0x20: {  	[sflag:s8] =	ssyncset.s32 @!p0 $0xFFFFF086;
	s6 =	sadd.s32 @!p0 s3, s7;
	s7 =	simm.s32 @!p0 $0x108  }
0x21: {  	s3 =	sadd.s32 s3, s9;
	s6 =	sadd.s32 @!p0 $0x88, s6;
	s7 =	simm.s32 @p2 $0x1082  }
0x22: {  	[simem:s7], [sflag:s8] =	dma.local @!p0 [hbm:s6], $0xF7A  }
0x23: {  	s9 =	sor.u32 $0xD0000000, s2;
	s6 =	simm.s32 $0x108;
	_ =	swait.ge @!p0 [sflag:s8], $0x0  }
0x24: {  	s3 =	sadd.s32 $0x88, s3;
	s6 =	simm.s32 @!p1 $0x1082;
	[sflag:s4] =	ssyncset.s32 $0xFFFFF086  }
0x25: {  	[simem:s6], [sflag:s4] =	dma.local [hbm:s3], $0xF7A  }
0x26: {  	[smem:$0x3F9B] =	sst s1;
	(tag) =	ssettag s2;
	_ =	strace s9  }
0x27: {  	s1 =	sld [smem:$0x3FAB]  }
0x28: {  	s2 =	sld [smem:$0x3FAC]  }
0x29: {  	s4 =	sld [smem:$0x3FAE]  }
0x2a: {  	p0 =	seq.s32 s5, $0x0;
	s5 =	sld [smem:$0x3FAF]  }
0x2b: {  	s6 =	sld [smem:$0x3FB0]  }
0x2c: {  	s7 =	sld [smem:$0x3FB1]  }
0x2d: {  	s3 =	simm.s32 $0x108;
	s8 =	sld [smem:$0x3FB2]  }
0x2e: {  	s3 =	simm.s32 @!p0 $0x1082;
	s9 =	sld [smem:$0x3FB3]  }
0x2f: {  	lr =	sadd.s32 s0, s3;
	s0 =	sld [smem:$0x3FAA]  }
0x30: {  	s3 =	sld [smem:$0x3FAD]  }
0x31: {  	[smem:$0x3FB6] =	sst s10  }
0x32: {  	s10 =	sld [smem:$0x3FB4];
	_ =	sdelay $0x3  }
0x33: {  	p0 =	seq.s32 s10, $0x1;
	s10 =	sld [smem:$0x3FB6];
	_ =	sdelay $0x3  }
0x34: {  	[smem:$0x3FB6] =	sst s10  }
0x35: {  	s10 =	sld [smem:$0x3FB5];
	_ =	sdelay $0x3  }
0x36: {  	p1 =	seq.s32 s10, $0x1;
	s10 =	sld [smem:$0x3FB6];
	_ =	sdelay $0x3  }
0x37: {  	[smem:$0x3FB6] =	sst s10  }
0x38: {  	s10 =	sld [smem:$0x3FB7]  }
0x39: {  	_ = 	snop;
	(pc) =	sbr.ind lr, $3  }
0x3a: {  	_ = 	snop  }
0x3b: {  	_ = 	snop  }
0x3c: {  	p2 =	seq.s32 s10, $0x1;
	s10 =	sld [smem:$0x3FB6]  }
0x3d: {  	_ =	shalt  }
0x3e: {  	_ =	shalt  }
0x3f: {  	_ =	shalt  }
0x40: {  	_ =	shalt  }
0x41: {  	_ =	shalt  }
0x42: {  	_ =	shalt  }
0x43: {  	_ =	shalt  }
0x44: {  	_ =	shalt  }
0x45: {  	_ =	shalt  }
0x46: {  	_ =	shalt  }
0x47: {  	_ =	shalt  }
0x48: {  	_ =	shalt  }
0x49: {  	_ =	shalt  }
0x4a: {  	_ =	shalt  }
0x4b: {  	_ =	shalt  }
0x4c: {  	_ =	shalt  }
0x4d: {  	_ =	shalt  }
0x4e: {  	_ =	shalt  }
0x4f: {  	_ =	shalt  }
0x50: {  	_ =	shalt  }
0x51: {  	_ =	shalt  }
0x52: {  	_ =	shalt  }
0x53: {  	_ =	shalt  }
0x54: {  	_ =	shalt  }
0x55: {  	_ =	shalt  }
0x56: {  	_ =	shalt  }
0x57: {  	_ =	shalt  }
0x58: {  	_ =	shalt  }
0x59: {  	_ =	shalt  }
0x5a: {  	_ =	shalt  }
0x5b: {  	_ =	shalt  }
0x5c: {  	_ =	shalt  }
0x5d: {  	_ =	shalt  }
0x5e: {  	_ =	shalt  }
0x5f: {  	_ =	shalt  }
0x60: {  	_ =	shalt  }
0x61: {  	_ =	shalt  }
0x62: {  	_ =	shalt  }
0x63: {  	_ =	shalt  }
0x64: {  	_ =	shalt  }
0x65: {  	_ =	shalt  }
0x66: {  	_ =	shalt  }
0x67: {  	_ =	shalt  }
0x68: {  	_ =	shalt  }
0x69: {  	_ =	shalt  }
0x6a: {  	_ =	shalt  }
0x6b: {  	_ =	shalt  }
0x6c: {  	_ =	shalt  }
0x6d: {  	_ =	shalt  }
0x6e: {  	_ =	shalt  }
0x6f: {  	_ =	shalt  }
0x70: {  	_ =	shalt  }
0x71: {  	_ =	shalt  }
0x72: {  	_ =	shalt  }
0x73: {  	_ =	shalt  }
0x74: {  	_ =	shalt  }
0x75: {  	_ =	shalt  }
0x76: {  	_ =	shalt  }
0x77: {  	_ =	shalt  }
0x78: {  	_ =	shalt  }
0x79: {  	_ =	shalt  }
0x7a: {  	_ =	shalt  }
0x7b: {  	_ =	shalt  }
0x7c: {  	_ =	shalt  }
0x7d: {  	_ =	shalt  }
0x7e: {  	_ =	shalt  }
0x7f: {  	_ =	shalt  }
0x80: {  	_ =	shalt  }
0x81: {  	_ =	shalt  }
0x82: {  	_ =	shalt  }
0x83: {  	_ =	shalt  }
0x84: {  	_ =	shalt  }
0x85: {  	_ =	shalt  }
0x86: {  	_ =	shalt  }
0x87: {  	_ =	shalt  }
.Lfunc_end0:
.L_simem_size_0:
called_computation.2_lowered:
.L_overlay_start_0:
0x88: {  	s2 =	sld [smem:$0x3FD9]  }
0x89: {  	s3 =	sld [smem:$0x3FFE];
	_ =	sdelay $0x1  }
0x8a: {  	s1 =	srdreg.scid  }
0x8b: {  	s0 =	sand.u32 $0x1, s1  }
0x8c: {  	s16 =	sshll.u32 s0, $0xA;
	s2 =	sadd.s32 s3, s2  }
0x8d: {  	s2 =	sadd.s32 s2, s16  }
0x8e: {  	[smem:$0x3FC2] =	sst s2  }
0x8f: {  	_ = 	snop  }
0x90: {  	(tm) =	ssettm $0x1  }
0x91: {  	s17 =	sld [smem:$0x3FFB];
	_ =	sdelay $0x3  }
0x92: {  	_ =	strace s17  }
0x93: {  	s2 =	sld [smem:$0x3FFC];
	_ =	sdelay $0x3  }
0x94: {  	_ =	strace s2  }
0x95: {  	s2 =	sld [smem:$0x3FFD];
	_ =	sdelay $0x3  }
0x96: {  	_ =	strace s2  }
0x97: {  	_ =	strace $0x8FFFFFFF  }
0x98: {  	s18 =	sld [smem:$0x3FDB];
	_ =	sdelay $0x1  }
0x99: {  	s19 =	simm.s32 $_scs_section_size  }
0x9a: {  	s4 =	simm.s32 $_size__tile_overlayer_lowered;
	s5 =	simm.s32 $_tile_overlayer_lowered  }
0x9b: {  	s22 =	simm.s32 $0x1BFF;
	s21 =	sshll.u32 s5, $0x1;
	s2 =	sadd.s32 s19, s18  }
0x9c: {  	s6 =	simm.s32 $0x0;
	s20 =	sshll.u32 s4, $0x1;
	s4 =	sadd.s32 s21, s2  }
0x9d: {  	[timem:s6], [sflag:s22] =	dma.local [hbm:s4], s20  }
0x9e: {  	_ =	swait.ge [sflag:s22], s20  }
0x9f: {  	s3 =	ssub.s32 $0x0, s20;
	[sflag:s22] =	ssyncset.done $0x0  }
0xa0: {  	[sflag:s22] =	ssyncadd.s32 s3;
	_ =	sdelay $0x1  }
0xa1: {  	s23 =	simm.s32 $0x1B8B  }
0xa2: {  	_ =	swait.ge [sflag:s23], $0x1  }
0xa3: {  	[sflag:s23] =	ssyncset.done $0x0  }
0xa4: {  	s25 =	simm.s32 $0x1B8E;
	s24 =	sld [smem:$0x3FFE];
	[sflag:s23] =	ssyncadd.s32 $0xFFFFFFFF  }
0xa5: {  	s26 =	simm.s32 $execute0_lowered;
	[smem:$0x3FD2] =	sst s25  }
0xa6: {  	s4 =	sshll.u32 s26, $0x1;
	_ =	strace $0x80000049;
	[dreg:$0x1] =	wrdreg $0xFFFFFFFF  }
0xa7: {  	s28 =	simm.s32 $_size_execute0_lowered;
	s2 =	sadd.s32 s2, s4;
	[dreg:$0x0] =	wrdreg $0x0  }
0xa8: {  	s4 =	sshll.u32 s28, $0x1;
	[dreg:$0x2] =	wrdreg s2  }
0xa9: {  	[dreg:$0x3] =	wrdreg s4  }
0xaa: {  	[dreg:$0x4] =	wrdreg $0xC0  }
0xab: {  	_ =	task [dreg:s6], $0x5FFFF  }
0xac: {  	[dreg:$0x1] =	wrdreg $0xFFFFFFFF  }
0xad: {  	[dreg:$0x0] =	wrdreg $0x60  }
0xae: {  	[dreg:$0x2] =	wrdreg s24  }
0xaf: {  	[dreg:$0x3] =	wrdreg $0xA  }
0xb0: {  	_ =	task.clear_ibuf [dreg:s6], $0x4FFFF;
	_ =	strace $0x90000049  }
0xb1: {  	s29 =	simm.s32 $0xA;
	_ =	strace $0x8000004B  }
0xb2: {  	_ =	swait.ge [sflag:s29], $0x1  }
0xb3: {  	[sflag:s29] =	ssyncadd.s32 $0xFFFFFFFF  }
0xb4: {  	_ =	strace $0x9000004B  }
0xb5: {  	_ =	sfence  }
0xb6: {  	s30 =	sld [smem:$0x0];
	_ =	sdelay $0x2  }
0xb7: {  	s31 =	sshll.u32 s1, $0xD;
	s1 =	sshrl.u32 s1, $0x2  }
0xb8: {  	s3 =	sand.u32 $0x4000, s31;
	s1 =	sadd.s32 s1, s30  }
0xb9: {  	s0 =	sor.u32 s3, s0;
	s1 =	sshll.u32 s1, $0x11  }
0xba: {  	s0 =	sor.u32 s1, s0  }
0xbb: {  	s0 =	sadd.s32 $0x8F2B, s0  }
0xbc: {  	[sflag:s0] =	ssyncadd.remote.s32 $0x1  }
0xbd: {  	_ =	sfence.sel $0xFFFF  }
0xbe: {  	[dreg:$0x0] =	wrdreg $0xFFFFFFFF;
	(pc) =	sbr.abs _section_cstart, $3  }
0xbf: {  	[dreg:$0x1] =	wrdreg $0xFFFFFFFF  }
0xc0: {  	_ =	task.clear_ibuf [dreg:s6], $0x2FFFF;
	_ =	strace $0x9FFFFFFF  }
0xc1: {  	(tm) =	ssettm $0x7FFFFFFF  }
tec
execute0_lowered:
.L_overlay_start_1:
0x0: {  	(tag) =	ssettag $0x1  }
0x1: {  	s0 =	srdreg.scid  }
0x2: {  	s4 =	rddreg [dreg:$0x0];
	s2 =	simm.s32 $0x0;
	s8 =	simm.s32 $0x1  }
0x3: {  	s9 =	simm.s32 $0x4000;
	s10 =	simm.s32 $0x8000;
	s3 =	sand.u32 $0x1, s0  }
0x4: {  	s11 =	simm.s32 $0xA800;
	s0 =	stileid.u32;
	s1 =	sshll.u32 s3, $0x4  }
0x5: {  	s12 =	simm.s32 $0x80;
	s13 =	simm.s32 $0x400;
	s5 =	sor.u32 s0, s1  }
0x6: {  	s14 =	simm.s32 $0x0;
	[smem:$0x7FF] =	sst s2;
	s6 =	sshrl.u32 s5, $0x3  }
0x7: {  	s7 =	sshll.u32 s0, $0x7;
	s30 =	ssub.s32 $0x2, s3;
	s6 =	smul.u32 $0x14000, s6  }
0x8: {  	s3 =	sadd.s32 $0x49E00, s4;
	s1 =	rddreg [dreg:$0x1];
	s7 =	sand.u32 $0x380, s7  }
0x9: {  	_ =	strace $0x8000004A;
	s31 =	sshrl.u32 s30, $0x1;
	s6 =	sor.u32 s7, s6  }
0xa: {  	s5 =	sshll.u32 s5, $0xB;
	s7 =	ssub.s32 s30, s31;
	s6 =	sshrl.u32 s6, $0x3  }
0xb: {  	s5 =	sadd.s32 s5, s4;
	s7 =	smax.u32 s7, $0x1;
	s6 =	sadd.s32 s6, s4  }
0xc: {  	v0 =	vimm.f32 $0.0e+00;
	s4 =	sadd.s32 $0x1E00, s5;
	s5 =	sadd.s32 $0x11E00, s5;
	s6 =	sadd.s32 $0x4A400, s6  }
.LBB2_1:
0xd: {  	[tilespmem:s2], [sflag:$0x1] =	stream.linear.gather [hbm4b:s4+s2], $0x3E80, $0x38;
	[tilespmem:$0xD000] =	vst v63  }
0xe: {  	_ =	swait.ge [sflag:s8], $0x3E80  }
0xf: {  	[sflag:s8] =	ssyncset.done $0x0  }
0x10: {  	[sflag:s8] =	ssyncadd.s32 $0xFFFFC180  }
0x11: {  	[tilespmem:s9], [sflag:$0x1] =	stream.linear.gather [hbm4b:s5+s2], $0x3E80, $0x38;
	[tilespmem:$0xD000] =	vst v63  }
0x12: {  	_ =	swait.ge [sflag:s8], $0x3E80  }
0x13: {  	[sflag:s8] =	ssyncset.done $0x0  }
0x14: {  	[sflag:s8] =	ssyncadd.s32 $0xFFFFC180  }
0x15: {  	[tilespmem:s10], [sflag:$0x1] =	stream.linear.gather [hbm4b:s3+s2], $0x2800, $0x38;
	[tilespmem:$0xD000] =	vst v63  }
0x16: {  	_ =	swait.ge [sflag:s8], $0x2800  }
0x17: {  	[sflag:s8] =	ssyncset.done $0x0  }
0x18: {  	s15 =	simm.s32 $0x0;
	[sflag:s8] =	ssyncadd.s32 $0xFFFFD800  }
.LBB2_2:
0x19: {  	p0 =	sne.s32 s15, $0x9FC0  }
.Ltmp0:
0x1a: {  	_ = 	snop;
	(pc) =	sbr.rel @p0 .LBB2_2-.Ltmp0, $3  }
0x1b: {  	_ =	sdelay $0x1  }
0x1c: {  	s16 =	sshra.s32 s15, $0x2  }
0x1d: {  	s15 =	sadd.s32 $0x40, s15;
	[tilespmem:s16+$0xA800] =	vst v0  }
0x1e: {  	s15 =	simm.s32 $0x0  }
.LBB2_4:
0x1f: {  	s16 =	sshra.s32 s15, $0x2  }
0x20: {  	v1 =	vld [tilespmem:s16+$0x4000];
	_ =	sdelay $0x4  }
0x21: {  	v2 =	vld [tilespmem:s16+$0x0];
	_ =	sdelay $0x2  }
0x22: {  	v1 =	vld.idx.msk [tilespmem:v1+s10+$0x0], $0xffff;
	_ =	sdelay $0x4  }
0x23: {  	[tilespmem:v2+s11+$0x0] =	vst.idx.add.f32.msk $0xffff, v1  }
0x24: {  	v1 =	vld [tilespmem:s16+$0x4010];
	_ =	sdelay $0x4  }
0x25: {  	v2 =	vld [tilespmem:s16+$0x10];
	_ =	sdelay $0x2  }
0x26: {  	v1 =	vld.idx.msk [tilespmem:v1+s10+$0x0], $0xffff;
	_ =	sdelay $0x4  }
0x27: {  	[tilespmem:v2+s11+$0x0] =	vst.idx.add.f32.msk $0xffff, v1  }
0x28: {  	v1 =	vld [tilespmem:s16+$0x4020];
	_ =	sdelay $0x4  }
0x29: {  	v2 =	vld [tilespmem:s16+$0x20];
	_ =	sdelay $0x2  }
0x2a: {  	v1 =	vld.idx.msk [tilespmem:v1+s10+$0x0], $0xffff;
	_ =	sdelay $0x4  }
0x2b: {  	[tilespmem:v2+s11+$0x0] =	vst.idx.add.f32.msk $0xffff, v1  }
0x2c: {  	v1 =	vld [tilespmem:s16+$0x4030];
	_ =	sdelay $0x4  }
0x2d: {  	v2 =	vld [tilespmem:s16+$0x30];
	_ =	sdelay $0x2  }
0x2e: {  	v1 =	vld.idx.msk [tilespmem:v1+s10+$0x0], $0xffff;
	_ =	sdelay $0x4  }
0x2f: {  	[tilespmem:v2+s11+$0x0] =	vst.idx.add.f32.msk $0xffff, v1  }
0x30: {  	v1 =	vld [tilespmem:s16+$0x4040];
	_ =	sdelay $0x4  }
0x31: {  	v2 =	vld [tilespmem:s16+$0x40];
	_ =	sdelay $0x2  }
0x32: {  	p0 =	sne.s32 s15, $0xF800;
	v1 =	vld.idx.msk [tilespmem:v1+s10+$0x0], $0xffff  }
.Ltmp1:
0x33: {  	_ = 	snop;
	(pc) =	sbr.rel @p0 .LBB2_4-.Ltmp1, $2  }
0x34: {  	_ =	sdelay $0x2  }
0x35: {  	s15 =	sadd.s32 $0x200, s15;
	[tilespmem:v2+s11+$0x0] =	vst.idx.add.f32.msk $0xffff, v1  }
0x36: {  	s14 =	sadd.s32 $0x1, s14  }
0x37: {  	p0 =	sne.s32 s14, s7  }
.Ltmp2:
0x38: {  	_ = 	snop;
	(pc) =	sbr.rel @p0 .LBB2_1-.Ltmp2, $4  }
0x39: {  	[hbm4b:s6+s12] =	stream.strided.scatter [tilespmem:s11], [sflag:$0x1], $0x2800, s13, s12, $0x38;
	[tilespmem:$0xD000] =	vst v63  }
0x3a: {  	_ =	swait.ge [sflag:s8], $0x2800  }
0x3b: {  	[sflag:s8] =	ssyncset.done $0x0  }
0x3c: {  	[sflag:s8] =	ssyncadd.s32 $0xFFFFD800  }
0x3d: {  	_ =	sfence.sel $0x180000  }
0x3e: {  	[bflag:$0x0] =	sbarrier.arrive $0xFFFF  }
0x3f: {  	p0 =	sne.s32 s0, $0x0;
	_ =	strace $0x9000004A  }
0x40: {  	s0 =	sadd.s32 @!p0 $0x100000, s1;
	[bflag:$0x2] =	sbarrier.arrive $0xFFFF  }
0x41: {  	[sflag:s0] =	ssyncadd.tile.s32 @!p0 $0x1;
	_ =	shalt  }
.Lfunc_end2:
_tile_overlayer_lowered:
.L_overlay_start_2:
0x42: {  	(tag) =	ssettag $0x2  }
0x43: {  	s0 =	rddreg [dreg:$0x0];
	s2 =	stileid.u32  }
0x44: {  	s1 =	rddreg [dreg:$0x1];
	p0 =	sne.s32 s2, $0x0  }
0x45: {  	s3 =	rddreg [dreg:$0x2];
	[bflag:$0x3] =	sbarrier.arrive $0xFFFF;
	s2 =	simm.s32 @!p0 $0x1C01  }
0x46: {  	[timem:s3], [sflag:s2] =	dma.local @!p0 [hbm:s0], s1  }
0x47: {  	s0 =	simm.s32 @!p0 $0x1  }
0x48: {  	_ =	swait.ge @!p0 [sflag:s0], s1  }
0x49: {  	s1 =	ssub.s32 @!p0 $0x0, s1;
	[sflag:s0] =	ssyncset.done @!p0 $0x0  }
0x4a: {  	[sflag:s0] =	ssyncadd.s32 @!p0 s1  }
0x4b: {  	[bflag:$0x3] =	sbarrier.arrive $0xFFFF  }
0x4c: {  	_ =	shalt  }

// kernel: kernel.18.cloned.1.call-start
scs
__scs_entry_jumppad:
0x0: {  	(pc) =	sbr.rel $0x88, $3  }
0x1: {  	(tag) =	ssettag $0x0;
	lr =	simm.s32 $0x1  }
0x2: {  	[smem:$0x3F9B] =	sst lr;
	_ =	strace $0xD0000000  }
0x3: {  	_ = 	snop  }
0x4: {  	_ = 	snop  }
0x5: {  	_ = 	snop  }
0x6: {  	_ = 	snop  }
0x7: {  	_ = 	snop  }
__scs_overlays_trampoline_lowered:
0x8: {  	[smem:$0x3FAA] =	sst s0  }
0x9: {  	[smem:$0x3FAB] =	sst s1  }
0xa: {  	[smem:$0x3FAC] =	sst s2  }
0xb: {  	[smem:$0x3FAD] =	sst s3  }
0xc: {  	[smem:$0x3FAE] =	sst s4  }
0xd: {  	[smem:$0x3FAF] =	sst s5  }
0xe: {  	[smem:$0x3FB0] =	sst s6  }
0xf: {  	[smem:$0x3FB1] =	sst s7  }
0x10: {  	[smem:$0x3FB2] =	sst s8  }
0x11: {  	[smem:$0x3FB3] =	sst s9;
	s0 =	simm.s32 @!p0 $0x0  }
0x12: {  	s1 =	sld [smem:$0x3F99];
	s0 =	simm.s32 @p0 $0x1  }
0x13: {  	[smem:$0x3FB4] =	sst s0;
	s0 =	simm.s32 @!p1 $0x0  }
0x14: {  	s2 =	sld [smem:$0x3F98];
	s0 =	simm.s32 @p1 $0x1  }
0x15: {  	[smem:$0x3FB5] =	sst s0;
	s0 =	simm.s32 @!p2 $0x0  }
0x16: {  	s3 =	sld [smem:$0x3FDB];
	s0 =	simm.s32 @p2 $0x1  }
0x17: {  	s4 =	simm.s32 $0x1BF5;
	[smem:$0x3FB7] =	sst s0  }
0x18: {  	s0 =	sld [smem:$0x3F9A];
	_ =	swait.ge [sflag:s4], $0x0  }
0x19: {  	s7 =	sld [smem:$0x3F9B]  }
0x1a: {  	s8 =	sadd.s32 $0xFFFFE003, lr  }
0x1b: {  	s9 =	sadd.s32 $0xFFFFFEF7, lr;
	s5 =	simm.s32 $0xFFFFFFFF;
	p2 =	slt.u32 s8, $0xFFFFF086  }
0x1c: {  	p1 =	slt.u32 s9, $0xF7A;
	s5 =	simm.s32 @!p2 $0x0  }
0x1d: {  	s5 =	simm.s32 @p1 $0x1;
	p0 =	seq.s32 s7, s2  }
0x1e: {  	s7 =	smul.u32 @!p0 $0xF7A, s2;
	p2 =	seq.s32 @!p0 s5, $0x0  }
0x1f: {  	s9 =	smul.u32 $0xF7A, s1;
	s8 =	simm.s32 @!p0 $0x1BF5;
	p2 =	por !p2, p0  }
0x20: {  	[sflag:s8] =	ssyncset.s32 @!p0 $0xFFFFF086;
	s6 =	sadd.s32 @!p0 s3, s7;
	s7 =	simm.s32 @!p0 $0x108  }
0x21: {  	s3 =	sadd.s32 s3, s9;
	s6 =	sadd.s32 @!p0 $0x88, s6;
	s7 =	simm.s32 @p2 $0x1082  }
0x22: {  	[simem:s7], [sflag:s8] =	dma.local @!p0 [hbm:s6], $0xF7A  }
0x23: {  	s9 =	sor.u32 $0xD0000000, s2;
	s6 =	simm.s32 $0x108;
	_ =	swait.ge @!p0 [sflag:s8], $0x0  }
0x24: {  	s3 =	sadd.s32 $0x88, s3;
	s6 =	simm.s32 @!p1 $0x1082;
	[sflag:s4] =	ssyncset.s32 $0xFFFFF086  }
0x25: {  	[simem:s6], [sflag:s4] =	dma.local [hbm:s3], $0xF7A  }
0x26: {  	[smem:$0x3F9B] =	sst s1;
	(tag) =	ssettag s2;
	_ =	strace s9  }
0x27: {  	s1 =	sld [smem:$0x3FAB]  }
0x28: {  	s2 =	sld [smem:$0x3FAC]  }
0x29: {  	s4 =	sld [smem:$0x3FAE]  }
0x2a: {  	p0 =	seq.s32 s5, $0x0;
	s5 =	sld [smem:$0x3FAF]  }
0x2b: {  	s6 =	sld [smem:$0x3FB0]  }
0x2c: {  	s7 =	sld [smem:$0x3FB1]  }
0x2d: {  	s3 =	simm.s32 $0x108;
	s8 =	sld [smem:$0x3FB2]  }
0x2e: {  	s3 =	simm.s32 @!p0 $0x1082;
	s9 =	sld [smem:$0x3FB3]  }
0x2f: {  	lr =	sadd.s32 s0, s3;
	s0 =	sld [smem:$0x3FAA]  }
0x30: {  	s3 =	sld [smem:$0x3FAD]  }
0x31: {  	[smem:$0x3FB6] =	sst s10  }
0x32: {  	s10 =	sld [smem:$0x3FB4];
	_ =	sdelay $0x3  }
0x33: {  	p0 =	seq.s32 s10, $0x1;
	s10 =	sld [smem:$0x3FB6];
	_ =	sdelay $0x3  }
0x34: {  	[smem:$0x3FB6] =	sst s10  }
0x35: {  	s10 =	sld [smem:$0x3FB5];
	_ =	sdelay $0x3  }
0x36: {  	p1 =	seq.s32 s10, $0x1;
	s10 =	sld [smem:$0x3FB6];
	_ =	sdelay $0x3  }
0x37: {  	[smem:$0x3FB6] =	sst s10  }
0x38: {  	s10 =	sld [smem:$0x3FB7]  }
0x39: {  	_ = 	snop;
	(pc) =	sbr.ind lr, $3  }
0x3a: {  	_ = 	snop  }
0x3b: {  	_ = 	snop  }
0x3c: {  	p2 =	seq.s32 s10, $0x1;
	s10 =	sld [smem:$0x3FB6]  }
0x3d: {  	_ =	shalt  }
0x3e: {  	_ =	shalt  }
0x3f: {  	_ =	shalt  }
0x40: {  	_ =	shalt  }
0x41: {  	_ =	shalt  }
0x42: {  	_ =	shalt  }
0x43: {  	_ =	shalt  }
0x44: {  	_ =	shalt  }
0x45: {  	_ =	shalt  }
0x46: {  	_ =	shalt  }
0x47: {  	_ =	shalt  }
0x48: {  	_ =	shalt  }
0x49: {  	_ =	shalt  }
0x4a: {  	_ =	shalt  }
0x4b: {  	_ =	shalt  }
0x4c: {  	_ =	shalt  }
0x4d: {  	_ =	shalt  }
0x4e: {  	_ =	shalt  }
0x4f: {  	_ =	shalt  }
0x50: {  	_ =	shalt  }
0x51: {  	_ =	shalt  }
0x52: {  	_ =	shalt  }
0x53: {  	_ =	shalt  }
0x54: {  	_ =	shalt  }
0x55: {  	_ =	shalt  }
0x56: {  	_ =	shalt  }
0x57: {  	_ =	shalt  }
0x58: {  	_ =	shalt  }
0x59: {  	_ =	shalt  }
0x5a: {  	_ =	shalt  }
0x5b: {  	_ =	shalt  }
0x5c: {  	_ =	shalt  }
0x5d: {  	_ =	shalt  }
0x5e: {  	_ =	shalt  }
0x5f: {  	_ =	shalt  }
0x60: {  	_ =	shalt  }
0x61: {  	_ =	shalt  }
0x62: {  	_ =	shalt  }
0x63: {  	_ =	shalt  }
0x64: {  	_ =	shalt  }
0x65: {  	_ =	shalt  }
0x66: {  	_ =	shalt  }
0x67: {  	_ =	shalt  }
0x68: {  	_ =	shalt  }
0x69: {  	_ =	shalt  }
0x6a: {  	_ =	shalt  }
0x6b: {  	_ =	shalt  }
0x6c: {  	_ =	shalt  }
0x6d: {  	_ =	shalt  }
0x6e: {  	_ =	shalt  }
0x6f: {  	_ =	shalt  }
0x70: {  	_ =	shalt  }
0x71: {  	_ =	shalt  }
0x72: {  	_ =	shalt  }
0x73: {  	_ =	shalt  }
0x74: {  	_ =	shalt  }
0x75: {  	_ =	shalt  }
0x76: {  	_ =	shalt  }
0x77: {  	_ =	shalt  }
0x78: {  	_ =	shalt  }
0x79: {  	_ =	shalt  }
0x7a: {  	_ =	shalt  }
0x7b: {  	_ =	shalt  }
0x7c: {  	_ =	shalt  }
0x7d: {  	_ =	shalt  }
0x7e: {  	_ =	shalt  }
0x7f: {  	_ =	shalt  }
0x80: {  	_ =	shalt  }
0x81: {  	_ =	shalt  }
0x82: {  	_ =	shalt  }
0x83: {  	_ =	shalt  }
0x84: {  	_ =	shalt  }
0x85: {  	_ =	shalt  }
0x86: {  	_ =	shalt  }
0x87: {  	_ =	shalt  }
.Lfunc_end0:
.L_simem_size_0:
called_computation.3_lowered:
.L_overlay_start_0:
0x88: {  	s2 =	sld [smem:$0x3FD9]  }
0x89: {  	s3 =	sld [smem:$0x3FFE];
	_ =	sdelay $0x1  }
0x8a: {  	s1 =	srdreg.scid  }
0x8b: {  	s0 =	sand.u32 $0x1, s1  }
0x8c: {  	s16 =	sshll.u32 s0, $0xA;
	s2 =	sadd.s32 s3, s2  }
0x8d: {  	s2 =	sadd.s32 s2, s16  }
0x8e: {  	[smem:$0x3FC2] =	sst s2  }
0x8f: {  	_ = 	snop  }
0x90: {  	(tm) =	ssettm $0x1  }
0x91: {  	s17 =	sld [smem:$0x3FFB];
	_ =	sdelay $0x3  }
0x92: {  	_ =	strace s17  }
0x93: {  	s2 =	sld [smem:$0x3FFC];
	_ =	sdelay $0x3  }
0x94: {  	_ =	strace s2  }
0x95: {  	s2 =	sld [smem:$0x3FFD];
	_ =	sdelay $0x3  }
0x96: {  	_ =	strace s2  }
0x97: {  	_ =	strace $0x8FFFFFFF  }
0x98: {  	s18 =	sld [smem:$0x3FDB];
	_ =	sdelay $0x1  }
0x99: {  	s19 =	simm.s32 $_scs_section_size  }
0x9a: {  	s4 =	simm.s32 $_size__tile_overlayer_lowered;
	s5 =	simm.s32 $_tile_overlayer_lowered  }
0x9b: {  	s22 =	simm.s32 $0x1BFF;
	s21 =	sshll.u32 s5, $0x1;
	s2 =	sadd.s32 s19, s18  }
0x9c: {  	s6 =	simm.s32 $0x0;
	s20 =	sshll.u32 s4, $0x1;
	s4 =	sadd.s32 s21, s2  }
0x9d: {  	[timem:s6], [sflag:s22] =	dma.local [hbm:s4], s20  }
0x9e: {  	_ =	swait.ge [sflag:s22], s20  }
0x9f: {  	s3 =	ssub.s32 $0x0, s20;
	[sflag:s22] =	ssyncset.done $0x0  }
0xa0: {  	[sflag:s22] =	ssyncadd.s32 s3;
	_ =	sdelay $0x1  }
0xa1: {  	s23 =	simm.s32 $0x1B8B  }
0xa2: {  	_ =	swait.ge [sflag:s23], $0x1  }
0xa3: {  	[sflag:s23] =	ssyncset.done $0x0  }
0xa4: {  	s25 =	simm.s32 $0x1B8E;
	s24 =	sld [smem:$0x3FFE];
	[sflag:s23] =	ssyncadd.s32 $0xFFFFFFFF  }
0xa5: {  	s26 =	simm.s32 $execute0_lowered;
	[smem:$0x3FD2] =	sst s25  }
0xa6: {  	s4 =	sshll.u32 s26, $0x1;
	_ =	strace $0x8000004F;
	[dreg:$0x1] =	wrdreg $0xFFFFFFFF  }
0xa7: {  	s28 =	simm.s32 $_size_execute0_lowered;
	s2 =	sadd.s32 s2, s4;
	[dreg:$0x0] =	wrdreg $0x0  }
0xa8: {  	s4 =	sshll.u32 s28, $0x1;
	[dreg:$0x2] =	wrdreg s2  }
0xa9: {  	[dreg:$0x3] =	wrdreg s4  }
0xaa: {  	[dreg:$0x4] =	wrdreg $0xC0  }
0xab: {  	_ =	task [dreg:s6], $0x5FFFF  }
0xac: {  	[dreg:$0x1] =	wrdreg $0xFFFFFFFF  }
0xad: {  	[dreg:$0x0] =	wrdreg $0x60  }
0xae: {  	[dreg:$0x2] =	wrdreg s24  }
0xaf: {  	[dreg:$0x3] =	wrdreg $0xA8000  }
0xb0: {  	[dreg:$0x4] =	wrdreg $0x9  }
0xb1: {  	_ =	task.clear_ibuf [dreg:s6], $0x5FFFF;
	_ =	strace $0x9000004F  }
0xb2: {  	s29 =	simm.s32 $0x9;
	_ =	strace $0x80000051  }
0xb3: {  	_ =	swait.ge [sflag:s29], $0x1  }
0xb4: {  	[sflag:s29] =	ssyncadd.s32 $0xFFFFFFFF  }
0xb5: {  	_ =	strace $0x90000051  }
0xb6: {  	_ =	sfence  }
0xb7: {  	s30 =	sld [smem:$0x0];
	_ =	sdelay $0x2  }
0xb8: {  	s31 =	sshll.u32 s1, $0xD;
	s1 =	sshrl.u32 s1, $0x2  }
0xb9: {  	s3 =	sand.u32 $0x4000, s31;
	s1 =	sadd.s32 s1, s30  }
0xba: {  	s0 =	sor.u32 s3, s0;
	s1 =	sshll.u32 s1, $0x11  }
0xbb: {  	s0 =	sor.u32 s1, s0  }
0xbc: {  	s0 =	sadd.s32 $0x8F2B, s0  }
0xbd: {  	[sflag:s0] =	ssyncadd.remote.s32 $0x1  }
0xbe: {  	_ =	sfence.sel $0xFFFF  }
0xbf: {  	[dreg:$0x0] =	wrdreg $0xFFFFFFFF;
	(pc) =	sbr.abs _section_cstart, $3  }
0xc0: {  	[dreg:$0x1] =	wrdreg $0xFFFFFFFF  }
0xc1: {  	_ =	task.clear_ibuf [dreg:s6], $0x2FFFF;
	_ =	strace $0x9FFFFFFF  }
0xc2: {  	(tm) =	ssettm $0x7FFFFFFF  }
0xc3: {  	_ =	shalt  }
tec
execute0_lowered:
.L_overlay_start_1:
0x0: {  	(tag) =	ssettag $0x1  }
0x1: {  	s0 =	srdreg.scid;
	s5 =	rddreg [dreg:$0x0]  }
0x2: {  	s2 =	rddreg [dreg:$0x1];
	s15 =	simm.s32 $0x2800;
	s16 =	simm.s32 $0x3  }
0x3: {  	s18 =	simm.s32 $0x1400;
	s19 =	simm.s32 $0x80;
	s20 =	simm.s32 $0x6800  }
0x4: {  	s21 =	simm.s32 $0x1;
	s22 =	simm.s32 $0x2;
	s23 =	simm.s32 $0x2780  }
0x5: {  	s24 =	simm.s32 $0x1300;
	s25 =	simm.s32 $0x1380;
	s1 =	sand.u32 $0x1, s0  }
0x6: {  	s0 =	stileid.u32;
	s3 =	sshll.u32 s1, $0x4;
	s6 =	smul.u32 $0x140000, s1  }
0x7: {  	s1 =	ssub.s32 $0x2, s1;
	s7 =	smul.u32 $0x50000, s0;
	s4 =	sor.u32 s0, s3  }
0x8: {  	s3 =	simm.s32 $0x0;
	s9 =	sshrl.u32 s1, $0x1;
	s4 =	smul.u32 $0x500, s4  }
0x9: {  	[smem:$0x7FF] =	sst s3;
	s10 =	sadd.s32 s6, s5;
	s1 =	ssub.s32 s1, s9  }
0xa: {  	s29 =	sshrl.u32 s7, $0x2;
	s9 =	smul.u32 $0x2800, s0;
	_ =	strace $0x80000050  }
0xb: {  	s1 =	smax.u32 s1, $0x1;
	s8 =	sadd.s32 s4, s5;
	s4 =	sadd.s32 $0x68400, s5  }
0xc: {  	s5 =	sadd.s32 s29, s2;
	[dreg:$0x3] =	wrdreg s1;
	s6 =	sadd.s32 $0x5E400, s8  }
0xd: {  	s7 =	sadd.s32 $0x54400, s8;
	s8 =	sadd.s32 $0x1A8400, s10;
	s30 =	sadd.s32 $0x4000, s5  }
0xe: {  	s31 =	sadd.s32 $0x8000, s5;
	s13 =	sadd.s32 $0xC000, s5;
	[dreg:$0x4] =	wrdreg s30  }
0xf: {  	v0 =	vimm.f32 $0.0e+00;
	s14 =	sadd.s32 $0x10000, s5;
	[dreg:$0x5] =	wrdreg s31;
	s17 =	sadd.s32 $0x280, s6  }
.LBB2_1:
0x10: {  	s26 =	simm.s32 $0x0;
	s28 =	simm.s32 $0x200  }
.LBB2_2:
0x11: {  	p0 =	sne.s32 s28, $0xFE00;
	[tilespmem:s26+$0x2870] =	vst v0  }
0x12: {  	[tilespmem:s26+$0x2800] =	vst v0  }
0x13: {  	[tilespmem:s26+$0x2810] =	vst v0  }
.Ltmp0:
0x14: {  	[tilespmem:s26+$0x2820] =	vst v0;
	(pc) =	sbr.rel @p0 .LBB2_2-.Ltmp0, $4  }
0x15: {  	[tilespmem:s26+$0x2830] =	vst v0  }
0x16: {  	[tilespmem:s26+$0x2840] =	vst v0  }
0x17: {  	[tilespmem:s26+$0x2850] =	vst v0  }
0x18: {  	[tilespmem:s26+$0x2860] =	vst v0;
	s26 =	sshra.s32 s28, $0x2;
	s28 =	sadd.s32 $0x200, s28  }
0x19: {  	[tilespmem:s26+$0x2870] =	vst v0  }
0x1a: {  	[tilespmem:s26+$0x2800] =	vst v0  }
0x1b: {  	[tilespmem:s26+$0x2810] =	vst v0  }
0x1c: {  	[tilespmem:s26+$0x2820] =	vst v0  }
0x1d: {  	[tilespmem:s26+$0x2830] =	vst v0  }
0x1e: {  	[tilespmem:s26+$0x2840] =	vst v0  }
0x1f: {  	[tilespmem:s26+$0x2850] =	vst v0  }
0x20: {  	[tilespmem:s26+$0x2860] =	vst v0  }
0x21: {  	[spmem:s5] =	stream.linear.scatter [tilespmem:s15], [sflag:$0x3], $0x4000, $0x38;
	[tilespmem:$0x1E800] =	vst v63  }
0x22: {  	_ =	swait.ge [sflag:s16], $0x4000  }
0x23: {  	[sflag:s16] =	ssyncset.done $0x0  }
0x24: {  	s1 =	rddreg [dreg:$0x4];
	[sflag:s16] =	ssyncadd.s32 $0xFFFFC000  }
0x25: {  	[spmem:s1] =	stream.linear.scatter [tilespmem:s15], [sflag:$0x3], $0x4000, $0x38;
	[tilespmem:$0x1E800] =	vst v63  }
0x26: {  	_ =	swait.ge [sflag:s16], $0x4000  }
0x27: {  	[sflag:s16] =	ssyncset.done $0x0  }
0x28: {  	s31 =	rddreg [dreg:$0x5];
	[sflag:s16] =	ssyncadd.s32 $0xFFFFC000  }
0x29: {  	[spmem:s31] =	stream.linear.scatter [tilespmem:s15], [sflag:$0x3], $0x4000, $0x38;
	[tilespmem:$0x1E800] =	vst v63  }
0x2a: {  	_ =	swait.ge [sflag:s16], $0x4000  }
0x2b: {  	[sflag:s16] =	ssyncset.done $0x0  }
0x2c: {  	[sflag:s16] =	ssyncadd.s32 $0xFFFFC000  }
0x2d: {  	[spmem:s13] =	stream.linear.scatter [tilespmem:s15], [sflag:$0x3], $0x4000, $0x38;
	[tilespmem:$0x1E800] =	vst v63  }
0x2e: {  	_ =	swait.ge [sflag:s16], $0x4000  }
0x2f: {  	[sflag:s16] =	ssyncset.done $0x0  }
0x30: {  	[sflag:s16] =	ssyncadd.s32 $0xFFFFC000  }
0x31: {  	[spmem:s14] =	stream.linear.scatter [tilespmem:s15], [sflag:$0x3], $0x4000, $0x38;
	[tilespmem:$0x1E800] =	vst v63  }
0x32: {  	_ =	swait.ge [sflag:s16], $0x4000  }
0x33: {  	[sflag:s16] =	ssyncset.done $0x0  }
0x34: {  	[sflag:s16] =	ssyncadd.s32 $0xFFFFC000  }
0x35: {  	s26 =	simm.s32 $0x0;
	s28 =	simm.s32 $0x0;
	[bflag:$0x0] =	sbarrier.arrive $0xFFFF  }
.LBB2_4:
0x36: {  	[tilespmem:s26], [sflag:$0x3] =	stream.linear.gather [hbm4b:s6+s26], $0x1400, $0x38;
	[tilespmem:$0x1E800] =	vst v63  }
0x37: {  	_ =	swait.ge [sflag:s16], $0x1400  }
0x38: {  	[sflag:s16] =	ssyncset.done $0x0  }
0x39: {  	[sflag:s16] =	ssyncadd.s32 $0xFFFFEC00  }
0x3a: {  	[tilespmem:s18], [sflag:$0x3] =	stream.linear.gather [hbm4b:s7+s26], $0x1400, $0x38;
	[tilespmem:$0x1E800] =	vst v63  }
0x3b: {  	s29 =	smul.u32 $0x28000, s28;
	_ =	swait.ge [sflag:s16], $0x1400  }
0x3c: {  	[sflag:s16] =	ssyncset.done $0x0  }
0x3d: {  	s30 =	sadd.s32 s4, s29;
	[sflag:s16] =	ssyncadd.s32 $0xFFFFEC00  }
0x3e: {  	[tilespmem:s15], [sflag:$0x1] =	stream.indirect.gather [hbm4b:s30+s19], $0x80, s18, s19, $0xb8;
	[tilespmem:$0x1E800] =	vst v63  }
0x3f: {  	s1 =	simm.s32 $0x1480  }
0x40: {  	[tilespmem:s20], [sflag:$0x2] =	stream.indirect.gather [hbm4b:s30+s19], $0x80, s1, s19, $0xb8;
	[tilespmem:$0x1E800] =	vst v63  }
0x41: {  	_ =	swait.ge [sflag:s21], $0x4000  }
0x42: {  	[sflag:s21] =	ssyncset.done $0x0  }
0x43: {  	s10 =	simm.s32 $0x0;
	[sflag:s21] =	ssyncadd.s32 $0xFFFFC000  }
0x44: {  	[spmem:s2] =	stream.indirect.scatter.add.f32 [tilespmem:s15], [sflag:$0x3], $0x80, s10, s19, $0xb8;
	[tilespmem:$0x1E800] =	vst v63  }
0x45: {  	_ =	swait.ge [sflag:s16], $0x4000  }
0x46: {  	[sflag:s16] =	ssyncset.done $0x0  }
0x47: {  	s11 =	simm.s32 $0x1500;
	[sflag:s16] =	ssyncadd.s32 $0xFFFFC000  }
0x48: {  	[tilespmem:s15], [sflag:$0x1] =	stream.indirect.gather [hbm4b:s30+s19], $0x80, s11, s19, $0xb8;
	[tilespmem:$0x1E800] =	vst v63  }
0x49: {  	_ =	swait.ge [sflag:s22], $0x4000  }
0x4a: {  	[sflag:s22] =	ssyncset.done $0x0  }
0x4b: {  	s12 =	simm.s32 $0x80;
	[sflag:s22] =	ssyncadd.s32 $0xFFFFC000  }
0x4c: {  	[spmem:s2] =	stream.indirect.scatter.add.f32 [tilespmem:s20], [sflag:$0x3], $0x80, s12, s19, $0xb8;
	[tilespmem:$0x1E800] =	vst v63  }
0x4d: {  	_ =	swait.ge [sflag:s16], $0x4000  }
0x4e: {  	s31 =	simm.s32 $0x100;
	s1 =	simm.s32 $0x800;
	[sflag:s16] =	ssyncset.done $0x0  }
.LBB2_5:
0x4f: {  	s10 =	sadd.s32 $0x1480, s31  }
0x50: {  	[sflag:s16] =	ssyncadd.s32 $0xFFFFC000;
	s11 =	smov.u32 s1;
	s12 =	sadd.s32 $0x400, s1  }
0x51: {  	[tilespmem:s20], [sflag:$0x2] =	stream.indirect.gather [hbm4b:s30+s19], $0x80, s10, s19, $0xb8;
	[tilespmem:$0x1E800] =	vst v63  }
0x52: {  	p0 =	sne.s32 s1, $0x4800;
	_ =	swait.ge [sflag:s21], $0x4000  }
0x53: {  	[sflag:s21] =	ssyncset.done $0x0  }
0x54: {  	[sflag:s21] =	ssyncadd.s32 $0xFFFFC000  }
0x55: {  	[spmem:s2] =	stream.indirect.scatter.add.f32 [tilespmem:s15], [sflag:$0x3], $0x80, s31, s19, $0xb8;
	[tilespmem:$0x1E800] =	vst v63  }
0x56: {  	_ =	swait.ge [sflag:s16], $0x4000  }
0x57: {  	[sflag:s16] =	ssyncset.done $0x0  }
0x58: {  	s1 =	sadd.s32 $0x1500, s31;
	[sflag:s16] =	ssyncadd.s32 $0xFFFFC000  }
0x59: {  	[tilespmem:s15], [sflag:$0x1] =	stream.indirect.gather [hbm4b:s30+s19], $0x80, s1, s19, $0xb8;
	[tilespmem:$0x1E800] =	vst v63  }
0x5a: {  	_ =	swait.ge [sflag:s22], $0x4000  }
.Ltmp1:
0x5b: {  	[sflag:s22] =	ssyncset.done $0x0;
	(pc) =	sbr.rel @p0 .LBB2_5-.Ltmp1, $4  }
0x5c: {  	s1 =	sadd.s32 $0x80, s31;
	[sflag:s22] =	ssyncadd.s32 $0xFFFFC000  }
0x5d: {  	[spmem:s2] =	stream.indirect.scatter.add.f32 [tilespmem:s20], [sflag:$0x3], $0x80, s1, s19, $0xb8;
	[tilespmem:$0x1E800] =	vst v63  }
0x5e: {  	_ =	swait.ge [sflag:s16], $0x4000  }
0x5f: {  	s31 =	sshra.s32 s11, $0x2;
	s1 =	smov.u32 s12;
	[sflag:s16] =	ssyncset.done $0x0  }
0x60: {  	s1 =	sadd.s32 $0x1480, s31;
	[sflag:s16] =	ssyncadd.s32 $0xFFFFC000  }
0x61: {  	[tilespmem:s20], [sflag:$0x2] =	stream.indirect.gather [hbm4b:s30+s19], $0x80, s1, s19, $0xb8;
	[tilespmem:$0x1E800] =	vst v63  }
0x62: {  	_ =	swait.ge [sflag:s21], $0x4000  }
0x63: {  	[sflag:s21] =	ssyncset.done $0x0  }
0x64: {  	[sflag:s21] =	ssyncadd.s32 $0xFFFFC000  }
0x65: {  	[spmem:s2] =	stream.indirect.scatter.add.f32 [tilespmem:s15], [sflag:$0x3], $0x80, s31, s19, $0xb8;
	[tilespmem:$0x1E800] =	vst v63  }
0x66: {  	_ =	swait.ge [sflag:s16], $0x4000  }
0x67: {  	[sflag:s16] =	ssyncset.done $0x0  }
0x68: {  	s12 =	sadd.s32 $0x1500, s31;
	[sflag:s16] =	ssyncadd.s32 $0xFFFFC000  }
0x69: {  	[tilespmem:s15], [sflag:$0x1] =	stream.indirect.gather [hbm4b:s30+s19], $0x80, s12, s19, $0xb8;
	[tilespmem:$0x1E800] =	vst v63  }
0x6a: {  	_ =	swait.ge [sflag:s22], $0x4000  }
0x6b: {  	[sflag:s22] =	ssyncset.done $0x0  }
0x6c: {  	s10 =	sadd.s32 $0x80, s31;
	[sflag:s22] =	ssyncadd.s32 $0xFFFFC000  }
0x6d: {  	[spmem:s2] =	stream.indirect.scatter.add.f32 [tilespmem:s20], [sflag:$0x3], $0x80, s10, s19, $0xb8;
	[tilespmem:$0x1E800] =	vst v63  }
0x6e: {  	_ =	swait.ge [sflag:s16], $0x4000  }
0x6f: {  	[sflag:s16] =	ssyncset.done $0x0  }
0x70: {  	[sflag:s16] =	ssyncadd.s32 $0xFFFFC000  }
0x71: {  	[tilespmem:s20], [sflag:$0x2] =	stream.indirect.gather [hbm4b:s30+s19], $0x80, s23, s19, $0xb8;
	[tilespmem:$0x1E800] =	vst v63  }
0x72: {  	_ =	swait.ge [sflag:s21], $0x4000  }
0x73: {  	[sflag:s21] =	ssyncset.done $0x0  }
0x74: {  	[sflag:s21] =	ssyncadd.s32 $0xFFFFC000  }
0x75: {  	[spmem:s2] =	stream.indirect.scatter.add.f32 [tilespmem:s15], [sflag:$0x3], $0x80, s24, s19, $0xb8;
	[tilespmem:$0x1E800] =	vst v63  }
0x76: {  	_ =	swait.ge [sflag:s16], $0x4000  }
0x77: {  	[sflag:s16] =	ssyncset.done $0x0  }
0x78: {  	[sflag:s16] =	ssyncadd.s32 $0xFFFFC000  }
0x79: {  	_ =	swait.ge [sflag:s22], $0x4000  }
0x7a: {  	[sflag:s22] =	ssyncset.done $0x0  }
0x7b: {  	[sflag:s22] =	ssyncadd.s32 $0xFFFFC000  }
0x7c: {  	[spmem:s2] =	stream.indirect.scatter.add.f32 [tilespmem:s20], [sflag:$0x3], $0x80, s25, s19, $0xb8;
	[tilespmem:$0x1E800] =	vst v63  }
0x7d: {  	_ =	swait.ge [sflag:s16], $0x4000  }
0x7e: {  	[sflag:s16] =	ssyncset.done $0x0  }
0x7f: {  	s11 =	simm.s32 $0x0;
	[sflag:s16] =	ssyncadd.s32 $0xFFFFC000  }
0x80: {  	[tilespmem:s11], [sflag:$0x3] =	stream.linear.gather [hbm4b:s17+s11], $0x1400, $0x38;
	[tilespmem:$0x1E800] =	vst v63  }
0x81: {  	_ =	swait.ge [sflag:s16], $0x1400  }
0x82: {  	[sflag:s16] =	ssyncset.done $0x0  }
0x83: {  	s10 =	sadd.s32 $0x280, s7;
	[sflag:s16] =	ssyncadd.s32 $0xFFFFEC00  }
0x84: {  	[tilespmem:s18], [sflag:$0x3] =	stream.linear.gather [hbm4b:s10+s11], $0x1400, $0x38;
	[tilespmem:$0x1E800] =	vst v63  }
0x85: {  	_ =	swait.ge [sflag:s16], $0x1400  }
0x86: {  	[sflag:s16] =	ssyncset.done $0x0  }
0x87: {  	[sflag:s16] =	ssyncadd.s32 $0xFFFFEC00  }
0x88: {  	[tilespmem:s15], [sflag:$0x1] =	stream.indirect.gather [hbm4b:s30+s19], $0x80, s18, s19, $0xb8;
	[tilespmem:$0x1E800] =	vst v63  }
0x89: {  	s12 =	simm.s32 $0x1480  }
0x8a: {  	[tilespmem:s20], [sflag:$0x2] =	stream.indirect.gather [hbm4b:s30+s19], $0x80, s12, s19, $0xb8;
	[tilespmem:$0x1E800] =	vst v63  }
0x8b: {  	_ =	swait.ge [sflag:s21], $0x4000  }
0x8c: {  	[sflag:s21] =	ssyncset.done $0x0  }
0x8d: {  	s10 =	simm.s32 $0x0;
	[sflag:s21] =	ssyncadd.s32 $0xFFFFC000  }
0x8e: {  	[spmem:s2] =	stream.indirect.scatter.add.f32 [tilespmem:s15], [sflag:$0x3], $0x80, s10, s19, $0xb8;
	[tilespmem:$0x1E800] =	vst v63  }
0x8f: {  	_ =	swait.ge [sflag:s16], $0x4000  }
0x90: {  	[sflag:s16] =	ssyncset.done $0x0  }
0x91: {  	s11 =	simm.s32 $0x1500;
	[sflag:s16] =	ssyncadd.s32 $0xFFFFC000  }
0x92: {  	[tilespmem:s15], [sflag:$0x1] =	stream.indirect.gather [hbm4b:s30+s19], $0x80, s11, s19, $0xb8;
	[tilespmem:$0x1E800] =	vst v63  }
0x93: {  	_ =	swait.ge [sflag:s22], $0x4000  }
0x94: {  	[sflag:s22] =	ssyncset.done $0x0  }
0x95: {  	s12 =	simm.s32 $0x80;
	[sflag:s22] =	ssyncadd.s32 $0xFFFFC000  }
0x96: {  	[spmem:s2] =	stream.indirect.scatter.add.f32 [tilespmem:s20], [sflag:$0x3], $0x80, s12, s19, $0xb8;
	[tilespmem:$0x1E800] =	vst v63  }
0x97: {  	_ =	swait.ge [sflag:s16], $0x4000  }
0x98: {  	s1 =	simm.s32 $0x800;
	s31 =	simm.s32 $0x100;
	[sflag:s16] =	ssyncset.done $0x0  }
.LBB2_7:
0x99: {  	s10 =	sadd.s32 $0x1480, s31  }
0x9a: {  	[sflag:s16] =	ssyncadd.s32 $0xFFFFC000;
	s11 =	smov.u32 s1;
	s12 =	sadd.s32 $0x400, s1  }
0x9b: {  	[tilespmem:s20], [sflag:$0x2] =	stream.indirect.gather [hbm4b:s30+s19], $0x80, s10, s19, $0xb8;
	[tilespmem:$0x1E800] =	vst v63  }
0x9c: {  	p0 =	sne.s32 s1, $0x4800;
	_ =	swait.ge [sflag:s21], $0x4000  }
0x9d: {  	[sflag:s21] =	ssyncset.done $0x0  }
0x9e: {  	[sflag:s21] =	ssyncadd.s32 $0xFFFFC000  }
0x9f: {  	[spmem:s2] =	stream.indirect.scatter.add.f32 [tilespmem:s15], [sflag:$0x3], $0x80, s31, s19, $0xb8;
	[tilespmem:$0x1E800] =	vst v63  }
0xa0: {  	_ =	swait.ge [sflag:s16], $0x4000  }
0xa1: {  	[sflag:s16] =	ssyncset.done $0x0  }
0xa2: {  	s1 =	sadd.s32 $0x1500, s31;
	[sflag:s16] =	ssyncadd.s32 $0xFFFFC000  }
0xa3: {  	[tilespmem:s15], [sflag:$0x1] =	stream.indirect.gather [hbm4b:s30+s19], $0x80, s1, s19, $0xb8;
	[tilespmem:$0x1E800] =	vst v63  }
0xa4: {  	_ =	swait.ge [sflag:s22], $0x4000  }
.Ltmp2:
0xa5: {  	[sflag:s22] =	ssyncset.done $0x0;
	(pc) =	sbr.rel @p0 .LBB2_7-.Ltmp2, $4  }
0xa6: {  	s1 =	sadd.s32 $0x80, s31;
	[sflag:s22] =	ssyncadd.s32 $0xFFFFC000  }
0xa7: {  	[spmem:s2] =	stream.indirect.scatter.add.f32 [tilespmem:s20], [sflag:$0x3], $0x80, s1, s19, $0xb8;
	[tilespmem:$0x1E800] =	vst v63  }
0xa8: {  	_ =	swait.ge [sflag:s16], $0x4000  }
0xa9: {  	s31 =	sshra.s32 s11, $0x2;
	s1 =	smov.u32 s12;
	[sflag:s16] =	ssyncset.done $0x0  }
0xaa: {  	s1 =	sadd.s32 $0x1480, s31;
	[sflag:s16] =	ssyncadd.s32 $0xFFFFC000  }
0xab: {  	[tilespmem:s20], [sflag:$0x2] =	stream.indirect.gather [hbm4b:s30+s19], $0x80, s1, s19, $0xb8;
	[tilespmem:$0x1E800] =	vst v63  }
0xac: {  	_ =	swait.ge [sflag:s21], $0x4000  }
0xad: {  	[sflag:s21] =	ssyncset.done $0x0  }
0xae: {  	[sflag:s21] =	ssyncadd.s32 $0xFFFFC000  }
0xaf: {  	[spmem:s2] =	stream.indirect.scatter.add.f32 [tilespmem:s15], [sflag:$0x3], $0x80, s31, s19, $0xb8;
	[tilespmem:$0x1E800] =	vst v63  }
0xb0: {  	_ =	swait.ge [sflag:s16], $0x4000  }
0xb1: {  	[sflag:s16] =	ssyncset.done $0x0  }
0xb2: {  	s11 =	sadd.s32 $0x1500, s31;
	[sflag:s16] =	ssyncadd.s32 $0xFFFFC000  }
0xb3: {  	[tilespmem:s15], [sflag:$0x1] =	stream.indirect.gather [hbm4b:s30+s19], $0x80, s11, s19, $0xb8;
	[tilespmem:$0x1E800] =	vst v63  }
0xb4: {  	_ =	swait.ge [sflag:s22], $0x4000  }
0xb5: {  	[sflag:s22] =	ssyncset.done $0x0  }
0xb6: {  	s12 =	sadd.s32 $0x80, s31;
	[sflag:s22] =	ssyncadd.s32 $0xFFFFC000  }
0xb7: {  	[spmem:s2] =	stream.indirect.scatter.add.f32 [tilespmem:s20], [sflag:$0x3], $0x80, s12, s19, $0xb8;
	[tilespmem:$0x1E800] =	vst v63  }
0xb8: {  	_ =	swait.ge [sflag:s16], $0x4000  }
0xb9: {  	[sflag:s16] =	ssyncset.done $0x0  }
0xba: {  	[sflag:s16] =	ssyncadd.s32 $0xFFFFC000  }
0xbb: {  	[tilespmem:s20], [sflag:$0x2] =	stream.indirect.gather [hbm4b:s30+s19], $0x80, s23, s19, $0xb8;
	[tilespmem:$0x1E800] =	vst v63  }
0xbc: {  	_ =	swait.ge [sflag:s21], $0x4000  }
0xbd: {  	[sflag:s21] =	ssyncset.done $0x0  }
0xbe: {  	[sflag:s21] =	ssyncadd.s32 $0xFFFFC000  }
0xbf: {  	[spmem:s2] =	stream.indirect.scatter.add.f32 [tilespmem:s15], [sflag:$0x3], $0x80, s24, s19, $0xb8;
	[tilespmem:$0x1E800] =	vst v63  }
0xc0: {  	_ =	swait.ge [sflag:s16], $0x4000  }
0xc1: {  	[sflag:s16] =	ssyncset.done $0x0  }
0xc2: {  	[sflag:s16] =	ssyncadd.s32 $0xFFFFC000  }
0xc3: {  	_ =	swait.ge [sflag:s22], $0x4000  }
0xc4: {  	[sflag:s22] =	ssyncset.done $0x0  }
0xc5: {  	[sflag:s22] =	ssyncadd.s32 $0xFFFFC000  }
0xc6: {  	[spmem:s2] =	stream.indirect.scatter.add.f32 [tilespmem:s20], [sflag:$0x3], $0x80, s25, s19, $0xb8;
	[tilespmem:$0x1E800] =	vst v63  }
0xc7: {  	s10 =	sshll.u32 s0, $0x6;
	_ =	swait.ge [sflag:s16], $0x4000  }
0xc8: {  	s28 =	sadd.s32 $0x1, s28;
	s10 =	sor.u32 $0x1C03, s10;
	[sflag:s16] =	ssyncset.done $0x0  }
0xc9: {  	p0 =	sne.s32 s28, $0x8;
	s31 =	sadd.s32 s29, s8;
	[sflag:s16] =	ssyncadd.s32 $0xFFFFC000  }
0xca: {  	s1 =	sadd.s32 s9, s31;
	s11 =	sshrl.u32 s5, $0x3;
	[bflag:$0x0] =	sbarrier.arrive $0xFFFF  }
0xcb: {  	[hbm:s1], [sflag:s10] =	dma.local [spmem:s11], $0x2800  }
.Ltmp3:
0xcc: {  	_ =	swait.ge [sflag:s16], $0x2800;
	(pc) =	sbr.rel @p0 .LBB2_4-.Ltmp3, $3  }
0xcd: {  	[sflag:s16] =	ssyncset.done $0x0  }
0xce: {  	[sflag:s16] =	ssyncadd.s32 $0xFFFFD800  }
0xcf: {  	[bflag:$0x0] =	sbarrier.arrive $0xFFFF;
	_ =	sdelay $0x1  }
0xd0: {  	s3 =	sadd.s32 $0x1, s3;
	s1 =	rddreg [dreg:$0x3]  }
0xd1: {  	p0 =	sne.s32 s3, s1  }
.Ltmp4:
0xd2: {  	_ = 	snop;
	(pc) =	sbr.rel @p0 .LBB2_1-.Ltmp4, $1  }
0xd3: {  	_ =	sdelay $0x3  }
0xd4: {  	_ =	sfence.sel $0x180000  }
0xd5: {  	[bflag:$0x0] =	sbarrier.arrive $0xFFFF  }
0xd6: {  	_ =	strace $0x90000050  }
0xd7: {  	[bflag:$0x2] =	sbarrier.arrive $0xFFFF  }
0xd8: {  	p0 =	sne.s32 s0, $0x0;
	s0 =	rddreg [dreg:$0x2]  }
0xd9: {  	s0 =	sadd.s32 @!p0 $0x100000, s0  }
0xda: {  	[sflag:s0] =	ssyncadd.tile.s32 @!p0 $0x1;
	_ =	shalt  }
.Lfunc_end2:
_tile_overlayer_lowered:
.L_overlay_start_2:
0xdb: {  	(tag) =	ssettag $0x2  }
0xdc: {  	s0 =	rddreg [dreg:$0x0];
	s2 =	stileid.u32  }
0xdd: {  	s1 =	rddreg [dreg:$0x1];
	p0 =	sne.s32 s2, $0x0  }
0xde: {  	s3 =	rddreg [dreg:$0x2];
	[bflag:$0x3] =	sbarrier.arrive $0xFFFF;
	s2 =	simm.s32 @!p0 $0x1C03  }
0xdf: {  	[timem:s3], [sflag:s2] =	dma.local @!p0 [hbm:s0], s1  }
0xe0: {  	s0 =	simm.s32 @!p0 $0x3  }
0xe1: {  	_ =	swait.ge @!p0 [sflag:s0], s1  }
0xe2: {  	s1 =	ssub.s32 @!p0 $0x0, s1;
	[sflag:s0] =	ssyncset.done @!p0 $0x0  }
0xe3: {  	[sflag:s0] =	ssyncadd.s32 @!p0 s1  }
0xe4: {  	[bflag:$0x3] =	sbarrier.arrive $0xFFFF  }
0xe5: {  	_ =	shalt  }

// kernel: kernel.9.cloned.1.call-start
scs
__scs_entry_jumppad:
0x0: {  	(pc) =	sbr.rel $0x88, $3  }
0x1: {  	(tag) =	ssettag $0x0;
	lr =	simm.s32 $0x1  }
0x2: {  	[smem:$0x3F9B] =	sst lr;
	_ =	strace $0xD0000000  }
0x3: {  	_ = 	snop  }
0x4: {  	_ = 	snop  }
0x5: {  	_ = 	snop  }
0x6: {  	_ = 	snop  }
0x7: {  	_ = 	snop  }
__scs_overlays_trampoline_lowered:
0x8: {  	[smem:$0x3FAA] =	sst s0  }
0x9: {  	[smem:$0x3FAB] =	sst s1  }
0xa: {  	[smem:$0x3FAC] =	sst s2  }
0xb: {  	[smem:$0x3FAD] =	sst s3  }
0xc: {  	[smem:$0x3FAE] =	sst s4  }
0xd: {  	[smem:$0x3FAF] =	sst s5  }
0xe: {  	[smem:$0x3FB0] =	sst s6  }
0xf: {  	[smem:$0x3FB1] =	sst s7  }
0x10: {  	[smem:$0x3FB2] =	sst s8  }
0x11: {  	[smem:$0x3FB3] =	sst s9;
	s0 =	simm.s32 @!p0 $0x0  }
0x12: {  	s1 =	sld [smem:$0x3F99];
	s0 =	simm.s32 @p0 $0x1  }
0x13: {  	[smem:$0x3FB4] =	sst s0;
	s0 =	simm.s32 @!p1 $0x0  }
0x14: {  	s2 =	sld [smem:$0x3F98];
	s0 =	simm.s32 @p1 $0x1  }
0x15: {  	[smem:$0x3FB5] =	sst s0;
	s0 =	simm.s32 @!p2 $0x0  }
0x16: {  	s3 =	sld [smem:$0x3FDB];
	s0 =	simm.s32 @p2 $0x1  }
0x17: {  	s4 =	simm.s32 $0x1BF5;
	[smem:$0x3FB7] =	sst s0  }
0x18: {  	s0 =	sld [smem:$0x3F9A];
	_ =	swait.ge [sflag:s4], $0x0  }
0x19: {  	s7 =	sld [smem:$0x3F9B]  }
0x1a: {  	s8 =	sadd.s32 $0xFFFFE003, lr  }
0x1b: {  	s9 =	sadd.s32 $0xFFFFFEF7, lr;
	s5 =	simm.s32 $0xFFFFFFFF;
	p2 =	slt.u32 s8, $0xFFFFF086  }
0x1c: {  	p1 =	slt.u32 s9, $0xF7A;
	s5 =	simm.s32 @!p2 $0x0  }
0x1d: {  	s5 =	simm.s32 @p1 $0x1;
	p0 =	seq.s32 s7, s2  }
0x1e: {  	s7 =	smul.u32 @!p0 $0xF7A, s2;
	p2 =	seq.s32 @!p0 s5, $0x0  }
0x1f: {  	s9 =	smul.u32 $0xF7A, s1;
	s8 =	simm.s32 @!p0 $0x1BF5;
	p2 =	por !p2, p0  }
0x20: {  	[sflag:s8] =	ssyncset.s32 @!p0 $0xFFFFF086;
	s6 =	sadd.s32 @!p0 s3, s7;
	s7 =	simm.s32 @!p0 $0x108  }
0x21: {  	s3 =	sadd.s32 s3, s9;
	s6 =	sadd.s32 @!p0 $0x88, s6;
	s7 =	simm.s32 @p2 $0x1082  }
0x22: {  	[simem:s7], [sflag:s8] =	dma.local @!p0 [hbm:s6], $0xF7A  }
0x23: {  	s9 =	sor.u32 $0xD0000000, s2;
	s6 =	simm.s32 $0x108;
	_ =	swait.ge @!p0 [sflag:s8], $0x0  }
0x24: {  	s3 =	sadd.s32 $0x88, s3;
	s6 =	simm.s32 @!p1 $0x1082;
	[sflag:s4] =	ssyncset.s32 $0xFFFFF086  }
0x25: {  	[simem:s6], [sflag:s4] =	dma.local [hbm:s3], $0xF7A  }
0x26: {  	[smem:$0x3F9B] =	sst s1;
	(tag) =	ssettag s2;
	_ =	strace s9  }
0x27: {  	s1 =	sld [smem:$0x3FAB]  }
0x28: {  	s2 =	sld [smem:$0x3FAC]  }
0x29: {  	s4 =	sld [smem:$0x3FAE]  }
0x2a: {  	p0 =	seq.s32 s5, $0x0;
	s5 =	sld [smem:$0x3FAF]  }
0x2b: {  	s6 =	sld [smem:$0x3FB0]  }
0x2c: {  	s7 =	sld [smem:$0x3FB1]  }
0x2d: {  	s3 =	simm.s32 $0x108;
	s8 =	sld [smem:$0x3FB2]  }
0x2e: {  	s3 =	simm.s32 @!p0 $0x1082;
	s9 =	sld [smem:$0x3FB3]  }
0x2f: {  	lr =	sadd.s32 s0, s3;
	s0 =	sld [smem:$0x3FAA]  }
0x30: {  	s3 =	sld [smem:$0x3FAD]  }
0x31: {  	[smem:$0x3FB6] =	sst s10  }
0x32: {  	s10 =	sld [smem:$0x3FB4];
	_ =	sdelay $0x3  }
0x33: {  	p0 =	seq.s32 s10, $0x1;
	s10 =	sld [smem:$0x3FB6];
	_ =	sdelay $0x3  }
0x34: {  	[smem:$0x3FB6] =	sst s10  }
0x35: {  	s10 =	sld [smem:$0x3FB5];
	_ =	sdelay $0x3  }
0x36: {  	p1 =	seq.s32 s10, $0x1;
	s10 =	sld [smem:$0x3FB6];
	_ =	sdelay $0x3  }
0x37: {  	[smem:$0x3FB6] =	sst s10  }
0x38: {  	s10 =	sld [smem:$0x3FB7]  }
0x39: {  	_ = 	snop;
	(pc) =	sbr.ind lr, $3  }
0x3a: {  	_ = 	snop  }
0x3b: {  	_ = 	snop  }
0x3c: {  	p2 =	seq.s32 s10, $0x1;
	s10 =	sld [smem:$0x3FB6]  }
0x3d: {  	_ =	shalt  }
0x3e: {  	_ =	shalt  }
0x3f: {  	_ =	shalt  }
0x40: {  	_ =	shalt  }
0x41: {  	_ =	shalt  }
0x42: {  	_ =	shalt  }
0x43: {  	_ =	shalt  }
0x44: {  	_ =	shalt  }
0x45: {  	_ =	shalt  }
0x46: {  	_ =	shalt  }
0x47: {  	_ =	shalt  }
0x48: {  	_ =	shalt  }
0x49: {  	_ =	shalt  }
0x4a: {  	_ =	shalt  }
0x4b: {  	_ =	shalt  }
0x4c: {  	_ =	shalt  }
0x4d: {  	_ =	shalt  }
0x4e: {  	_ =	shalt  }
0x4f: {  	_ =	shalt  }
0x50: {  	_ =	shalt  }
0x51: {  	_ =	shalt  }
0x52: {  	_ =	shalt  }
0x53: {  	_ =	shalt  }
0x54: {  	_ =	shalt  }
0x55: {  	_ =	shalt  }
0x56: {  	_ =	shalt  }
0x57: {  	_ =	shalt  }
0x58: {  	_ =	shalt  }
0x59: {  	_ =	shalt  }
0x5a: {  	_ =	shalt  }
0x5b: {  	_ =	shalt  }
0x5c: {  	_ =	shalt  }
0x5d: {  	_ =	shalt  }
0x5e: {  	_ =	shalt  }
0x5f: {  	_ =	shalt  }
0x60: {  	_ =	shalt  }
0x61: {  	_ =	shalt  }
0x62: {  	_ =	shalt  }
0x63: {  	_ =	shalt  }
0x64: {  	_ =	shalt  }
0x65: {  	_ =	shalt  }
0x66: {  	_ =	shalt  }
0x67: {  	_ =	shalt  }
0x68: {  	_ =	shalt  }
0x69: {  	_ =	shalt  }
0x6a: {  	_ =	shalt  }
0x6b: {  	_ =	shalt  }
0x6c: {  	_ =	shalt  }
0x6d: {  	_ =	shalt  }
0x6e: {  	_ =	shalt  }
0x6f: {  	_ =	shalt  }
0x70: {  	_ =	shalt  }
0x71: {  	_ =	shalt  }
0x72: {  	_ =	shalt  }
0x73: {  	_ =	shalt  }
0x74: {  	_ =	shalt  }
0x75: {  	_ =	shalt  }
0x76: {  	_ =	shalt  }
0x77: {  	_ =	shalt  }
0x78: {  	_ =	shalt  }
0x79: {  	_ =	shalt  }
0x7a: {  	_ =	shalt  }
0x7b: {  	_ =	shalt  }
0x7c: {  	_ =	shalt  }
0x7d: {  	_ =	shalt  }
0x7e: {  	_ =	shalt  }
0x7f: {  	_ =	shalt  }
0x80: {  	_ =	shalt  }
0x81: {  	_ =	shalt  }
0x82: {  	_ =	shalt  }
0x83: {  	_ =	shalt  }
0x84: {  	_ =	shalt  }
0x85: {  	_ =	shalt  }
0x86: {  	_ =	shalt  }
0x87: {  	_ =	shalt  }
.Lfunc_end0:
.L_simem_size_0:
called_computation_lowered:
.L_overlay_start_0:
0x88: {  	s2 =	sld [smem:$0x3FD9]  }
0x89: {  	s3 =	sld [smem:$0x3FFE];
	_ =	sdelay $0x1  }
0x8a: {  	s1 =	srdreg.scid  }
0x8b: {  	s0 =	sand.u32 $0x1, s1  }
0x8c: {  	s17 =	sshll.u32 s0, $0xA;
	s2 =	sadd.s32 s3, s2  }
0x8d: {  	s2 =	sadd.s32 s2, s17  }
0x8e: {  	[smem:$0x3FC2] =	sst s2  }
0x8f: {  	_ = 	snop  }
0x90: {  	s2 =	sld [smem:$0x3FD0];
	(tm) =	ssettm $0x1  }
0x91: {  	s18 =	sld [smem:$0x3FFB];
	_ =	sdelay $0x3  }
0x92: {  	_ =	strace s18  }
0x93: {  	s3 =	sld [smem:$0x3FFC];
	_ =	sdelay $0x3  }
0x94: {  	_ =	strace s3  }
0x95: {  	s3 =	sld [smem:$0x3FFD];
	_ =	sdelay $0x3  }
0x96: {  	_ =	strace s3  }
0x97: {  	_ =	strace $0x8FFFFFFF  }
0x98: {  	s19 =	sld [smem:$0x3FDB];
	_ =	sdelay $0x1  }
0x99: {  	s4 =	simm.s32 $_scs_section_size  }
0x9a: {  	s5 =	simm.s32 $_size__tile_overlayer_lowered;
	s6 =	simm.s32 $_tile_overlayer_lowered  }
0x9b: {  	s22 =	simm.s32 $0x1BFF;
	s21 =	sshll.u32 s6, $0x1;
	s3 =	sadd.s32 s4, s19  }
0x9c: {  	s7 =	simm.s32 $0x0;
	s20 =	sshll.u32 s5, $0x1;
	s5 =	sadd.s32 s21, s3  }
0x9d: {  	[timem:s7], [sflag:s22] =	dma.local [hbm:s5], s20  }
0x9e: {  	_ =	swait.ge [sflag:s22], s20  }
0x9f: {  	s4 =	ssub.s32 $0x0, s20;
	[sflag:s22] =	ssyncset.done $0x0  }
0xa0: {  	[sflag:s22] =	ssyncadd.s32 s4;
	_ =	sdelay $0x1  }
0xa1: {  	s23 =	simm.s32 $0x1B8B  }
0xa2: {  	_ =	swait.ge [sflag:s23], $0x1  }
0xa3: {  	[sflag:s23] =	ssyncset.done $0x0  }
0xa4: {  	s25 =	simm.s32 $0x1B8E;
	s24 =	sld [smem:$0x3FFE];
	[sflag:s23] =	ssyncadd.s32 $0xFFFFFFFF  }
0xa5: {  	s26 =	simm.s32 $execute0_lowered;
	[smem:$0x3FD2] =	sst s25  }
0xa6: {  	s5 =	sshll.u32 s26, $0x1;
	_ =	strace $0x80000046;
	[dreg:$0x1] =	wrdreg $0xFFFFFFFF  }
0xa7: {  	s28 =	simm.s32 $_size_execute0_lowered;
	s3 =	sadd.s32 s3, s5;
	[dreg:$0x0] =	wrdreg $0x0  }
0xa8: {  	s5 =	sshll.u32 s28, $0x1;
	[dreg:$0x2] =	wrdreg s3  }
0xa9: {  	[dreg:$0x3] =	wrdreg s5  }
0xaa: {  	[dreg:$0x4] =	wrdreg $0xC0  }
0xab: {  	_ =	task [dreg:s7], $0x5FFFF  }
0xac: {  	[dreg:$0x1] =	wrdreg $0xFFFFFFFF  }
0xad: {  	[dreg:$0x0] =	wrdreg $0x60  }
0xae: {  	[dreg:$0x2] =	wrdreg s24  }
0xaf: {  	[dreg:$0x3] =	wrdreg s2  }
0xb0: {  	[dreg:$0x4] =	wrdreg $0x9  }
0xb1: {  	_ =	task.clear_ibuf [dreg:s7], $0x5FFFF;
	_ =	strace $0x90000046  }
0xb2: {  	s29 =	simm.s32 $0x9;
	_ =	strace $0x80000048  }
0xb3: {  	_ =	swait.ge [sflag:s29], $0x1  }
0xb4: {  	[sflag:s29] =	ssyncadd.s32 $0xFFFFFFFF  }
0xb5: {  	_ =	strace $0x90000048  }
0xb6: {  	_ =	sfence  }
0xb7: {  	s30 =	sld [smem:$0x0];
	_ =	sdelay $0x2  }
0xb8: {  	s31 =	sshll.u32 s1, $0xD;
	s1 =	sshrl.u32 s1, $0x2  }
0xb9: {  	s3 =	sand.u32 $0x4000, s31;
	s1 =	sadd.s32 s1, s30  }
0xba: {  	s0 =	sor.u32 s3, s0;
	s1 =	sshll.u32 s1, $0x11  }
0xbb: {  	s0 =	sor.u32 s1, s0  }
0xbc: {  	s0 =	sadd.s32 $0x8F2B, s0  }
0xbd: {  	[sflag:s0] =	ssyncadd.remote.s32 $0x1  }
0xbe: {  	_ =	sfence.sel $0xFFFF  }
0xbf: {  	[dreg:$0x0] =	wrdreg $0xFFFFFFFF;
	(pc) =	sbr.abs _section_cstart, $3  }
0xc0: {  	[dreg:$0x1] =	wrdreg $0xFFFFFFFF  }
0xc1: {  	_ =	task.clear_ibuf [dreg:s7], $0x2FFFF;
	_ =	strace $0x9FFFFFFF  }
0xc2: {  	(tm) =	ssettm $0x7FFFFFFF  }
0xc3: {  	_ =	shalt  }
tec
execute0_lowered:
.L_overlay_start_1:
0x0: {  	(tag) =	ssettag $0x1  }
0x1: {  	s0 =	srdreg.scid  }
0x2: {  	s4 =	rddreg [dreg:$0x0];
	s3 =	sand.u32 $0x1, s0  }
0x3: {  	s5 =	rddreg [dreg:$0x1];
	s0 =	stileid.u32;
	s1 =	sshll.u32 s3, $0x4  }
0x4: {  	s2 =	simm.s32 $0x0;
	s9 =	simm.s32 $0x400;
	s6 =	sor.u32 s0, s1  }
0x5: {  	s10 =	simm.s32 $0x0;
	[smem:$0x7FF] =	sst s2;
	s7 =	sshrl.u32 s6, $0x3  }
0x6: {  	s8 =	sshll.u32 s0, $0x7;
	s3 =	ssub.s32 $0x2, s3;
	s7 =	smul.u32 $0x14000, s7  }
0x7: {  	s1 =	rddreg [dreg:$0x2];
	_ =	strace $0x80000047;
	s8 =	sand.u32 $0x380, s8  }
0x8: {  	s31 =	sshrl.u32 s3, $0x1;
	s6 =	sshll.u32 s6, $0xB;
	s7 =	sor.u32 s8, s7  }
0x9: {  	s4 =	sadd.s32 s6, s4;
	s6 =	ssub.s32 s3, s31;
	s7 =	sshrl.u32 s7, $0x3  }
0xa: {  	s3 =	sadd.s32 $0x1E00, s4;
	s8 =	simm.s32 $0x80;
	s4 =	sadd.s32 s5, s7  }
0xb: {  	v0 =	vimm.f32 $0.0e+00;
	v1 =	vimm.f32 $1.000000000e+00;
	s5 =	smax.u32 s6, $0x1;
	s6 =	simm.s32 $0x1;
	s7 =	simm.s32 $0x4000  }
.LBB2_1:
0xc: {  	[tilespmem:s2], [sflag:$0x1] =	stream.linear.gather [hbm4b:s3+s2], $0x3E80, $0x38;
	[tilespmem:$0x6800] =	vst v63  }
0xd: {  	_ =	swait.ge [sflag:s6], $0x3E80  }
0xe: {  	[sflag:s6] =	ssyncset.done $0x0  }
0xf: {  	s11 =	simm.s32 $0x0;
	[sflag:s6] =	ssyncadd.s32 $0xFFFFC180  }
.LBB2_2:
0x10: {  	p0 =	sne.s32 s11, $0x9FC0  }
.Ltmp0:
0x11: {  	_ = 	snop;
	(pc) =	sbr.rel @p0 .LBB2_2-.Ltmp0, $3  }
0x12: {  	_ =	sdelay $0x1  }
0x13: {  	s12 =	sshra.s32 s11, $0x2  }
0x14: {  	s11 =	sadd.s32 $0x40, s11;
	[tilespmem:s12+$0x4000] =	vst v0  }
0x15: {  	s11 =	simm.s32 $0x100  }
.LBB2_4:
0x16: {  	s12 =	sshra.s32 s11, $0x2  }
0x17: {  	v2 =	vld [tilespmem:s12+$0xFFFFFFC0];
	_ =	sdelay $0x7  }
0x18: {  	[tilespmem:v2+s7+$0x0] =	vst.idx.add.f32.msk $0xffff, v1  }
0x19: {  	v2 =	vld [tilespmem:s12+$0xFFFFFFD0];
	_ =	sdelay $0x7  }
0x1a: {  	[tilespmem:v2+s7+$0x0] =	vst.idx.add.f32.msk $0xffff, v1  }
0x1b: {  	v2 =	vld [tilespmem:s12+$0xFFFFFFE0];
	_ =	sdelay $0x7  }
0x1c: {  	[tilespmem:v2+s7+$0x0] =	vst.idx.add.f32.msk $0xffff, v1  }
0x1d: {  	v2 =	vld [tilespmem:s12+$0xFFFFFFF0];
	_ =	sdelay $0x7  }
0x1e: {  	[tilespmem:v2+s7+$0x0] =	vst.idx.add.f32.msk $0xffff, v1  }
0x1f: {  	v2 =	vld [tilespmem:s12+$0x0];
	_ =	sdelay $0x2  }
0x20: {  	p0 =	sne.s32 s11, $0xF900  }
.Ltmp1:
0x21: {  	_ = 	snop;
	(pc) =	sbr.rel @p0 .LBB2_4-.Ltmp1, $2  }
0x22: {  	_ =	sdelay $0x2  }
0x23: {  	s11 =	sadd.s32 $0x200, s11;
	[tilespmem:v2+s7+$0x0] =	vst.idx.add.f32.msk $0xffff, v1  }
0x24: {  	s10 =	sadd.s32 $0x1, s10  }
0x25: {  	p0 =	sne.s32 s10, s5  }
.Ltmp2:
0x26: {  	_ = 	snop;
	(pc) =	sbr.rel @p0 .LBB2_1-.Ltmp2, $4  }
0x27: {  	[hbm4b:s4+s8] =	stream.strided.scatter [tilespmem:s7], [sflag:$0x1], $0x2800, s9, s8, $0x38;
	[tilespmem:$0x6800] =	vst v63  }
0x28: {  	_ =	swait.ge [sflag:s6], $0x2800  }
0x29: {  	[sflag:s6] =	ssyncset.done $0x0  }
0x2a: {  	[sflag:s6] =	ssyncadd.s32 $0xFFFFD800  }
0x2b: {  	_ =	sfence.sel $0x180000  }
0x2c: {  	[bflag:$0x0] =	sbarrier.arrive $0xFFFF  }
0x2d: {  	p0 =	sne.s32 s0, $0x0;
	_ =	strace $0x90000047  }
0x2e: {  	s0 =	sadd.s32 @!p0 $0x100000, s1;
	[bflag:$0x2] =	sbarrier.arrive $0xFFFF  }
0x2f: {  	[sflag:s0] =	ssyncadd.tile.s32 @!p0 $0x1;
	_ =	shalt  }
.Lfunc_end2:
_tile_overlayer_lowered:
.L_overlay_start_2:
0x30: {  	(tag) =	ssettag $0x2  }
0x31: {  	s0 =	rddreg [dreg:$0x0];
	s2 =	stileid.u32  }
0x32: {  	s1 =	rddreg [dreg:$0x1];
	p0 =	sne.s32 s2, $0x0  }
0x33: {  	s3 =	rddreg [dreg:$0x2];
	[bflag:$0x3] =	sbarrier.arrive $0xFFFF;
	s2 =	simm.s32 @!p0 $0x1C01  }
0x34: {  	[timem:s3], [sflag:s2] =	dma.local @!p0 [hbm:s0], s1  }
0x35: {  	s0 =	simm.s32 @!p0 $0x1  }
0x36: {  	_ =	swait.ge @!p0 [sflag:s0], s1  }
0x37: {  	s1 =	ssub.s32 @!p0 $0x0, s1;
	[sflag:s0] =	ssyncset.done @!p0 $0x0  }
0x38: {  	[sflag:s0] =	ssyncadd.s32 @!p0 s1  }
0x39: {  	[bflag:$0x3] =	sbarrier.arrive $0xFFFF  }
0x3a: {  	_ =	shalt  }

</sc_bundles>
